<compile_context>
chip_gen: v7x
topology: tpu7x:2x2x1
jax: 0.10.2.dev20260603
libtpu: 0.0.44.dev20260713+nightly
codegen_flags: <defaults>
</compile_context>

<pallas_src>
import functools

import jax
import jax.numpy as jnp
from jax import lax
from jax.experimental import pallas as pl
from jax.experimental.pallas import tpu as pltpu
from jax.experimental.pallas import tpu_sc as plsc

NC = 2
NS = 16
NW = NC * NS
LB = 256


@functools.lru_cache(maxsize=None)
def _build(N, D, E):
    DP = 128
    HW = DP // NC
    NP = ((N // 128) + 1) * 128
    DUMMY = N
    RPS = NP // NS
    KB = 4
    EPG = KB * LB
    NG = -(-E // (NS * EPG))
    NG = NG + (NG % 2)
    EW = NG * EPG
    EP = EW * NS
    KED = EP // (NW * LB)
    DW = 16

    mesh = plsc.VectorSubcoreMesh(
        core_axis_name="c", subcore_axis_name="s", num_cores=NC, num_subcores=NS
    )

    def _deg_body(dst_hbm, z8_hbm, ones_hbm, out_hbm, dst_v, ones_v, acc):
        c = lax.axis_index("c")
        s = lax.axis_index("s")
        wid = s * NC + c
        pltpu.sync_copy(z8_hbm.at[pl.ds(s * RPS, RPS)], acc.at[pl.ds(s * RPS, RPS)])
        pltpu.sync_copy(ones_hbm, ones_v)
        plsc.subcore_barrier()

        @pl.loop(0, KED)
        def _(j):
            pltpu.sync_copy(dst_hbm.at[wid, j], dst_v.at[0])
            pltpu.sync_copy(ones_v, acc.at[dst_v.at[0]], add=True)

        plsc.subcore_barrier()
        pltpu.sync_copy(acc.at[pl.ds(s * RPS, RPS)], out_hbm.at[c, pl.ds(s * RPS, RPS)])

    deg_call = pl.kernel(
        _deg_body,
        out_type=jax.ShapeDtypeStruct((NC, NP, DW), jnp.float32),
        mesh=mesh,
        scratch_types=[
            pltpu.VMEM((1, LB), jnp.int32),
            pltpu.VMEM((LB, DW), jnp.float32),
            pltpu.VMEM_SHARED((NP, DW), jnp.float32),
        ],
        compiler_params=pltpu.CompilerParams(use_tc_tiling_on_sc=False),
    )

    def _prop_body(hpc_hbm, src_hbm, dst_hbm, z_hbm, out_hbm, srcv, dstv, rows,
                   gsem0, gsem1, ssem0, ssem1, isem, table, acc):
        c = lax.axis_index("c")
        s = lax.axis_index("s")
        gsem = (gsem0, gsem1)
        ssem = (ssem0, ssem1)
        pltpu.sync_copy(z_hbm.at[pl.ds(s * RPS, RPS)], acc.at[pl.ds(s * RPS, RPS)])
        pltpu.sync_copy(hpc_hbm.at[c, pl.ds(s * RPS, RPS)], table.at[pl.ds(s * RPS, RPS)])
        plsc.subcore_barrier()

        pltpu.sync_copy(src_hbm.at[s, 0], srcv.at[0])
        pltpu.sync_copy(dst_hbm.at[s, 0], dstv.at[0])
        pltpu.async_copy(table.at[srcv.at[0, 0]], rows.at[0], gsem0)

        def wait_scat(h, b):
            pltpu.make_async_copy(rows.at[b % 2], acc.at[dstv.at[h, b]],
                                  ssem[b % 2]).wait()

        @pl.loop(0, NG // 2)
        def _(t):
            for h in (0, 1):
                g = 2 * t + h

                @pl.when(g + 1 < NG)
                def _():
                    pltpu.async_copy(src_hbm.at[s, g + 1], srcv.at[1 - h], isem)
                    pltpu.async_copy(dst_hbm.at[s, g + 1], dstv.at[1 - h], isem)

                for b in range(KB):
                    r = b % 2
                    pltpu.make_async_copy(table.at[srcv.at[h, b]],
                                          rows.at[r], gsem[r]).wait()
                    pltpu.async_copy(rows.at[r], acc.at[dstv.at[h, b]],
                                     ssem[r], add=True)
                    if b + 1 < KB:
                        if h == 0 and b == 0:
                            @pl.when(t > 0)
                            def _():
                                wait_scat(1, KB - 1)
                        else:
                            wait_scat(h, b - 1) if b > 0 else wait_scat(1 - h, KB - 1)
                        pltpu.async_copy(table.at[srcv.at[h, b + 1]],
                                         rows.at[1 - r], gsem[1 - r])
                    else:
                        @pl.when(g + 1 < NG)
                        def _():
                            pltpu.make_async_copy(
                                src_hbm.at[s, g + 1], srcv.at[1 - h], isem).wait()
                            pltpu.make_async_copy(
                                dst_hbm.at[s, g + 1], dstv.at[1 - h], isem).wait()
                            wait_scat(h, b - 1)
                            pltpu.async_copy(table.at[srcv.at[1 - h, 0]],
                                             rows.at[1 - r], gsem[1 - r])

        wait_scat(1, KB - 2)
        wait_scat(1, KB - 1)
        plsc.subcore_barrier()
        pltpu.sync_copy(acc.at[pl.ds(s * RPS, RPS)], out_hbm.at[c, pl.ds(s * RPS, RPS)])

    prop_call = pl.kernel(
        _prop_body,
        out_type=jax.ShapeDtypeStruct((NC, NP, HW), jnp.float32),
        mesh=mesh,
        scratch_types=[
            pltpu.VMEM((2, KB, LB), jnp.int32),
            pltpu.VMEM((2, KB, LB), jnp.int32),
            pltpu.VMEM((2, LB, HW), jnp.float32),
            pltpu.SemaphoreType.DMA,
            pltpu.SemaphoreType.DMA,
            pltpu.SemaphoreType.DMA,
            pltpu.SemaphoreType.DMA,
            pltpu.SemaphoreType.DMA,
            pltpu.VMEM_SHARED((NP, HW), jnp.float32),
            pltpu.VMEM_SHARED((NP, HW), jnp.float32),
        ],
        compiler_params=pltpu.CompilerParams(use_tc_tiling_on_sc=False),
    )

    GB = 8
    BR = NP // GB
    row_spec = pl.BlockSpec((BR, DP), lambda i: (i, 0))
    deg_spec = pl.BlockSpec((NC, BR, DW), lambda i: (0, i, 0))
    acc_spec = pl.BlockSpec((NC, BR, HW), lambda i: (0, i, 0))
    half_spec = pl.BlockSpec((NC, BR, HW), lambda i: (0, i, 0))
    w_spec = pl.BlockSpec((DP, DP), lambda i: (0, 0))
    b_spec = pl.BlockSpec((1, DP), lambda i: (0, 0))

    def _dinv(degp_ref):
        deg = degp_ref[0][:, 0:1] + degp_ref[1][:, 0:1] + 1.0
        return lax.rsqrt(deg)

    def _split(h, outc_ref):
        outc_ref[0] = h[:, :HW]
        outc_ref[1] = h[:, HW:]

    def _tc1_body(xp_ref, w_ref, degp_ref, out_ref, outc_ref):
        h = jnp.dot(xp_ref[...], w_ref[...], preferred_element_type=jnp.float32,
                    precision=lax.Precision.HIGHEST)
        h = h * _dinv(degp_ref)
        out_ref[...] = h
        _split(h, outc_ref)

    tc1_call = pl.pallas_call(
        _tc1_body,
        grid=(GB,),
        in_specs=[row_spec, w_spec, deg_spec],
        out_specs=[row_spec, half_spec],
        out_shape=[jax.ShapeDtypeStruct((NP, DP), jnp.float32),
                   jax.ShapeDtypeStruct((NC, NP, HW), jnp.float32)],
    )

    def _tc2_body(acc_ref, hp_ref, degp_ref, b_ref, w_ref, out_ref, outc_ref):
        dinv = _dinv(degp_ref)
        srow = jnp.concatenate([acc_ref[0], acc_ref[1]], axis=1) + hp_ref[...]
        pre = srow * dinv + b_ref[...]
        h2 = jnp.maximum(pre, 0.0)
        h = jnp.dot(h2, w_ref[...], preferred_element_type=jnp.float32,
                    precision=lax.Precision.HIGHEST) * dinv
        out_ref[...] = h
        _split(h, outc_ref)

    tc2_call = pl.pallas_call(
        _tc2_body,
        grid=(GB,),
        in_specs=[acc_spec, row_spec, deg_spec, b_spec, w_spec],
        out_specs=[row_spec, half_spec],
        out_shape=[jax.ShapeDtypeStruct((NP, DP), jnp.float32),
                   jax.ShapeDtypeStruct((NC, NP, HW), jnp.float32)],
    )

    def _tc3_body(acc_ref, hp_ref, degp_ref, b_ref, out_ref):
        dinv = _dinv(degp_ref)
        srow = jnp.concatenate([acc_ref[0], acc_ref[1]], axis=1) + hp_ref[...]
        o = srow * dinv + b_ref[...]
        col = lax.broadcasted_iota(jnp.int32, (BR, DP), 1)
        om = jnp.where(col < D, o, -jnp.inf)
        m = jnp.max(om, axis=1, keepdims=True)
        lse = jnp.log(jnp.sum(jnp.exp(om - m), axis=1, keepdims=True)) + m
        out_ref[...] = o - lse

    tc3_call = pl.pallas_call(
        _tc3_body,
        grid=(GB,),
        in_specs=[acc_spec, row_spec, deg_spec, b_spec],
        out_specs=row_spec,
        out_shape=jax.ShapeDtypeStruct((NP, DP), jnp.float32),
    )

    @jax.jit
    def run(x, edge_index, W1, b1, W2, b2):
        f32 = jnp.float32
        xp = jnp.pad(x.astype(f32), ((0, NP - N), (0, DP - D)))
        W1p = jnp.pad(W1.astype(f32), ((0, DP - D), (0, DP - D)))
        W2p = jnp.pad(W2.astype(f32), ((0, DP - D), (0, DP - D)))
        b1p = jnp.pad(b1.astype(f32), (0, DP - D)).reshape(1, DP)
        b2p = jnp.pad(b2.astype(f32), (0, DP - D)).reshape(1, DP)
        ei = edge_index.astype(jnp.int32)
        srcG = jnp.pad(ei[0], (0, EP - E), constant_values=DUMMY).reshape(NS, NG, KB, LB)
        dstG = jnp.pad(ei[1], (0, EP - E), constant_values=DUMMY).reshape(NS, NG, KB, LB)
        dst3 = dstG.reshape(NW, KED, LB)
        z64 = jnp.zeros((NP, HW), f32)
        ones16 = jnp.ones((LB, DW), f32)
        z16 = jnp.zeros((NP, DW), f32)

        degp = deg_call(dst3, z16, ones16)
        h1p, hpc1 = tc1_call(xp, W1p, degp)
        acc1 = prop_call(hpc1, srcG, dstG, z64)
        h2p, hpc2 = tc2_call(acc1, h1p, degp, b1p, W2p)
        acc2 = prop_call(hpc2, srcG, dstG, z64)
        outp = tc3_call(acc2, h2p, degp, b2p)
        return outp[:N, :D]

    return run


def kernel(x, edge_index, W1, b1, W2, b2):
    run = _build(x.shape[0], x.shape[1], edge_index.shape[1])
    return run(x, edge_index, W1, b1, W2, b2)

# --- scband reference (transcript-rebuilt; emitter-appended) ---
"""Pipeline reference for scband-gcn-17411797418393 (READ-ONLY COPY).

The authoritative reference and input builder live on the scoring server;
editing this copy changes nothing except your own understanding.
"""

import jax, jax.numpy as jnp
import numpy as np

N_NODES = 10000
D = 125
N_EDGES = 640000


def gcn_conv(x, edge_index, W, b):
    N = x.shape[0]
    loop = jnp.arange(N, dtype=edge_index.dtype)
    src = jnp.concatenate([edge_index[0], loop])
    dst = jnp.concatenate([edge_index[1], loop])
    # linear transform
    h = x @ W
    # symmetric normalization with self-loops (PyG GCNConv default)
    deg = jnp.zeros((N,), dtype=h.dtype).at[dst].add(1.0)
    dinv = deg ** -0.5
    dinv = jnp.where(jnp.isinf(dinv), 0.0, dinv)
    norm = dinv[src] * dinv[dst]
    msgs = h[src] * norm[:, None]
    out = jnp.zeros_like(h).at[dst].add(msgs)
    return out + b


def setup_inputs(seed: int = 0) -> dict:
    key = jax.random.key(seed)
    k1, k2, k3, k4 = jax.random.split(key, 4)
    x = jax.random.normal(k1, (N_NODES, D), dtype=jnp.float32)
    edge_index = jax.random.randint(k2, (2, N_EDGES), 0, N_NODES, dtype=jnp.int64)
    glorot = (6.0 / (D + D)) ** 0.5
    W1 = jax.random.uniform(k3, (D, D), dtype=jnp.float32, minval=-glorot, maxval=glorot)
    W2 = jax.random.uniform(k4, (D, D), dtype=jnp.float32, minval=-glorot, maxval=glorot)
    b1 = jnp.zeros((D,), dtype=jnp.float32)
    b2 = jnp.zeros((D,), dtype=jnp.float32)
    return {"x": x, "edge_index": edge_index, "W1": W1, "b1": b1, "W2": W2, "b2": b2}


def reference(x, edge_index, W1, b1, W2, b2):
    h = gcn_conv(x, edge_index, W1, b1)
    h = jax.nn.relu(h)
    # F.dropout(training=self.training) is identity in eval mode
    out = gcn_conv(h, edge_index, W2, b2)
    return jax.nn.log_softmax(out, axis=1)

if __name__ == "__main__":
    import jax
    _d = setup_inputs()
    print(jax.jit(kernel)(*tuple(_d.values())))

</pallas_src>

<mosaic_0001>
#map = affine_map<(d0, d1) -> (0, 0, 0)>
#map1 = affine_map<(d0, d1) -> (0, 0)>
module attributes {stable_mosaic.version = 14 : i64} {
  func.func @_deg_body(%arg0: i32, %arg1: i32, %arg2: memref<32x80x256xi32, #tpu.memory_space<hbm>>, %arg3: memref<10112x16xf32, #tpu.memory_space<hbm>>, %arg4: memref<256x16xf32, #tpu.memory_space<hbm>>, %arg5: memref<2x10112x16xf32, #tpu.memory_space<hbm>>, %arg6: memref<1x256xi32, #tpu.memory_space<vmem>>, %arg7: memref<256x16xf32, #tpu.memory_space<vmem>>, %arg8: memref<10112x16xf32, #tpu.memory_space<vmem_shared>>) attributes {dimension_semantics = [#tpu.dimension_semantics<core_parallel>, #tpu.dimension_semantics<subcore_parallel>], iteration_bounds = array<i64: 2, 16>, scalar_prefetch = 0 : i64, scratch_operands = 3 : i64, tpu.core_type = #tpu.core_type<sc_vector_subcore>, window_params = [{transform_indices = #map}, {transform_indices = #map1}, {transform_indices = #map1}, {transform_indices = #map}]} {
    %mul3A = arith.constant 2 : i32
    %mul3A_0 = arith.muli %arg1, %mul3A : i32
    %add3A = arith.addi %mul3A_0, %arg0 : i32
    %mul3A_1 = arith.constant 632 : i32
    %mul3A_2 = arith.muli %arg1, %mul3A_1 : i32
    %mul3A_3 = arith.constant 632 : i32
    %mul3A_4 = arith.muli %arg1, %mul3A_3 : i32
    "tpu.region"() ({
      %run_scoped3A = tpu.sem_alloc : memref<!tpu.dma_semaphore, #tpu.memory_space<semaphore_mem>>
      %dma_start3A = arith.constant 0 : i32
      %dma_start3A_14 = tpu.memref_slice %arg8[%mul3A_4, %dma_start3A] : memref<10112x16xf32, #tpu.memory_space<vmem_shared>> -> memref<632x16xf32, #tpu.memory_space<vmem_shared>>
      %dma_start3A_15 = arith.constant 0 : i32
      %dma_start3A_16 = tpu.memref_slice %arg3[%mul3A_2, %dma_start3A_15] : memref<10112x16xf32, #tpu.memory_space<hbm>> -> memref<632x16xf32, #tpu.memory_space<hbm>>
      tpu.enqueue_dma source(%dma_start3A_16 : memref<632x16xf32, #tpu.memory_space<hbm>>) target(%dma_start3A_14 : memref<632x16xf32, #tpu.memory_space<vmem_shared>>) target_semaphore(%run_scoped3A : memref<!tpu.dma_semaphore, #tpu.memory_space<semaphore_mem>>)
      %dma_wait3A = arith.constant 0 : i32
      %dma_wait3A_17 = tpu.memref_slice %arg8[%mul3A_4, %dma_wait3A] : memref<10112x16xf32, #tpu.memory_space<vmem_shared>> -> memref<632x16xf32, #tpu.memory_space<vmem_shared>>
      %dma_wait3A_18 = arith.constant 0 : i32
      %dma_wait3A_19 = tpu.memref_slice %arg3[%mul3A_2, %dma_wait3A_18] : memref<10112x16xf32, #tpu.memory_space<hbm>> -> memref<632x16xf32, #tpu.memory_space<hbm>>
      tpu.wait_dma2 semaphore(%run_scoped3A : memref<!tpu.dma_semaphore, #tpu.memory_space<semaphore_mem>>) src(%dma_wait3A_19 : memref<632x16xf32, #tpu.memory_space<hbm>>) dst(%dma_wait3A_17 : memref<632x16xf32, #tpu.memory_space<vmem_shared>>)
      tpu.yield
    }) : () -> ()
    "tpu.region"() ({
      %run_scoped3A = tpu.sem_alloc : memref<!tpu.dma_semaphore, #tpu.memory_space<semaphore_mem>>
      tpu.enqueue_dma source(%arg4 : memref<256x16xf32, #tpu.memory_space<hbm>>) target(%arg7 : memref<256x16xf32, #tpu.memory_space<vmem>>) target_semaphore(%run_scoped3A : memref<!tpu.dma_semaphore, #tpu.memory_space<semaphore_mem>>)
      tpu.wait_dma2 semaphore(%run_scoped3A : memref<!tpu.dma_semaphore, #tpu.memory_space<semaphore_mem>>) src(%arg4 : memref<256x16xf32, #tpu.memory_space<hbm>>) dst(%arg7 : memref<256x16xf32, #tpu.memory_space<vmem>>)
      tpu.yield
    }) : () -> ()
    %barrier3A = arith.constant 0 : index
    tpu.barrier barrier_id(%barrier3A)
    %scan3A = arith.constant 0 : i32
    %scan3A_5 = arith.constant 80 : i32
    %scan3A_6 = arith.addi %scan3A, %scan3A_5 : i32
    %scan3A_7 = arith.constant 1 : i32
    scf.for %scan3A_14 = %scan3A to %scan3A_6 step %scan3A_7  : i32 {
      %mul3A_15 = arith.constant 1 : i32
      %mul3A_16 = arith.muli %scan3A_14, %mul3A_15 : i32
      %add3A_17 = arith.constant 0 : i32
      %add3A_18 = arith.addi %add3A_17, %mul3A_16 : i32
      %run_scoped3A = arith.constant 0 : i32
      "tpu.region"() ({
        %run_scoped3A_20 = tpu.sem_alloc : memref<!tpu.dma_semaphore, #tpu.memory_space<semaphore_mem>>
        %dma_start3A = arith.constant 0 : i32
        %dma_start3A_21 = tpu.memref_slice %arg6[%run_scoped3A, %dma_start3A] : memref<1x256xi32, #tpu.memory_space<vmem>> -> memref<1x256xi32, #tpu.memory_space<vmem>>
        %dma_start3A_22 = tpu.memref_squeeze %dma_start3A_21 : memref<1x256xi32, #tpu.memory_space<vmem>> -> memref<256xi32, #tpu.memory_space<vmem>>
        %dma_start3A_23 = arith.constant 0 : i32
        %dma_start3A_24 = tpu.memref_slice %arg2[%add3A, %add3A_18, %dma_start3A_23] : memref<32x80x256xi32, #tpu.memory_space<hbm>> -> memref<1x1x256xi32, #tpu.memory_space<hbm>>
        %dma_start3A_25 = tpu.memref_squeeze %dma_start3A_24 : memref<1x1x256xi32, #tpu.memory_space<hbm>> -> memref<256xi32, #tpu.memory_space<hbm>>
        %dma_start3A_26 = arith.constant 0 : i32
        %dma_start3A_27 = tpu.memref_slice %arg6[%run_scoped3A, %dma_start3A_26] : memref<1x256xi32, #tpu.memory_space<vmem>> -> memref<1x256xi32, #tpu.memory_space<vmem>>
        %dma_start3A_28 = tpu.memref_squeeze %dma_start3A_27 : memref<1x256xi32, #tpu.memory_space<vmem>> -> memref<256xi32, #tpu.memory_space<vmem>>
        %dma_start3A_29 = arith.constant 0 : i32
        %dma_start3A_30 = tpu.memref_slice %arg2[%add3A, %add3A_18, %dma_start3A_29] : memref<32x80x256xi32, #tpu.memory_space<hbm>> -> memref<1x1x256xi32, #tpu.memory_space<hbm>>
        %dma_start3A_31 = tpu.memref_squeeze %dma_start3A_30 : memref<1x1x256xi32, #tpu.memory_space<hbm>> -> memref<256xi32, #tpu.memory_space<hbm>>
        tpu.enqueue_dma source(%dma_start3A_31 : memref<256xi32, #tpu.memory_space<hbm>>) target(%dma_start3A_28 : memref<256xi32, #tpu.memory_space<vmem>>) target_semaphore(%run_scoped3A_20 : memref<!tpu.dma_semaphore, #tpu.memory_space<semaphore_mem>>)
        %dma_wait3A = arith.constant 0 : i32
        %dma_wait3A_32 = tpu.memref_slice %arg6[%run_scoped3A, %dma_wait3A] : memref<1x256xi32, #tpu.memory_space<vmem>> -> memref<1x256xi32, #tpu.memory_space<vmem>>
        %dma_wait3A_33 = tpu.memref_squeeze %dma_wait3A_32 : memref<1x256xi32, #tpu.memory_space<vmem>> -> memref<256xi32, #tpu.memory_space<vmem>>
        %dma_wait3A_34 = arith.constant 0 : i32
        %dma_wait3A_35 = tpu.memref_slice %arg2[%add3A, %add3A_18, %dma_wait3A_34] : memref<32x80x256xi32, #tpu.memory_space<hbm>> -> memref<1x1x256xi32, #tpu.memory_space<hbm>>
        %dma_wait3A_36 = tpu.memref_squeeze %dma_wait3A_35 : memref<1x1x256xi32, #tpu.memory_space<hbm>> -> memref<256xi32, #tpu.memory_space<hbm>>
        %dma_wait3A_37 = arith.constant 0 : i32
        %dma_wait3A_38 = tpu.memref_slice %arg6[%run_scoped3A, %dma_wait3A_37] : memref<1x256xi32, #tpu.memory_space<vmem>> -> memref<1x256xi32, #tpu.memory_space<vmem>>
        %dma_wait3A_39 = tpu.memref_squeeze %dma_wait3A_38 : memref<1x256xi32, #tpu.memory_space<vmem>> -> memref<256xi32, #tpu.memory_space<vmem>>
        %dma_wait3A_40 = arith.constant 0 : i32
        %dma_wait3A_41 = tpu.memref_slice %arg2[%add3A, %add3A_18, %dma_wait3A_40] : memref<32x80x256xi32, #tpu.memory_space<hbm>> -> memref<1x1x256xi32, #tpu.memory_space<hbm>>
        %dma_wait3A_42 = tpu.memref_squeeze %dma_wait3A_41 : memref<1x1x256xi32, #tpu.memory_space<hbm>> -> memref<256xi32, #tpu.memory_space<hbm>>
        tpu.wait_dma2 semaphore(%run_scoped3A_20 : memref<!tpu.dma_semaphore, #tpu.memory_space<semaphore_mem>>) src(%dma_wait3A_42 : memref<256xi32, #tpu.memory_space<hbm>>) dst(%dma_wait3A_39 : memref<256xi32, #tpu.memory_space<vmem>>)
        tpu.yield
      }) : () -> ()
      %run_scoped3A_19 = arith.constant 0 : i32
      "tpu.region"() ({
        %run_scoped3A_20 = tpu.sem_alloc : memref<!tpu.dma_semaphore, #tpu.memory_space<semaphore_mem>>
        %dma_start3A = arith.constant 0 : i32
        %dma_start3A_21 = tpu.memref_slice %arg6[%run_scoped3A_19, %dma_start3A] : memref<1x256xi32, #tpu.memory_space<vmem>> -> memref<1x256xi32, #tpu.memory_space<vmem>>
        %dma_start3A_22 = tpu.memref_squeeze %dma_start3A_21 : memref<1x256xi32, #tpu.memory_space<vmem>> -> memref<256xi32, #tpu.memory_space<vmem>>
        %dma_start3A_23 = arith.constant 0 : i32
        %dma_start3A_24 = arith.constant 0 : i32
        %dma_start3A_25 = tpu.memref_slice %arg8[%dma_start3A_23, %dma_start3A_24] : memref<10112x16xf32, #tpu.memory_space<vmem_shared>> -> memref<10112x16xf32, #tpu.memory_space<vmem_shared>>
        tpu.enqueue_indirect_dma source(%arg7 : memref<256x16xf32, #tpu.memory_space<vmem>>) target(%dma_start3A_25 : memref<10112x16xf32, #tpu.memory_space<vmem_shared>>) offsets(%dma_start3A_22 : memref<256xi32, #tpu.memory_space<vmem>>) semaphore(%run_scoped3A_20 : memref<!tpu.dma_semaphore, #tpu.memory_space<semaphore_mem>>) {add = true}
        %dma_wait3A = arith.constant 0 : i32
        %dma_wait3A_26 = tpu.memref_slice %arg6[%run_scoped3A_19, %dma_wait3A] : memref<1x256xi32, #tpu.memory_space<vmem>> -> memref<1x256xi32, #tpu.memory_space<vmem>>
        %dma_wait3A_27 = tpu.memref_squeeze %dma_wait3A_26 : memref<1x256xi32, #tpu.memory_space<vmem>> -> memref<256xi32, #tpu.memory_space<vmem>>
        %dma_wait3A_28 = arith.constant 0 : i32
        %dma_wait3A_29 = arith.constant 0 : i32
        %dma_wait3A_30 = tpu.memref_slice %arg8[%dma_wait3A_28, %dma_wait3A_29] : memref<10112x16xf32, #tpu.memory_space<vmem_shared>> -> memref<10112x16xf32, #tpu.memory_space<vmem_shared>>
        tpu.wait_indirect_dma semaphore(%run_scoped3A_20 : memref<!tpu.dma_semaphore, #tpu.memory_space<semaphore_mem>>) src(%arg7 : memref<256x16xf32, #tpu.memory_space<vmem>>) dst(%dma_wait3A_30 : memref<10112x16xf32, #tpu.memory_space<vmem_shared>>)
        tpu.yield
      }) : () -> ()
    }
    %scan3A_8 = arith.constant 80 : i32
    %barrier3A_9 = arith.constant 0 : index
    tpu.barrier barrier_id(%barrier3A_9)
    %mul3A_10 = arith.constant 632 : i32
    %mul3A_11 = arith.muli %arg1, %mul3A_10 : i32
    %mul3A_12 = arith.constant 632 : i32
    %mul3A_13 = arith.muli %arg1, %mul3A_12 : i32
    "tpu.region"() ({
      %run_scoped3A = tpu.sem_alloc : memref<!tpu.dma_semaphore, #tpu.memory_space<semaphore_mem>>
      %dma_start3A = arith.constant 0 : i32
      %dma_start3A_14 = tpu.memref_slice %arg5[%arg0, %mul3A_13, %dma_start3A] : memref<2x10112x16xf32, #tpu.memory_space<hbm>> -> memref<1x632x16xf32, #tpu.memory_space<hbm>>
      %dma_start3A_15 = tpu.memref_squeeze %dma_start3A_14 : memref<1x632x16xf32, #tpu.memory_space<hbm>> -> memref<632x16xf32, #tpu.memory_space<hbm>>
      %dma_start3A_16 = arith.constant 0 : i32
      %dma_start3A_17 = tpu.memref_slice %arg8[%mul3A_11, %dma_start3A_16] : memref<10112x16xf32, #tpu.memory_space<vmem_shared>> -> memref<632x16xf32, #tpu.memory_space<vmem_shared>>
      tpu.enqueue_dma source(%dma_start3A_17 : memref<632x16xf32, #tpu.memory_space<vmem_shared>>) target(%dma_start3A_15 : memref<632x16xf32, #tpu.memory_space<hbm>>) target_semaphore(%run_scoped3A : memref<!tpu.dma_semaphore, #tpu.memory_space<semaphore_mem>>)
      %dma_wait3A = arith.constant 0 : i32
      %dma_wait3A_18 = tpu.memref_slice %arg5[%arg0, %mul3A_13, %dma_wait3A] : memref<2x10112x16xf32, #tpu.memory_space<hbm>> -> memref<1x632x16xf32, #tpu.memory_space<hbm>>
      %dma_wait3A_19 = tpu.memref_squeeze %dma_wait3A_18 : memref<1x632x16xf32, #tpu.memory_space<hbm>> -> memref<632x16xf32, #tpu.memory_space<hbm>>
      %dma_wait3A_20 = arith.constant 0 : i32
      %dma_wait3A_21 = tpu.memref_slice %arg8[%mul3A_11, %dma_wait3A_20] : memref<10112x16xf32, #tpu.memory_space<vmem_shared>> -> memref<632x16xf32, #tpu.memory_space<vmem_shared>>
      tpu.wait_dma2 semaphore(%run_scoped3A : memref<!tpu.dma_semaphore, #tpu.memory_space<semaphore_mem>>) src(%dma_wait3A_21 : memref<632x16xf32, #tpu.memory_space<vmem_shared>>) dst(%dma_wait3A_19 : memref<632x16xf32, #tpu.memory_space<hbm>>)
      tpu.yield
    }) : () -> ()
    return
  }
}

#map = affine_map<(d0, d1) -> (0, 0, 0)>
#map1 = affine_map<(d0, d1) -> (0, 0, 0, 0)>
#map2 = affine_map<(d0, d1) -> (0, 0)>
module attributes {stable_mosaic.version = 14 : i64} {
  func.func @_prop_body(%arg0: i32, %arg1: i32, %arg2: memref<2x10112x64xf32, #tpu.memory_space<hbm>>, %arg3: memref<16x40x4x256xi32, #tpu.memory_space<hbm>>, %arg4: memref<16x40x4x256xi32, #tpu.memory_space<hbm>>, %arg5: memref<10112x64xf32, #tpu.memory_space<hbm>>, %arg6: memref<2x10112x64xf32, #tpu.memory_space<hbm>>, %arg7: memref<2x4x256xi32, #tpu.memory_space<vmem>>, %arg8: memref<2x4x256xi32, #tpu.memory_space<vmem>>, %arg9: memref<2x256x64xf32, #tpu.memory_space<vmem>>, %arg10: memref<!tpu.dma_semaphore, #tpu.memory_space<semaphore_mem>>, %arg11: memref<!tpu.dma_semaphore, #tpu.memory_space<semaphore_mem>>, %arg12: memref<!tpu.dma_semaphore, #tpu.memory_space<semaphore_mem>>, %arg13: memref<!tpu.dma_semaphore, #tpu.memory_space<semaphore_mem>>, %arg14: memref<!tpu.dma_semaphore, #tpu.memory_space<semaphore_mem>>, %arg15: memref<10112x64xf32, #tpu.memory_space<vmem_shared>>, %arg16: memref<10112x64xf32, #tpu.memory_space<vmem_shared>>) attributes {dimension_semantics = [#tpu.dimension_semantics<core_parallel>, #tpu.dimension_semantics<subcore_parallel>], iteration_bounds = array<i64: 2, 16>, scalar_prefetch = 0 : i64, scratch_operands = 10 : i64, tpu.core_type = #tpu.core_type<sc_vector_subcore>, window_params = [{transform_indices = #map}, {transform_indices = #map1}, {transform_indices = #map1}, {transform_indices = #map2}, {transform_indices = #map}]} {
    %mul3A = arith.constant 632 : i32
    %mul3A_0 = arith.muli %arg1, %mul3A : i32
    %mul3A_1 = arith.constant 632 : i32
    %mul3A_2 = arith.muli %arg1, %mul3A_1 : i32
    "tpu.region"() ({
      %run_scoped3A_56 = tpu.sem_alloc : memref<!tpu.dma_semaphore, #tpu.memory_space<semaphore_mem>>
      %dma_start3A_57 = arith.constant 0 : i32
      %dma_start3A_58 = tpu.memref_slice %arg16[%mul3A_2, %dma_start3A_57] : memref<10112x64xf32, #tpu.memory_space<vmem_shared>> -> memref<632x64xf32, #tpu.memory_space<vmem_shared>>
      %dma_start3A_59 = arith.constant 0 : i32
      %dma_start3A_60 = tpu.memref_slice %arg5[%mul3A_0, %dma_start3A_59] : memref<10112x64xf32, #tpu.memory_space<hbm>> -> memref<632x64xf32, #tpu.memory_space<hbm>>
      tpu.enqueue_dma source(%dma_start3A_60 : memref<632x64xf32, #tpu.memory_space<hbm>>) target(%dma_start3A_58 : memref<632x64xf32, #tpu.memory_space<vmem_shared>>) target_semaphore(%run_scoped3A_56 : memref<!tpu.dma_semaphore, #tpu.memory_space<semaphore_mem>>)
      %dma_wait3A_61 = arith.constant 0 : i32
      %dma_wait3A_62 = tpu.memref_slice %arg16[%mul3A_2, %dma_wait3A_61] : memref<10112x64xf32, #tpu.memory_space<vmem_shared>> -> memref<632x64xf32, #tpu.memory_space<vmem_shared>>
      %dma_wait3A_63 = arith.constant 0 : i32
      %dma_wait3A_64 = tpu.memref_slice %arg5[%mul3A_0, %dma_wait3A_63] : memref<10112x64xf32, #tpu.memory_space<hbm>> -> memref<632x64xf32, #tpu.memory_space<hbm>>
      tpu.wait_dma2 semaphore(%run_scoped3A_56 : memref<!tpu.dma_semaphore, #tpu.memory_space<semaphore_mem>>) src(%dma_wait3A_64 : memref<632x64xf32, #tpu.memory_space<hbm>>) dst(%dma_wait3A_62 : memref<632x64xf32, #tpu.memory_space<vmem_shared>>)
      tpu.yield
    }) : () -> ()
    %mul3A_3 = arith.constant 632 : i32
    %mul3A_4 = arith.muli %arg1, %mul3A_3 : i32
    %mul3A_5 = arith.constant 632 : i32
    %mul3A_6 = arith.muli %arg1, %mul3A_5 : i32
    "tpu.region"() ({
      %run_scoped3A_56 = tpu.sem_alloc : memref<!tpu.dma_semaphore, #tpu.memory_space<semaphore_mem>>
      %dma_start3A_57 = arith.constant 0 : i32
      %dma_start3A_58 = tpu.memref_slice %arg15[%mul3A_6, %dma_start3A_57] : memref<10112x64xf32, #tpu.memory_space<vmem_shared>> -> memref<632x64xf32, #tpu.memory_space<vmem_shared>>
      %dma_start3A_59 = arith.constant 0 : i32
      %dma_start3A_60 = tpu.memref_slice %arg2[%arg0, %mul3A_4, %dma_start3A_59] : memref<2x10112x64xf32, #tpu.memory_space<hbm>> -> memref<1x632x64xf32, #tpu.memory_space<hbm>>
      %dma_start3A_61 = tpu.memref_squeeze %dma_start3A_60 : memref<1x632x64xf32, #tpu.memory_space<hbm>> -> memref<632x64xf32, #tpu.memory_space<hbm>>
      tpu.enqueue_dma source(%dma_start3A_61 : memref<632x64xf32, #tpu.memory_space<hbm>>) target(%dma_start3A_58 : memref<632x64xf32, #tpu.memory_space<vmem_shared>>) target_semaphore(%run_scoped3A_56 : memref<!tpu.dma_semaphore, #tpu.memory_space<semaphore_mem>>)
      %dma_wait3A_62 = arith.constant 0 : i32
      %dma_wait3A_63 = tpu.memref_slice %arg15[%mul3A_6, %dma_wait3A_62] : memref<10112x64xf32, #tpu.memory_space<vmem_shared>> -> memref<632x64xf32, #tpu.memory_space<vmem_shared>>
      %dma_wait3A_64 = arith.constant 0 : i32
      %dma_wait3A_65 = tpu.memref_slice %arg2[%arg0, %mul3A_4, %dma_wait3A_64] : memref<2x10112x64xf32, #tpu.memory_space<hbm>> -> memref<1x632x64xf32, #tpu.memory_space<hbm>>
      %dma_wait3A_66 = tpu.memref_squeeze %dma_wait3A_65 : memref<1x632x64xf32, #tpu.memory_space<hbm>> -> memref<632x64xf32, #tpu.memory_space<hbm>>
      tpu.wait_dma2 semaphore(%run_scoped3A_56 : memref<!tpu.dma_semaphore, #tpu.memory_space<semaphore_mem>>) src(%dma_wait3A_66 : memref<632x64xf32, #tpu.memory_space<hbm>>) dst(%dma_wait3A_63 : memref<632x64xf32, #tpu.memory_space<vmem_shared>>)
      tpu.yield
    }) : () -> ()
    %barrier3A = arith.constant 0 : index
    tpu.barrier barrier_id(%barrier3A)
    %run_scoped3A = arith.constant 0 : i32
    %run_scoped3A_7 = arith.constant 0 : i32
    "tpu.region"() ({
      %run_scoped3A_56 = tpu.sem_alloc : memref<!tpu.dma_semaphore, #tpu.memory_space<semaphore_mem>>
      %dma_start3A_57 = arith.constant 0 : i32
      %dma_start3A_58 = arith.constant 0 : i32
      %dma_start3A_59 = tpu.memref_slice %arg7[%run_scoped3A_7, %dma_start3A_57, %dma_start3A_58] : memref<2x4x256xi32, #tpu.memory_space<vmem>> -> memref<1x4x256xi32, #tpu.memory_space<vmem>>
      %dma_start3A_60 = tpu.memref_squeeze %dma_start3A_59 : memref<1x4x256xi32, #tpu.memory_space<vmem>> -> memref<4x256xi32, #tpu.memory_space<vmem>>
      %dma_start3A_61 = arith.constant 0 : i32
      %dma_start3A_62 = arith.constant 0 : i32
      %dma_start3A_63 = tpu.memref_slice %arg3[%arg1, %run_scoped3A, %dma_start3A_61, %dma_start3A_62] : memref<16x40x4x256xi32, #tpu.memory_space<hbm>> -> memref<1x1x4x256xi32, #tpu.memory_space<hbm>>
      %dma_start3A_64 = tpu.memref_squeeze %dma_start3A_63 : memref<1x1x4x256xi32, #tpu.memory_space<hbm>> -> memref<4x256xi32, #tpu.memory_space<hbm>>
      %dma_start3A_65 = arith.constant 0 : i32
      %dma_start3A_66 = arith.constant 0 : i32
      %dma_start3A_67 = tpu.memref_slice %arg7[%run_scoped3A_7, %dma_start3A_65, %dma_start3A_66] : memref<2x4x256xi32, #tpu.memory_space<vmem>> -> memref<1x4x256xi32, #tpu.memory_space<vmem>>
      %dma_start3A_68 = tpu.memref_squeeze %dma_start3A_67 : memref<1x4x256xi32, #tpu.memory_space<vmem>> -> memref<4x256xi32, #tpu.memory_space<vmem>>
      %dma_start3A_69 = arith.constant 0 : i32
      %dma_start3A_70 = arith.constant 0 : i32
      %dma_start3A_71 = tpu.memref_slice %arg3[%arg1, %run_scoped3A, %dma_start3A_69, %dma_start3A_70] : memref<16x40x4x256xi32, #tpu.memory_space<hbm>> -> memref<1x1x4x256xi32, #tpu.memory_space<hbm>>
      %dma_start3A_72 = tpu.memref_squeeze %dma_start3A_71 : memref<1x1x4x256xi32, #tpu.memory_space<hbm>> -> memref<4x256xi32, #tpu.memory_space<hbm>>
      tpu.enqueue_dma source(%dma_start3A_72 : memref<4x256xi32, #tpu.memory_space<hbm>>) target(%dma_start3A_68 : memref<4x256xi32, #tpu.memory_space<vmem>>) target_semaphore(%run_scoped3A_56 : memref<!tpu.dma_semaphore, #tpu.memory_space<semaphore_mem>>)
      %dma_wait3A_73 = arith.constant 0 : i32
      %dma_wait3A_74 = arith.constant 0 : i32
      %dma_wait3A_75 = tpu.memref_slice %arg7[%run_scoped3A_7, %dma_wait3A_73, %dma_wait3A_74] : memref<2x4x256xi32, #tpu.memory_space<vmem>> -> memref<1x4x256xi32, #tpu.memory_space<vmem>>
      %dma_wait3A_76 = tpu.memref_squeeze %dma_wait3A_75 : memref<1x4x256xi32, #tpu.memory_space<vmem>> -> memref<4x256xi32, #tpu.memory_space<vmem>>
      %dma_wait3A_77 = arith.constant 0 : i32
      %dma_wait3A_78 = arith.constant 0 : i32
      %dma_wait3A_79 = tpu.memref_slice %arg3[%arg1, %run_scoped3A, %dma_wait3A_77, %dma_wait3A_78] : memref<16x40x4x256xi32, #tpu.memory_space<hbm>> -> memref<1x1x4x256xi32, #tpu.memory_space<hbm>>
      %dma_wait3A_80 = tpu.memref_squeeze %dma_wait3A_79 : memref<1x1x4x256xi32, #tpu.memory_space<hbm>> -> memref<4x256xi32, #tpu.memory_space<hbm>>
      %dma_wait3A_81 = arith.constant 0 : i32
      %dma_wait3A_82 = arith.constant 0 : i32
      %dma_wait3A_83 = tpu.memref_slice %arg7[%run_scoped3A_7, %dma_wait3A_81, %dma_wait3A_82] : memref<2x4x256xi32, #tpu.memory_space<vmem>> -> memref<1x4x256xi32, #tpu.memory_space<vmem>>
      %dma_wait3A_84 = tpu.memref_squeeze %dma_wait3A_83 : memref<1x4x256xi32, #tpu.memory_space<vmem>> -> memref<4x256xi32, #tpu.memory_space<vmem>>
      %dma_wait3A_85 = arith.constant 0 : i32
      %dma_wait3A_86 = arith.constant 0 : i32
      %dma_wait3A_87 = tpu.memref_slice %arg3[%arg1, %run_scoped3A, %dma_wait3A_85, %dma_wait3A_86] : memref<16x40x4x256xi32, #tpu.memory_space<hbm>> -> memref<1x1x4x256xi32, #tpu.memory_space<hbm>>
      %dma_wait3A_88 = tpu.memref_squeeze %dma_wait3A_87 : memref<1x1x4x256xi32, #tpu.memory_space<hbm>> -> memref<4x256xi32, #tpu.memory_space<hbm>>
      tpu.wait_dma2 semaphore(%run_scoped3A_56 : memref<!tpu.dma_semaphore, #tpu.memory_space<semaphore_mem>>) src(%dma_wait3A_88 : memref<4x256xi32, #tpu.memory_space<hbm>>) dst(%dma_wait3A_84 : memref<4x256xi32, #tpu.memory_space<vmem>>)
      tpu.yield
    }) : () -> ()
    %run_scoped3A_8 = arith.constant 0 : i32
    %run_scoped3A_9 = arith.constant 0 : i32
    "tpu.region"() ({
      %run_scoped3A_56 = tpu.sem_alloc : memref<!tpu.dma_semaphore, #tpu.memory_space<semaphore_mem>>
      %dma_start3A_57 = arith.constant 0 : i32
      %dma_start3A_58 = arith.constant 0 : i32
      %dma_start3A_59 = tpu.memref_slice %arg8[%run_scoped3A_9, %dma_start3A_57, %dma_start3A_58] : memref<2x4x256xi32, #tpu.memory_space<vmem>> -> memref<1x4x256xi32, #tpu.memory_space<vmem>>
      %dma_start3A_60 = tpu.memref_squeeze %dma_start3A_59 : memref<1x4x256xi32, #tpu.memory_space<vmem>> -> memref<4x256xi32, #tpu.memory_space<vmem>>
      %dma_start3A_61 = arith.constant 0 : i32
      %dma_start3A_62 = arith.constant 0 : i32
      %dma_start3A_63 = tpu.memref_slice %arg4[%arg1, %run_scoped3A_8, %dma_start3A_61, %dma_start3A_62] : memref<16x40x4x256xi32, #tpu.memory_space<hbm>> -> memref<1x1x4x256xi32, #tpu.memory_space<hbm>>
      %dma_start3A_64 = tpu.memref_squeeze %dma_start3A_63 : memref<1x1x4x256xi32, #tpu.memory_space<hbm>> -> memref<4x256xi32, #tpu.memory_space<hbm>>
      %dma_start3A_65 = arith.constant 0 : i32
      %dma_start3A_66 = arith.constant 0 : i32
      %dma_start3A_67 = tpu.memref_slice %arg8[%run_scoped3A_9, %dma_start3A_65, %dma_start3A_66] : memref<2x4x256xi32, #tpu.memory_space<vmem>> -> memref<1x4x256xi32, #tpu.memory_space<vmem>>
      %dma_start3A_68 = tpu.memref_squeeze %dma_start3A_67 : memref<1x4x256xi32, #tpu.memory_space<vmem>> -> memref<4x256xi32, #tpu.memory_space<vmem>>
      %dma_start3A_69 = arith.constant 0 : i32
      %dma_start3A_70 = arith.constant 0 : i32
      %dma_start3A_71 = tpu.memref_slice %arg4[%arg1, %run_scoped3A_8, %dma_start3A_69, %dma_start3A_70] : memref<16x40x4x256xi32, #tpu.memory_space<hbm>> -> memref<1x1x4x256xi32, #tpu.memory_space<hbm>>
      %dma_start3A_72 = tpu.memref_squeeze %dma_start3A_71 : memref<1x1x4x256xi32, #tpu.memory_space<hbm>> -> memref<4x256xi32, #tpu.memory_space<hbm>>
      tpu.enqueue_dma source(%dma_start3A_72 : memref<4x256xi32, #tpu.memory_space<hbm>>) target(%dma_start3A_68 : memref<4x256xi32, #tpu.memory_space<vmem>>) target_semaphore(%run_scoped3A_56 : memref<!tpu.dma_semaphore, #tpu.memory_space<semaphore_mem>>)
      %dma_wait3A_73 = arith.constant 0 : i32
      %dma_wait3A_74 = arith.constant 0 : i32
      %dma_wait3A_75 = tpu.memref_slice %arg8[%run_scoped3A_9, %dma_wait3A_73, %dma_wait3A_74] : memref<2x4x256xi32, #tpu.memory_space<vmem>> -> memref<1x4x256xi32, #tpu.memory_space<vmem>>
      %dma_wait3A_76 = tpu.memref_squeeze %dma_wait3A_75 : memref<1x4x256xi32, #tpu.memory_space<vmem>> -> memref<4x256xi32, #tpu.memory_space<vmem>>
      %dma_wait3A_77 = arith.constant 0 : i32
      %dma_wait3A_78 = arith.constant 0 : i32
      %dma_wait3A_79 = tpu.memref_slice %arg4[%arg1, %run_scoped3A_8, %dma_wait3A_77, %dma_wait3A_78] : memref<16x40x4x256xi32, #tpu.memory_space<hbm>> -> memref<1x1x4x256xi32, #tpu.memory_space<hbm>>
      %dma_wait3A_80 = tpu.memref_squeeze %dma_wait3A_79 : memref<1x1x4x256xi32, #tpu.memory_space<hbm>> -> memref<4x256xi32, #tpu.memory_space<hbm>>
      %dma_wait3A_81 = arith.constant 0 : i32
      %dma_wait3A_82 = arith.constant 0 : i32
      %dma_wait3A_83 = tpu.memref_slice %arg8[%run_scoped3A_9, %dma_wait3A_81, %dma_wait3A_82] : memref<2x4x256xi32, #tpu.memory_space<vmem>> -> memref<1x4x256xi32, #tpu.memory_space<vmem>>
      %dma_wait3A_84 = tpu.memref_squeeze %dma_wait3A_83 : memref<1x4x256xi32, #tpu.memory_space<vmem>> -> memref<4x256xi32, #tpu.memory_space<vmem>>
      %dma_wait3A_85 = arith.constant 0 : i32
      %dma_wait3A_86 = arith.constant 0 : i32
      %dma_wait3A_87 = tpu.memref_slice %arg4[%arg1, %run_scoped3A_8, %dma_wait3A_85, %dma_wait3A_86] : memref<16x40x4x256xi32, #tpu.memory_space<hbm>> -> memref<1x1x4x256xi32, #tpu.memory_space<hbm>>
      %dma_wait3A_88 = tpu.memref_squeeze %dma_wait3A_87 : memref<1x1x4x256xi32, #tpu.memory_space<hbm>> -> memref<4x256xi32, #tpu.memory_space<hbm>>
      tpu.wait_dma2 semaphore(%run_scoped3A_56 : memref<!tpu.dma_semaphore, #tpu.memory_space<semaphore_mem>>) src(%dma_wait3A_88 : memref<4x256xi32, #tpu.memory_space<hbm>>) dst(%dma_wait3A_84 : memref<4x256xi32, #tpu.memory_space<vmem>>)
      tpu.yield
    }) : () -> ()
    %dma_start3A = arith.constant 0 : i32
    %dma_start3A_10 = arith.constant 0 : i32
    %dma_start3A_11 = arith.constant 0 : i32
    %dma_start3A_12 = arith.constant 0 : i32
    %dma_start3A_13 = arith.constant 0 : i32
    %dma_start3A_14 = tpu.memref_slice %arg9[%dma_start3A_11, %dma_start3A_12, %dma_start3A_13] : memref<2x256x64xf32, #tpu.memory_space<vmem>> -> memref<1x256x64xf32, #tpu.memory_space<vmem>>
    %dma_start3A_15 = tpu.memref_squeeze %dma_start3A_14 : memref<1x256x64xf32, #tpu.memory_space<vmem>> -> memref<256x64xf32, #tpu.memory_space<vmem>>
    %dma_start3A_16 = arith.constant 0 : i32
    %dma_start3A_17 = tpu.memref_slice %arg7[%dma_start3A, %dma_start3A_10, %dma_start3A_16] : memref<2x4x256xi32, #tpu.memory_space<vmem>> -> memref<1x1x256xi32, #tpu.memory_space<vmem>>
    %dma_start3A_18 = tpu.memref_squeeze %dma_start3A_17 : memref<1x1x256xi32, #tpu.memory_space<vmem>> -> memref<256xi32, #tpu.memory_space<vmem>>
    %dma_start3A_19 = arith.constant 0 : i32
    %dma_start3A_20 = arith.constant 0 : i32
    %dma_start3A_21 = tpu.memref_slice %arg15[%dma_start3A_19, %dma_start3A_20] : memref<10112x64xf32, #tpu.memory_space<vmem_shared>> -> memref<10112x64xf32, #tpu.memory_space<vmem_shared>>
    tpu.enqueue_indirect_dma source(%dma_start3A_21 : memref<10112x64xf32, #tpu.memory_space<vmem_shared>>) target(%dma_start3A_15 : memref<256x64xf32, #tpu.memory_space<vmem>>) offsets(%dma_start3A_18 : memref<256xi32, #tpu.memory_space<vmem>>) semaphore(%arg10 : memref<!tpu.dma_semaphore, #tpu.memory_space<semaphore_mem>>)
    %scan3A = arith.constant 0 : i32
    %scan3A_22 = arith.constant 20 : i32
    %scan3A_23 = arith.addi %scan3A, %scan3A_22 : i32
    %scan3A_24 = arith.constant 1 : i32
    scf.for %scan3A_56 = %scan3A to %scan3A_23 step %scan3A_24  : i32 {
      %mul3A_57 = arith.constant 1 : i32
      %mul3A_58 = arith.muli %scan3A_56, %mul3A_57 : i32
      %add3A = arith.constant 0 : i32
      %add3A_59 = arith.addi %add3A, %mul3A_58 : i32
      %mul3A_60 = arith.constant 2 : i32
      %mul3A_61 = arith.muli %mul3A_60, %add3A_59 : i32
      %add3A_62 = arith.constant 0 : i32
      %add3A_63 = arith.addi %mul3A_61, %add3A_62 : i32
      %add3A_64 = arith.constant 1 : i32
      %add3A_65 = arith.addi %add3A_63, %add3A_64 : i32
      %lt3A = arith.constant 40 : i32
      %lt3A_66 = arith.cmpi slt, %add3A_65, %lt3A : i32
      %convert_element_type3A = arith.extui %lt3A_66 : i1 to i32
      %cond3A = arith.constant 0 : i32
      %cond3A_67 = arith.cmpi ne, %convert_element_type3A, %cond3A : i32
      scf.if %cond3A_67 {
        %add3A_448 = arith.constant 1 : i32
        %add3A_449 = arith.addi %add3A_63, %add3A_448 : i32
        %dma_start3A_450 = arith.constant 1 : i32
        %dma_start3A_451 = arith.constant 0 : i32
        %dma_start3A_452 = arith.constant 0 : i32
        %dma_start3A_453 = tpu.memref_slice %arg7[%dma_start3A_450, %dma_start3A_451, %dma_start3A_452] : memref<2x4x256xi32, #tpu.memory_space<vmem>> -> memref<1x4x256xi32, #tpu.memory_space<vmem>>
        %dma_start3A_454 = tpu.memref_squeeze %dma_start3A_453 : memref<1x4x256xi32, #tpu.memory_space<vmem>> -> memref<4x256xi32, #tpu.memory_space<vmem>>
        %dma_start3A_455 = arith.constant 0 : i32
        %dma_start3A_456 = arith.constant 0 : i32
        %dma_start3A_457 = tpu.memref_slice %arg3[%arg1, %add3A_449, %dma_start3A_455, %dma_start3A_456] : memref<16x40x4x256xi32, #tpu.memory_space<hbm>> -> memref<1x1x4x256xi32, #tpu.memory_space<hbm>>
        %dma_start3A_458 = tpu.memref_squeeze %dma_start3A_457 : memref<1x1x4x256xi32, #tpu.memory_space<hbm>> -> memref<4x256xi32, #tpu.memory_space<hbm>>
        %dma_start3A_459 = arith.constant 0 : i32
        %dma_start3A_460 = arith.constant 0 : i32
        %dma_start3A_461 = tpu.memref_slice %arg7[%dma_start3A_450, %dma_start3A_459, %dma_start3A_460] : memref<2x4x256xi32, #tpu.memory_space<vmem>> -> memref<1x4x256xi32, #tpu.memory_space<vmem>>
        %dma_start3A_462 = tpu.memref_squeeze %dma_start3A_461 : memref<1x4x256xi32, #tpu.memory_space<vmem>> -> memref<4x256xi32, #tpu.memory_space<vmem>>
        %dma_start3A_463 = arith.constant 0 : i32
        %dma_start3A_464 = arith.constant 0 : i32
        %dma_start3A_465 = tpu.memref_slice %arg3[%arg1, %add3A_449, %dma_start3A_463, %dma_start3A_464] : memref<16x40x4x256xi32, #tpu.memory_space<hbm>> -> memref<1x1x4x256xi32, #tpu.memory_space<hbm>>
        %dma_start3A_466 = tpu.memref_squeeze %dma_start3A_465 : memref<1x1x4x256xi32, #tpu.memory_space<hbm>> -> memref<4x256xi32, #tpu.memory_space<hbm>>
        tpu.enqueue_dma source(%dma_start3A_466 : memref<4x256xi32, #tpu.memory_space<hbm>>) target(%dma_start3A_462 : memref<4x256xi32, #tpu.memory_space<vmem>>) target_semaphore(%arg14 : memref<!tpu.dma_semaphore, #tpu.memory_space<semaphore_mem>>)
        %add3A_467 = arith.constant 1 : i32
        %add3A_468 = arith.addi %add3A_63, %add3A_467 : i32
        %dma_start3A_469 = arith.constant 1 : i32
        %dma_start3A_470 = arith.constant 0 : i32
        %dma_start3A_471 = arith.constant 0 : i32
        %dma_start3A_472 = tpu.memref_slice %arg8[%dma_start3A_469, %dma_start3A_470, %dma_start3A_471] : memref<2x4x256xi32, #tpu.memory_space<vmem>> -> memref<1x4x256xi32, #tpu.memory_space<vmem>>
        %dma_start3A_473 = tpu.memref_squeeze %dma_start3A_472 : memref<1x4x256xi32, #tpu.memory_space<vmem>> -> memref<4x256xi32, #tpu.memory_space<vmem>>
        %dma_start3A_474 = arith.constant 0 : i32
        %dma_start3A_475 = arith.constant 0 : i32
        %dma_start3A_476 = tpu.memref_slice %arg4[%arg1, %add3A_468, %dma_start3A_474, %dma_start3A_475] : memref<16x40x4x256xi32, #tpu.memory_space<hbm>> -> memref<1x1x4x256xi32, #tpu.memory_space<hbm>>
        %dma_start3A_477 = tpu.memref_squeeze %dma_start3A_476 : memref<1x1x4x256xi32, #tpu.memory_space<hbm>> -> memref<4x256xi32, #tpu.memory_space<hbm>>
        %dma_start3A_478 = arith.constant 0 : i32
        %dma_start3A_479 = arith.constant 0 : i32
        %dma_start3A_480 = tpu.memref_slice %arg8[%dma_start3A_469, %dma_start3A_478, %dma_start3A_479] : memref<2x4x256xi32, #tpu.memory_space<vmem>> -> memref<1x4x256xi32, #tpu.memory_space<vmem>>
        %dma_start3A_481 = tpu.memref_squeeze %dma_start3A_480 : memref<1x4x256xi32, #tpu.memory_space<vmem>> -> memref<4x256xi32, #tpu.memory_space<vmem>>
        %dma_start3A_482 = arith.constant 0 : i32
        %dma_start3A_483 = arith.constant 0 : i32
        %dma_start3A_484 = tpu.memref_slice %arg4[%arg1, %add3A_468, %dma_start3A_482, %dma_start3A_483] : memref<16x40x4x256xi32, #tpu.memory_space<hbm>> -> memref<1x1x4x256xi32, #tpu.memory_space<hbm>>
        %dma_start3A_485 = tpu.memref_squeeze %dma_start3A_484 : memref<1x1x4x256xi32, #tpu.memory_space<hbm>> -> memref<4x256xi32, #tpu.memory_space<hbm>>
        tpu.enqueue_dma source(%dma_start3A_485 : memref<4x256xi32, #tpu.memory_space<hbm>>) target(%dma_start3A_481 : memref<4x256xi32, #tpu.memory_space<vmem>>) target_semaphore(%arg14 : memref<!tpu.dma_semaphore, #tpu.memory_space<semaphore_mem>>)
      } else {
      }
      %dma_wait3A_68 = arith.constant 0 : i32
      %dma_wait3A_69 = arith.constant 0 : i32
      %dma_wait3A_70 = arith.constant 0 : i32
      %dma_wait3A_71 = arith.constant 0 : i32
      %dma_wait3A_72 = arith.constant 0 : i32
      %dma_wait3A_73 = tpu.memref_slice %arg9[%dma_wait3A_70, %dma_wait3A_71, %dma_wait3A_72] : memref<2x256x64xf32, #tpu.memory_space<vmem>> -> memref<1x256x64xf32, #tpu.memory_space<vmem>>
      %dma_wait3A_74 = tpu.memref_squeeze %dma_wait3A_73 : memref<1x256x64xf32, #tpu.memory_space<vmem>> -> memref<256x64xf32, #tpu.memory_space<vmem>>
      %dma_wait3A_75 = arith.constant 0 : i32
      %dma_wait3A_76 = tpu.memref_slice %arg7[%dma_wait3A_68, %dma_wait3A_69, %dma_wait3A_75] : memref<2x4x256xi32, #tpu.memory_space<vmem>> -> memref<1x1x256xi32, #tpu.memory_space<vmem>>
      %dma_wait3A_77 = tpu.memref_squeeze %dma_wait3A_76 : memref<1x1x256xi32, #tpu.memory_space<vmem>> -> memref<256xi32, #tpu.memory_space<vmem>>
      %dma_wait3A_78 = arith.constant 0 : i32
      %dma_wait3A_79 = arith.constant 0 : i32
      %dma_wait3A_80 = tpu.memref_slice %arg15[%dma_wait3A_78, %dma_wait3A_79] : memref<10112x64xf32, #tpu.memory_space<vmem_shared>> -> memref<10112x64xf32, #tpu.memory_space<vmem_shared>>
      tpu.wait_indirect_dma semaphore(%arg10 : memref<!tpu.dma_semaphore, #tpu.memory_space<semaphore_mem>>) src(%dma_wait3A_80 : memref<10112x64xf32, #tpu.memory_space<vmem_shared>>) dst(%dma_wait3A_74 : memref<256x64xf32, #tpu.memory_space<vmem>>)
      %dma_start3A_81 = arith.constant 0 : i32
      %dma_start3A_82 = arith.constant 0 : i32
      %dma_start3A_83 = arith.constant 0 : i32
      %dma_start3A_84 = arith.constant 0 : i32
      %dma_start3A_85 = arith.constant 0 : i32
      %dma_start3A_86 = tpu.memref_slice %arg9[%dma_start3A_81, %dma_start3A_84, %dma_start3A_85] : memref<2x256x64xf32, #tpu.memory_space<vmem>> -> memref<1x256x64xf32, #tpu.memory_space<vmem>>
      %dma_start3A_87 = tpu.memref_squeeze %dma_start3A_86 : memref<1x256x64xf32, #tpu.memory_space<vmem>> -> memref<256x64xf32, #tpu.memory_space<vmem>>
      %dma_start3A_88 = arith.constant 0 : i32
      %dma_start3A_89 = tpu.memref_slice %arg8[%dma_start3A_82, %dma_start3A_83, %dma_start3A_88] : memref<2x4x256xi32, #tpu.memory_space<vmem>> -> memref<1x1x256xi32, #tpu.memory_space<vmem>>
      %dma_start3A_90 = tpu.memref_squeeze %dma_start3A_89 : memref<1x1x256xi32, #tpu.memory_space<vmem>> -> memref<256xi32, #tpu.memory_space<vmem>>
      %dma_start3A_91 = arith.constant 0 : i32
      %dma_start3A_92 = arith.constant 0 : i32
      %dma_start3A_93 = tpu.memref_slice %arg16[%dma_start3A_91, %dma_start3A_92] : memref<10112x64xf32, #tpu.memory_space<vmem_shared>> -> memref<10112x64xf32, #tpu.memory_space<vmem_shared>>
      tpu.enqueue_indirect_dma source(%dma_start3A_87 : memref<256x64xf32, #tpu.memory_space<vmem>>) target(%dma_start3A_93 : memref<10112x64xf32, #tpu.memory_space<vmem_shared>>) offsets(%dma_start3A_90 : memref<256xi32, #tpu.memory_space<vmem>>) semaphore(%arg12 : memref<!tpu.dma_semaphore, #tpu.memory_space<semaphore_mem>>) {add = true}
      %gt3A = arith.constant 0 : i32
      %gt3A_94 = arith.cmpi sgt, %add3A_59, %gt3A : i32
      %convert_element_type3A_95 = arith.extui %gt3A_94 : i1 to i32
      %cond3A_96 = arith.constant 0 : i32
      %cond3A_97 = arith.cmpi ne, %convert_element_type3A_95, %cond3A_96 : i32
      scf.if %cond3A_97 {
        %dma_wait3A_448 = arith.constant 1 : i32
        %dma_wait3A_449 = arith.constant 1 : i32
        %dma_wait3A_450 = arith.constant 3 : i32
        %dma_wait3A_451 = arith.constant 0 : i32
        %dma_wait3A_452 = arith.constant 0 : i32
        %dma_wait3A_453 = tpu.memref_slice %arg9[%dma_wait3A_448, %dma_wait3A_451, %dma_wait3A_452] : memref<2x256x64xf32, #tpu.memory_space<vmem>> -> memref<1x256x64xf32, #tpu.memory_space<vmem>>
        %dma_wait3A_454 = tpu.memref_squeeze %dma_wait3A_453 : memref<1x256x64xf32, #tpu.memory_space<vmem>> -> memref<256x64xf32, #tpu.memory_space<vmem>>
        %dma_wait3A_455 = arith.constant 0 : i32
        %dma_wait3A_456 = tpu.memref_slice %arg8[%dma_wait3A_449, %dma_wait3A_450, %dma_wait3A_455] : memref<2x4x256xi32, #tpu.memory_space<vmem>> -> memref<1x1x256xi32, #tpu.memory_space<vmem>>
        %dma_wait3A_457 = tpu.memref_squeeze %dma_wait3A_456 : memref<1x1x256xi32, #tpu.memory_space<vmem>> -> memref<256xi32, #tpu.memory_space<vmem>>
        %dma_wait3A_458 = arith.constant 0 : i32
        %dma_wait3A_459 = arith.constant 0 : i32
        %dma_wait3A_460 = tpu.memref_slice %arg16[%dma_wait3A_458, %dma_wait3A_459] : memref<10112x64xf32, #tpu.memory_space<vmem_shared>> -> memref<10112x64xf32, #tpu.memory_space<vmem_shared>>
        tpu.wait_indirect_dma semaphore(%arg13 : memref<!tpu.dma_semaphore, #tpu.memory_space<semaphore_mem>>) src(%dma_wait3A_454 : memref<256x64xf32, #tpu.memory_space<vmem>>) dst(%dma_wait3A_460 : memref<10112x64xf32, #tpu.memory_space<vmem_shared>>)
      } else {
      }
      %dma_start3A_98 = arith.constant 0 : i32
      %dma_start3A_99 = arith.constant 1 : i32
      %dma_start3A_100 = arith.constant 1 : i32
      %dma_start3A_101 = arith.constant 0 : i32
      %dma_start3A_102 = arith.constant 0 : i32
      %dma_start3A_103 = tpu.memref_slice %arg9[%dma_start3A_100, %dma_start3A_101, %dma_start3A_102] : memref<2x256x64xf32, #tpu.memory_space<vmem>> -> memref<1x256x64xf32, #tpu.memory_space<vmem>>
      %dma_start3A_104 = tpu.memref_squeeze %dma_start3A_103 : memref<1x256x64xf32, #tpu.memory_space<vmem>> -> memref<256x64xf32, #tpu.memory_space<vmem>>
      %dma_start3A_105 = arith.constant 0 : i32
      %dma_start3A_106 = tpu.memref_slice %arg7[%dma_start3A_98, %dma_start3A_99, %dma_start3A_105] : memref<2x4x256xi32, #tpu.memory_space<vmem>> -> memref<1x1x256xi32, #tpu.memory_space<vmem>>
      %dma_start3A_107 = tpu.memref_squeeze %dma_start3A_106 : memref<1x1x256xi32, #tpu.memory_space<vmem>> -> memref<256xi32, #tpu.memory_space<vmem>>
      %dma_start3A_108 = arith.constant 0 : i32
      %dma_start3A_109 = arith.constant 0 : i32
      %dma_start3A_110 = tpu.memref_slice %arg15[%dma_start3A_108, %dma_start3A_109] : memref<10112x64xf32, #tpu.memory_space<vmem_shared>> -> memref<10112x64xf32, #tpu.memory_space<vmem_shared>>
      tpu.enqueue_indirect_dma source(%dma_start3A_110 : memref<10112x64xf32, #tpu.memory_space<vmem_shared>>) target(%dma_start3A_104 : memref<256x64xf32, #tpu.memory_space<vmem>>) offsets(%dma_start3A_107 : memref<256xi32, #tpu.memory_space<vmem>>) semaphore(%arg11 : memref<!tpu.dma_semaphore, #tpu.memory_space<semaphore_mem>>)
      %dma_wait3A_111 = arith.constant 0 : i32
      %dma_wait3A_112 = arith.constant 1 : i32
      %dma_wait3A_113 = arith.constant 1 : i32
      %dma_wait3A_114 = arith.constant 0 : i32
      %dma_wait3A_115 = arith.constant 0 : i32
      %dma_wait3A_116 = tpu.memref_slice %arg9[%dma_wait3A_113, %dma_wait3A_114, %dma_wait3A_115] : memref<2x256x64xf32, #tpu.memory_space<vmem>> -> memref<1x256x64xf32, #tpu.memory_space<vmem>>
      %dma_wait3A_117 = tpu.memref_squeeze %dma_wait3A_116 : memref<1x256x64xf32, #tpu.memory_space<vmem>> -> memref<256x64xf32, #tpu.memory_space<vmem>>
      %dma_wait3A_118 = arith.constant 0 : i32
      %dma_wait3A_119 = tpu.memref_slice %arg7[%dma_wait3A_111, %dma_wait3A_112, %dma_wait3A_118] : memref<2x4x256xi32, #tpu.memory_space<vmem>> -> memref<1x1x256xi32, #tpu.memory_space<vmem>>
      %dma_wait3A_120 = tpu.memref_squeeze %dma_wait3A_119 : memref<1x1x256xi32, #tpu.memory_space<vmem>> -> memref<256xi32, #tpu.memory_space<vmem>>
      %dma_wait3A_121 = arith.constant 0 : i32
      %dma_wait3A_122 = arith.constant 0 : i32
      %dma_wait3A_123 = tpu.memref_slice %arg15[%dma_wait3A_121, %dma_wait3A_122] : memref<10112x64xf32, #tpu.memory_space<vmem_shared>> -> memref<10112x64xf32, #tpu.memory_space<vmem_shared>>
      tpu.wait_indirect_dma semaphore(%arg11 : memref<!tpu.dma_semaphore, #tpu.memory_space<semaphore_mem>>) src(%dma_wait3A_123 : memref<10112x64xf32, #tpu.memory_space<vmem_shared>>) dst(%dma_wait3A_117 : memref<256x64xf32, #tpu.memory_space<vmem>>)
      %dma_start3A_124 = arith.constant 1 : i32
      %dma_start3A_125 = arith.constant 0 : i32
      %dma_start3A_126 = arith.constant 1 : i32
      %dma_start3A_127 = arith.constant 0 : i32
      %dma_start3A_128 = arith.constant 0 : i32
      %dma_start3A_129 = tpu.memref_slice %arg9[%dma_start3A_124, %dma_start3A_127, %dma_start3A_128] : memref<2x256x64xf32, #tpu.memory_space<vmem>> -> memref<1x256x64xf32, #tpu.memory_space<vmem>>
      %dma_start3A_130 = tpu.memref_squeeze %dma_start3A_129 : memref<1x256x64xf32, #tpu.memory_space<vmem>> -> memref<256x64xf32, #tpu.memory_space<vmem>>
      %dma_start3A_131 = arith.constant 0 : i32
      %dma_start3A_132 = tpu.memref_slice %arg8[%dma_start3A_125, %dma_start3A_126, %dma_start3A_131] : memref<2x4x256xi32, #tpu.memory_space<vmem>> -> memref<1x1x256xi32, #tpu.memory_space<vmem>>
      %dma_start3A_133 = tpu.memref_squeeze %dma_start3A_132 : memref<1x1x256xi32, #tpu.memory_space<vmem>> -> memref<256xi32, #tpu.memory_space<vmem>>
      %dma_start3A_134 = arith.constant 0 : i32
      %dma_start3A_135 = arith.constant 0 : i32
      %dma_start3A_136 = tpu.memref_slice %arg16[%dma_start3A_134, %dma_start3A_135] : memref<10112x64xf32, #tpu.memory_space<vmem_shared>> -> memref<10112x64xf32, #tpu.memory_space<vmem_shared>>
      tpu.enqueue_indirect_dma source(%dma_start3A_130 : memref<256x64xf32, #tpu.memory_space<vmem>>) target(%dma_start3A_136 : memref<10112x64xf32, #tpu.memory_space<vmem_shared>>) offsets(%dma_start3A_133 : memref<256xi32, #tpu.memory_space<vmem>>) semaphore(%arg13 : memref<!tpu.dma_semaphore, #tpu.memory_space<semaphore_mem>>) {add = true}
      %dma_wait3A_137 = arith.constant 0 : i32
      %dma_wait3A_138 = arith.constant 0 : i32
      %dma_wait3A_139 = arith.constant 0 : i32
      %dma_wait3A_140 = arith.constant 0 : i32
      %dma_wait3A_141 = arith.constant 0 : i32
      %dma_wait3A_142 = tpu.memref_slice %arg9[%dma_wait3A_137, %dma_wait3A_140, %dma_wait3A_141] : memref<2x256x64xf32, #tpu.memory_space<vmem>> -> memref<1x256x64xf32, #tpu.memory_space<vmem>>
      %dma_wait3A_143 = tpu.memref_squeeze %dma_wait3A_142 : memref<1x256x64xf32, #tpu.memory_space<vmem>> -> memref<256x64xf32, #tpu.memory_space<vmem>>
      %dma_wait3A_144 = arith.constant 0 : i32
      %dma_wait3A_145 = tpu.memref_slice %arg8[%dma_wait3A_138, %dma_wait3A_139, %dma_wait3A_144] : memref<2x4x256xi32, #tpu.memory_space<vmem>> -> memref<1x1x256xi32, #tpu.memory_space<vmem>>
      %dma_wait3A_146 = tpu.memref_squeeze %dma_wait3A_145 : memref<1x1x256xi32, #tpu.memory_space<vmem>> -> memref<256xi32, #tpu.memory_space<vmem>>
      %dma_wait3A_147 = arith.constant 0 : i32
      %dma_wait3A_148 = arith.constant 0 : i32
      %dma_wait3A_149 = tpu.memref_slice %arg16[%dma_wait3A_147, %dma_wait3A_148] : memref<10112x64xf32, #tpu.memory_space<vmem_shared>> -> memref<10112x64xf32, #tpu.memory_space<vmem_shared>>
      tpu.wait_indirect_dma semaphore(%arg12 : memref<!tpu.dma_semaphore, #tpu.memory_space<semaphore_mem>>) src(%dma_wait3A_143 : memref<256x64xf32, #tpu.memory_space<vmem>>) dst(%dma_wait3A_149 : memref<10112x64xf32, #tpu.memory_space<vmem_shared>>)
      %dma_start3A_150 = arith.constant 0 : i32
      %dma_start3A_151 = arith.constant 2 : i32
      %dma_start3A_152 = arith.constant 0 : i32
      %dma_start3A_153 = arith.constant 0 : i32
      %dma_start3A_154 = arith.constant 0 : i32
      %dma_start3A_155 = tpu.memref_slice %arg9[%dma_start3A_152, %dma_start3A_153, %dma_start3A_154] : memref<2x256x64xf32, #tpu.memory_space<vmem>> -> memref<1x256x64xf32, #tpu.memory_space<vmem>>
      %dma_start3A_156 = tpu.memref_squeeze %dma_start3A_155 : memref<1x256x64xf32, #tpu.memory_space<vmem>> -> memref<256x64xf32, #tpu.memory_space<vmem>>
      %dma_start3A_157 = arith.constant 0 : i32
      %dma_start3A_158 = tpu.memref_slice %arg7[%dma_start3A_150, %dma_start3A_151, %dma_start3A_157] : memref<2x4x256xi32, #tpu.memory_space<vmem>> -> memref<1x1x256xi32, #tpu.memory_space<vmem>>
      %dma_start3A_159 = tpu.memref_squeeze %dma_start3A_158 : memref<1x1x256xi32, #tpu.memory_space<vmem>> -> memref<256xi32, #tpu.memory_space<vmem>>
      %dma_start3A_160 = arith.constant 0 : i32
      %dma_start3A_161 = arith.constant 0 : i32
      %dma_start3A_162 = tpu.memref_slice %arg15[%dma_start3A_160, %dma_start3A_161] : memref<10112x64xf32, #tpu.memory_space<vmem_shared>> -> memref<10112x64xf32, #tpu.memory_space<vmem_shared>>
      tpu.enqueue_indirect_dma source(%dma_start3A_162 : memref<10112x64xf32, #tpu.memory_space<vmem_shared>>) target(%dma_start3A_156 : memref<256x64xf32, #tpu.memory_space<vmem>>) offsets(%dma_start3A_159 : memref<256xi32, #tpu.memory_space<vmem>>) semaphore(%arg10 : memref<!tpu.dma_semaphore, #tpu.memory_space<semaphore_mem>>)
      %dma_wait3A_163 = arith.constant 0 : i32
      %dma_wait3A_164 = arith.constant 2 : i32
      %dma_wait3A_165 = arith.constant 0 : i32
      %dma_wait3A_166 = arith.constant 0 : i32
      %dma_wait3A_167 = arith.constant 0 : i32
      %dma_wait3A_168 = tpu.memref_slice %arg9[%dma_wait3A_165, %dma_wait3A_166, %dma_wait3A_167] : memref<2x256x64xf32, #tpu.memory_space<vmem>> -> memref<1x256x64xf32, #tpu.memory_space<vmem>>
      %dma_wait3A_169 = tpu.memref_squeeze %dma_wait3A_168 : memref<1x256x64xf32, #tpu.memory_space<vmem>> -> memref<256x64xf32, #tpu.memory_space<vmem>>
      %dma_wait3A_170 = arith.constant 0 : i32
      %dma_wait3A_171 = tpu.memref_slice %arg7[%dma_wait3A_163, %dma_wait3A_164, %dma_wait3A_170] : memref<2x4x256xi32, #tpu.memory_space<vmem>> -> memref<1x1x256xi32, #tpu.memory_space<vmem>>
      %dma_wait3A_172 = tpu.memref_squeeze %dma_wait3A_171 : memref<1x1x256xi32, #tpu.memory_space<vmem>> -> memref<256xi32, #tpu.memory_space<vmem>>
      %dma_wait3A_173 = arith.constant 0 : i32
      %dma_wait3A_174 = arith.constant 0 : i32
      %dma_wait3A_175 = tpu.memref_slice %arg15[%dma_wait3A_173, %dma_wait3A_174] : memref<10112x64xf32, #tpu.memory_space<vmem_shared>> -> memref<10112x64xf32, #tpu.memory_space<vmem_shared>>
      tpu.wait_indirect_dma semaphore(%arg10 : memref<!tpu.dma_semaphore, #tpu.memory_space<semaphore_mem>>) src(%dma_wait3A_175 : memref<10112x64xf32, #tpu.memory_space<vmem_shared>>) dst(%dma_wait3A_169 : memref<256x64xf32, #tpu.memory_space<vmem>>)
      %dma_start3A_176 = arith.constant 0 : i32
      %dma_start3A_177 = arith.constant 0 : i32
      %dma_start3A_178 = arith.constant 2 : i32
      %dma_start3A_179 = arith.constant 0 : i32
      %dma_start3A_180 = arith.constant 0 : i32
      %dma_start3A_181 = tpu.memref_slice %arg9[%dma_start3A_176, %dma_start3A_179, %dma_start3A_180] : memref<2x256x64xf32, #tpu.memory_space<vmem>> -> memref<1x256x64xf32, #tpu.memory_space<vmem>>
      %dma_start3A_182 = tpu.memref_squeeze %dma_start3A_181 : memref<1x256x64xf32, #tpu.memory_space<vmem>> -> memref<256x64xf32, #tpu.memory_space<vmem>>
      %dma_start3A_183 = arith.constant 0 : i32
      %dma_start3A_184 = tpu.memref_slice %arg8[%dma_start3A_177, %dma_start3A_178, %dma_start3A_183] : memref<2x4x256xi32, #tpu.memory_space<vmem>> -> memref<1x1x256xi32, #tpu.memory_space<vmem>>
      %dma_start3A_185 = tpu.memref_squeeze %dma_start3A_184 : memref<1x1x256xi32, #tpu.memory_space<vmem>> -> memref<256xi32, #tpu.memory_space<vmem>>
      %dma_start3A_186 = arith.constant 0 : i32
      %dma_start3A_187 = arith.constant 0 : i32
      %dma_start3A_188 = tpu.memref_slice %arg16[%dma_start3A_186, %dma_start3A_187] : memref<10112x64xf32, #tpu.memory_space<vmem_shared>> -> memref<10112x64xf32, #tpu.memory_space<vmem_shared>>
      tpu.enqueue_indirect_dma source(%dma_start3A_182 : memref<256x64xf32, #tpu.memory_space<vmem>>) target(%dma_start3A_188 : memref<10112x64xf32, #tpu.memory_space<vmem_shared>>) offsets(%dma_start3A_185 : memref<256xi32, #tpu.memory_space<vmem>>) semaphore(%arg12 : memref<!tpu.dma_semaphore, #tpu.memory_space<semaphore_mem>>) {add = true}
      %dma_wait3A_189 = arith.constant 1 : i32
      %dma_wait3A_190 = arith.constant 0 : i32
      %dma_wait3A_191 = arith.constant 1 : i32
      %dma_wait3A_192 = arith.constant 0 : i32
      %dma_wait3A_193 = arith.constant 0 : i32
      %dma_wait3A_194 = tpu.memref_slice %arg9[%dma_wait3A_189, %dma_wait3A_192, %dma_wait3A_193] : memref<2x256x64xf32, #tpu.memory_space<vmem>> -> memref<1x256x64xf32, #tpu.memory_space<vmem>>
      %dma_wait3A_195 = tpu.memref_squeeze %dma_wait3A_194 : memref<1x256x64xf32, #tpu.memory_space<vmem>> -> memref<256x64xf32, #tpu.memory_space<vmem>>
      %dma_wait3A_196 = arith.constant 0 : i32
      %dma_wait3A_197 = tpu.memref_slice %arg8[%dma_wait3A_190, %dma_wait3A_191, %dma_wait3A_196] : memref<2x4x256xi32, #tpu.memory_space<vmem>> -> memref<1x1x256xi32, #tpu.memory_space<vmem>>
      %dma_wait3A_198 = tpu.memref_squeeze %dma_wait3A_197 : memref<1x1x256xi32, #tpu.memory_space<vmem>> -> memref<256xi32, #tpu.memory_space<vmem>>
      %dma_wait3A_199 = arith.constant 0 : i32
      %dma_wait3A_200 = arith.constant 0 : i32
      %dma_wait3A_201 = tpu.memref_slice %arg16[%dma_wait3A_199, %dma_wait3A_200] : memref<10112x64xf32, #tpu.memory_space<vmem_shared>> -> memref<10112x64xf32, #tpu.memory_space<vmem_shared>>
      tpu.wait_indirect_dma semaphore(%arg13 : memref<!tpu.dma_semaphore, #tpu.memory_space<semaphore_mem>>) src(%dma_wait3A_195 : memref<256x64xf32, #tpu.memory_space<vmem>>) dst(%dma_wait3A_201 : memref<10112x64xf32, #tpu.memory_space<vmem_shared>>)
      %dma_start3A_202 = arith.constant 0 : i32
      %dma_start3A_203 = arith.constant 3 : i32
      %dma_start3A_204 = arith.constant 1 : i32
      %dma_start3A_205 = arith.constant 0 : i32
      %dma_start3A_206 = arith.constant 0 : i32
      %dma_start3A_207 = tpu.memref_slice %arg9[%dma_start3A_204, %dma_start3A_205, %dma_start3A_206] : memref<2x256x64xf32, #tpu.memory_space<vmem>> -> memref<1x256x64xf32, #tpu.memory_space<vmem>>
      %dma_start3A_208 = tpu.memref_squeeze %dma_start3A_207 : memref<1x256x64xf32, #tpu.memory_space<vmem>> -> memref<256x64xf32, #tpu.memory_space<vmem>>
      %dma_start3A_209 = arith.constant 0 : i32
      %dma_start3A_210 = tpu.memref_slice %arg7[%dma_start3A_202, %dma_start3A_203, %dma_start3A_209] : memref<2x4x256xi32, #tpu.memory_space<vmem>> -> memref<1x1x256xi32, #tpu.memory_space<vmem>>
      %dma_start3A_211 = tpu.memref_squeeze %dma_start3A_210 : memref<1x1x256xi32, #tpu.memory_space<vmem>> -> memref<256xi32, #tpu.memory_space<vmem>>
      %dma_start3A_212 = arith.constant 0 : i32
      %dma_start3A_213 = arith.constant 0 : i32
      %dma_start3A_214 = tpu.memref_slice %arg15[%dma_start3A_212, %dma_start3A_213] : memref<10112x64xf32, #tpu.memory_space<vmem_shared>> -> memref<10112x64xf32, #tpu.memory_space<vmem_shared>>
      tpu.enqueue_indirect_dma source(%dma_start3A_214 : memref<10112x64xf32, #tpu.memory_space<vmem_shared>>) target(%dma_start3A_208 : memref<256x64xf32, #tpu.memory_space<vmem>>) offsets(%dma_start3A_211 : memref<256xi32, #tpu.memory_space<vmem>>) semaphore(%arg11 : memref<!tpu.dma_semaphore, #tpu.memory_space<semaphore_mem>>)
      %dma_wait3A_215 = arith.constant 0 : i32
      %dma_wait3A_216 = arith.constant 3 : i32
      %dma_wait3A_217 = arith.constant 1 : i32
      %dma_wait3A_218 = arith.constant 0 : i32
      %dma_wait3A_219 = arith.constant 0 : i32
      %dma_wait3A_220 = tpu.memref_slice %arg9[%dma_wait3A_217, %dma_wait3A_218, %dma_wait3A_219] : memref<2x256x64xf32, #tpu.memory_space<vmem>> -> memref<1x256x64xf32, #tpu.memory_space<vmem>>
      %dma_wait3A_221 = tpu.memref_squeeze %dma_wait3A_220 : memref<1x256x64xf32, #tpu.memory_space<vmem>> -> memref<256x64xf32, #tpu.memory_space<vmem>>
      %dma_wait3A_222 = arith.constant 0 : i32
      %dma_wait3A_223 = tpu.memref_slice %arg7[%dma_wait3A_215, %dma_wait3A_216, %dma_wait3A_222] : memref<2x4x256xi32, #tpu.memory_space<vmem>> -> memref<1x1x256xi32, #tpu.memory_space<vmem>>
      %dma_wait3A_224 = tpu.memref_squeeze %dma_wait3A_223 : memref<1x1x256xi32, #tpu.memory_space<vmem>> -> memref<256xi32, #tpu.memory_space<vmem>>
      %dma_wait3A_225 = arith.constant 0 : i32
      %dma_wait3A_226 = arith.constant 0 : i32
      %dma_wait3A_227 = tpu.memref_slice %arg15[%dma_wait3A_225, %dma_wait3A_226] : memref<10112x64xf32, #tpu.memory_space<vmem_shared>> -> memref<10112x64xf32, #tpu.memory_space<vmem_shared>>
      tpu.wait_indirect_dma semaphore(%arg11 : memref<!tpu.dma_semaphore, #tpu.memory_space<semaphore_mem>>) src(%dma_wait3A_227 : memref<10112x64xf32, #tpu.memory_space<vmem_shared>>) dst(%dma_wait3A_221 : memref<256x64xf32, #tpu.memory_space<vmem>>)
      %dma_start3A_228 = arith.constant 1 : i32
      %dma_start3A_229 = arith.constant 0 : i32
      %dma_start3A_230 = arith.constant 3 : i32
      %dma_start3A_231 = arith.constant 0 : i32
      %dma_start3A_232 = arith.constant 0 : i32
      %dma_start3A_233 = tpu.memref_slice %arg9[%dma_start3A_228, %dma_start3A_231, %dma_start3A_232] : memref<2x256x64xf32, #tpu.memory_space<vmem>> -> memref<1x256x64xf32, #tpu.memory_space<vmem>>
      %dma_start3A_234 = tpu.memref_squeeze %dma_start3A_233 : memref<1x256x64xf32, #tpu.memory_space<vmem>> -> memref<256x64xf32, #tpu.memory_space<vmem>>
      %dma_start3A_235 = arith.constant 0 : i32
      %dma_start3A_236 = tpu.memref_slice %arg8[%dma_start3A_229, %dma_start3A_230, %dma_start3A_235] : memref<2x4x256xi32, #tpu.memory_space<vmem>> -> memref<1x1x256xi32, #tpu.memory_space<vmem>>
      %dma_start3A_237 = tpu.memref_squeeze %dma_start3A_236 : memref<1x1x256xi32, #tpu.memory_space<vmem>> -> memref<256xi32, #tpu.memory_space<vmem>>
      %dma_start3A_238 = arith.constant 0 : i32
      %dma_start3A_239 = arith.constant 0 : i32
      %dma_start3A_240 = tpu.memref_slice %arg16[%dma_start3A_238, %dma_start3A_239] : memref<10112x64xf32, #tpu.memory_space<vmem_shared>> -> memref<10112x64xf32, #tpu.memory_space<vmem_shared>>
      tpu.enqueue_indirect_dma source(%dma_start3A_234 : memref<256x64xf32, #tpu.memory_space<vmem>>) target(%dma_start3A_240 : memref<10112x64xf32, #tpu.memory_space<vmem_shared>>) offsets(%dma_start3A_237 : memref<256xi32, #tpu.memory_space<vmem>>) semaphore(%arg13 : memref<!tpu.dma_semaphore, #tpu.memory_space<semaphore_mem>>) {add = true}
      %add3A_241 = arith.constant 1 : i32
      %add3A_242 = arith.addi %add3A_63, %add3A_241 : i32
      %lt3A_243 = arith.constant 40 : i32
      %lt3A_244 = arith.cmpi slt, %add3A_242, %lt3A_243 : i32
      %convert_element_type3A_245 = arith.extui %lt3A_244 : i1 to i32
      %cond3A_246 = arith.constant 0 : i32
      %cond3A_247 = arith.cmpi ne, %convert_element_type3A_245, %cond3A_246 : i32
      scf.if %cond3A_247 {
        %add3A_448 = arith.constant 1 : i32
        %add3A_449 = arith.addi %add3A_63, %add3A_448 : i32
        %dma_wait3A_450 = arith.constant 1 : i32
        %dma_wait3A_451 = arith.constant 0 : i32
        %dma_wait3A_452 = arith.constant 0 : i32
        %dma_wait3A_453 = tpu.memref_slice %arg7[%dma_wait3A_450, %dma_wait3A_451, %dma_wait3A_452] : memref<2x4x256xi32, #tpu.memory_space<vmem>> -> memref<1x4x256xi32, #tpu.memory_space<vmem>>
        %dma_wait3A_454 = tpu.memref_squeeze %dma_wait3A_453 : memref<1x4x256xi32, #tpu.memory_space<vmem>> -> memref<4x256xi32, #tpu.memory_space<vmem>>
        %dma_wait3A_455 = arith.constant 0 : i32
        %dma_wait3A_456 = arith.constant 0 : i32
        %dma_wait3A_457 = tpu.memref_slice %arg3[%arg1, %add3A_449, %dma_wait3A_455, %dma_wait3A_456] : memref<16x40x4x256xi32, #tpu.memory_space<hbm>> -> memref<1x1x4x256xi32, #tpu.memory_space<hbm>>
        %dma_wait3A_458 = tpu.memref_squeeze %dma_wait3A_457 : memref<1x1x4x256xi32, #tpu.memory_space<hbm>> -> memref<4x256xi32, #tpu.memory_space<hbm>>
        %dma_wait3A_459 = arith.constant 0 : i32
        %dma_wait3A_460 = arith.constant 0 : i32
        %dma_wait3A_461 = tpu.memref_slice %arg7[%dma_wait3A_450, %dma_wait3A_459, %dma_wait3A_460] : memref<2x4x256xi32, #tpu.memory_space<vmem>> -> memref<1x4x256xi32, #tpu.memory_space<vmem>>
        %dma_wait3A_462 = tpu.memref_squeeze %dma_wait3A_461 : memref<1x4x256xi32, #tpu.memory_space<vmem>> -> memref<4x256xi32, #tpu.memory_space<vmem>>
        %dma_wait3A_463 = arith.constant 0 : i32
        %dma_wait3A_464 = arith.constant 0 : i32
        %dma_wait3A_465 = tpu.memref_slice %arg3[%arg1, %add3A_449, %dma_wait3A_463, %dma_wait3A_464] : memref<16x40x4x256xi32, #tpu.memory_space<hbm>> -> memref<1x1x4x256xi32, #tpu.memory_space<hbm>>
        %dma_wait3A_466 = tpu.memref_squeeze %dma_wait3A_465 : memref<1x1x4x256xi32, #tpu.memory_space<hbm>> -> memref<4x256xi32, #tpu.memory_space<hbm>>
        tpu.wait_dma2 semaphore(%arg14 : memref<!tpu.dma_semaphore, #tpu.memory_space<semaphore_mem>>) src(%dma_wait3A_466 : memref<4x256xi32, #tpu.memory_space<hbm>>) dst(%dma_wait3A_462 : memref<4x256xi32, #tpu.memory_space<vmem>>)
        %add3A_467 = arith.constant 1 : i32
        %add3A_468 = arith.addi %add3A_63, %add3A_467 : i32
        %dma_wait3A_469 = arith.constant 1 : i32
        %dma_wait3A_470 = arith.constant 0 : i32
        %dma_wait3A_471 = arith.constant 0 : i32
        %dma_wait3A_472 = tpu.memref_slice %arg8[%dma_wait3A_469, %dma_wait3A_470, %dma_wait3A_471] : memref<2x4x256xi32, #tpu.memory_space<vmem>> -> memref<1x4x256xi32, #tpu.memory_space<vmem>>
        %dma_wait3A_473 = tpu.memref_squeeze %dma_wait3A_472 : memref<1x4x256xi32, #tpu.memory_space<vmem>> -> memref<4x256xi32, #tpu.memory_space<vmem>>
        %dma_wait3A_474 = arith.constant 0 : i32
        %dma_wait3A_475 = arith.constant 0 : i32
        %dma_wait3A_476 = tpu.memref_slice %arg4[%arg1, %add3A_468, %dma_wait3A_474, %dma_wait3A_475] : memref<16x40x4x256xi32, #tpu.memory_space<hbm>> -> memref<1x1x4x256xi32, #tpu.memory_space<hbm>>
        %dma_wait3A_477 = tpu.memref_squeeze %dma_wait3A_476 : memref<1x1x4x256xi32, #tpu.memory_space<hbm>> -> memref<4x256xi32, #tpu.memory_space<hbm>>
        %dma_wait3A_478 = arith.constant 0 : i32
        %dma_wait3A_479 = arith.constant 0 : i32
        %dma_wait3A_480 = tpu.memref_slice %arg8[%dma_wait3A_469, %dma_wait3A_478, %dma_wait3A_479] : memref<2x4x256xi32, #tpu.memory_space<vmem>> -> memref<1x4x256xi32, #tpu.memory_space<vmem>>
        %dma_wait3A_481 = tpu.memref_squeeze %dma_wait3A_480 : memref<1x4x256xi32, #tpu.memory_space<vmem>> -> memref<4x256xi32, #tpu.memory_space<vmem>>
        %dma_wait3A_482 = arith.constant 0 : i32
        %dma_wait3A_483 = arith.constant 0 : i32
        %dma_wait3A_484 = tpu.memref_slice %arg4[%arg1, %add3A_468, %dma_wait3A_482, %dma_wait3A_483] : memref<16x40x4x256xi32, #tpu.memory_space<hbm>> -> memref<1x1x4x256xi32, #tpu.memory_space<hbm>>
        %dma_wait3A_485 = tpu.memref_squeeze %dma_wait3A_484 : memref<1x1x4x256xi32, #tpu.memory_space<hbm>> -> memref<4x256xi32, #tpu.memory_space<hbm>>
        tpu.wait_dma2 semaphore(%arg14 : memref<!tpu.dma_semaphore, #tpu.memory_space<semaphore_mem>>) src(%dma_wait3A_485 : memref<4x256xi32, #tpu.memory_space<hbm>>) dst(%dma_wait3A_481 : memref<4x256xi32, #tpu.memory_space<vmem>>)
        %dma_wait3A_486 = arith.constant 0 : i32
        %dma_wait3A_487 = arith.constant 0 : i32
        %dma_wait3A_488 = arith.constant 2 : i32
        %dma_wait3A_489 = arith.constant 0 : i32
        %dma_wait3A_490 = arith.constant 0 : i32
        %dma_wait3A_491 = tpu.memref_slice %arg9[%dma_wait3A_486, %dma_wait3A_489, %dma_wait3A_490] : memref<2x256x64xf32, #tpu.memory_space<vmem>> -> memref<1x256x64xf32, #tpu.memory_space<vmem>>
        %dma_wait3A_492 = tpu.memref_squeeze %dma_wait3A_491 : memref<1x256x64xf32, #tpu.memory_space<vmem>> -> memref<256x64xf32, #tpu.memory_space<vmem>>
        %dma_wait3A_493 = arith.constant 0 : i32
        %dma_wait3A_494 = tpu.memref_slice %arg8[%dma_wait3A_487, %dma_wait3A_488, %dma_wait3A_493] : memref<2x4x256xi32, #tpu.memory_space<vmem>> -> memref<1x1x256xi32, #tpu.memory_space<vmem>>
        %dma_wait3A_495 = tpu.memref_squeeze %dma_wait3A_494 : memref<1x1x256xi32, #tpu.memory_space<vmem>> -> memref<256xi32, #tpu.memory_space<vmem>>
        %dma_wait3A_496 = arith.constant 0 : i32
        %dma_wait3A_497 = arith.constant 0 : i32
        %dma_wait3A_498 = tpu.memref_slice %arg16[%dma_wait3A_496, %dma_wait3A_497] : memref<10112x64xf32, #tpu.memory_space<vmem_shared>> -> memref<10112x64xf32, #tpu.memory_space<vmem_shared>>
        tpu.wait_indirect_dma semaphore(%arg12 : memref<!tpu.dma_semaphore, #tpu.memory_space<semaphore_mem>>) src(%dma_wait3A_492 : memref<256x64xf32, #tpu.memory_space<vmem>>) dst(%dma_wait3A_498 : memref<10112x64xf32, #tpu.memory_space<vmem_shared>>)
        %dma_start3A_499 = arith.constant 1 : i32
        %dma_start3A_500 = arith.constant 0 : i32
        %dma_start3A_501 = arith.constant 0 : i32
        %dma_start3A_502 = arith.constant 0 : i32
        %dma_start3A_503 = arith.constant 0 : i32
        %dma_start3A_504 = tpu.memref_slice %arg9[%dma_start3A_501, %dma_start3A_502, %dma_start3A_503] : memref<2x256x64xf32, #tpu.memory_space<vmem>> -> memref<1x256x64xf32, #tpu.memory_space<vmem>>
        %dma_start3A_505 = tpu.memref_squeeze %dma_start3A_504 : memref<1x256x64xf32, #tpu.memory_space<vmem>> -> memref<256x64xf32, #tpu.memory_space<vmem>>
        %dma_start3A_506 = arith.constant 0 : i32
        %dma_start3A_507 = tpu.memref_slice %arg7[%dma_start3A_499, %dma_start3A_500, %dma_start3A_506] : memref<2x4x256xi32, #tpu.memory_space<vmem>> -> memref<1x1x256xi32, #tpu.memory_space<vmem>>
        %dma_start3A_508 = tpu.memref_squeeze %dma_start3A_507 : memref<1x1x256xi32, #tpu.memory_space<vmem>> -> memref<256xi32, #tpu.memory_space<vmem>>
        %dma_start3A_509 = arith.constant 0 : i32
        %dma_start3A_510 = arith.constant 0 : i32
        %dma_start3A_511 = tpu.memref_slice %arg15[%dma_start3A_509, %dma_start3A_510] : memref<10112x64xf32, #tpu.memory_space<vmem_shared>> -> memref<10112x64xf32, #tpu.memory_space<vmem_shared>>
        tpu.enqueue_indirect_dma source(%dma_start3A_511 : memref<10112x64xf32, #tpu.memory_space<vmem_shared>>) target(%dma_start3A_505 : memref<256x64xf32, #tpu.memory_space<vmem>>) offsets(%dma_start3A_508 : memref<256xi32, #tpu.memory_space<vmem>>) semaphore(%arg10 : memref<!tpu.dma_semaphore, #tpu.memory_space<semaphore_mem>>)
      } else {
      }
      %mul3A_248 = arith.constant 2 : i32
      %mul3A_249 = arith.muli %mul3A_248, %add3A_59 : i32
      %add3A_250 = arith.constant 1 : i32
      %add3A_251 = arith.addi %mul3A_249, %add3A_250 : i32
      %add3A_252 = arith.constant 1 : i32
      %add3A_253 = arith.addi %add3A_251, %add3A_252 : i32
      %lt3A_254 = arith.constant 40 : i32
      %lt3A_255 = arith.cmpi slt, %add3A_253, %lt3A_254 : i32
      %convert_element_type3A_256 = arith.extui %lt3A_255 : i1 to i32
      %cond3A_257 = arith.constant 0 : i32
      %cond3A_258 = arith.cmpi ne, %convert_element_type3A_256, %cond3A_257 : i32
      scf.if %cond3A_258 {
        %add3A_448 = arith.constant 1 : i32
        %add3A_449 = arith.addi %add3A_251, %add3A_448 : i32
        %dma_start3A_450 = arith.constant 0 : i32
        %dma_start3A_451 = arith.constant 0 : i32
        %dma_start3A_452 = arith.constant 0 : i32
        %dma_start3A_453 = tpu.memref_slice %arg7[%dma_start3A_450, %dma_start3A_451, %dma_start3A_452] : memref<2x4x256xi32, #tpu.memory_space<vmem>> -> memref<1x4x256xi32, #tpu.memory_space<vmem>>
        %dma_start3A_454 = tpu.memref_squeeze %dma_start3A_453 : memref<1x4x256xi32, #tpu.memory_space<vmem>> -> memref<4x256xi32, #tpu.memory_space<vmem>>
        %dma_start3A_455 = arith.constant 0 : i32
        %dma_start3A_456 = arith.constant 0 : i32
        %dma_start3A_457 = tpu.memref_slice %arg3[%arg1, %add3A_449, %dma_start3A_455, %dma_start3A_456] : memref<16x40x4x256xi32, #tpu.memory_space<hbm>> -> memref<1x1x4x256xi32, #tpu.memory_space<hbm>>
        %dma_start3A_458 = tpu.memref_squeeze %dma_start3A_457 : memref<1x1x4x256xi32, #tpu.memory_space<hbm>> -> memref<4x256xi32, #tpu.memory_space<hbm>>
        %dma_start3A_459 = arith.constant 0 : i32
        %dma_start3A_460 = arith.constant 0 : i32
        %dma_start3A_461 = tpu.memref_slice %arg7[%dma_start3A_450, %dma_start3A_459, %dma_start3A_460] : memref<2x4x256xi32, #tpu.memory_space<vmem>> -> memref<1x4x256xi32, #tpu.memory_space<vmem>>
        %dma_start3A_462 = tpu.memref_squeeze %dma_start3A_461 : memref<1x4x256xi32, #tpu.memory_space<vmem>> -> memref<4x256xi32, #tpu.memory_space<vmem>>
        %dma_start3A_463 = arith.constant 0 : i32
        %dma_start3A_464 = arith.constant 0 : i32
        %dma_start3A_465 = tpu.memref_slice %arg3[%arg1, %add3A_449, %dma_start3A_463, %dma_start3A_464] : memref<16x40x4x256xi32, #tpu.memory_space<hbm>> -> memref<1x1x4x256xi32, #tpu.memory_space<hbm>>
        %dma_start3A_466 = tpu.memref_squeeze %dma_start3A_465 : memref<1x1x4x256xi32, #tpu.memory_space<hbm>> -> memref<4x256xi32, #tpu.memory_space<hbm>>
        tpu.enqueue_dma source(%dma_start3A_466 : memref<4x256xi32, #tpu.memory_space<hbm>>) target(%dma_start3A_462 : memref<4x256xi32, #tpu.memory_space<vmem>>) target_semaphore(%arg14 : memref<!tpu.dma_semaphore, #tpu.memory_space<semaphore_mem>>)
        %add3A_467 = arith.constant 1 : i32
        %add3A_468 = arith.addi %add3A_251, %add3A_467 : i32
        %dma_start3A_469 = arith.constant 0 : i32
        %dma_start3A_470 = arith.constant 0 : i32
        %dma_start3A_471 = arith.constant 0 : i32
        %dma_start3A_472 = tpu.memref_slice %arg8[%dma_start3A_469, %dma_start3A_470, %dma_start3A_471] : memref<2x4x256xi32, #tpu.memory_space<vmem>> -> memref<1x4x256xi32, #tpu.memory_space<vmem>>
        %dma_start3A_473 = tpu.memref_squeeze %dma_start3A_472 : memref<1x4x256xi32, #tpu.memory_space<vmem>> -> memref<4x256xi32, #tpu.memory_space<vmem>>
        %dma_start3A_474 = arith.constant 0 : i32
        %dma_start3A_475 = arith.constant 0 : i32
        %dma_start3A_476 = tpu.memref_slice %arg4[%arg1, %add3A_468, %dma_start3A_474, %dma_start3A_475] : memref<16x40x4x256xi32, #tpu.memory_space<hbm>> -> memref<1x1x4x256xi32, #tpu.memory_space<hbm>>
        %dma_start3A_477 = tpu.memref_squeeze %dma_start3A_476 : memref<1x1x4x256xi32, #tpu.memory_space<hbm>> -> memref<4x256xi32, #tpu.memory_space<hbm>>
        %dma_start3A_478 = arith.constant 0 : i32
        %dma_start3A_479 = arith.constant 0 : i32
        %dma_start3A_480 = tpu.memref_slice %arg8[%dma_start3A_469, %dma_start3A_478, %dma_start3A_479] : memref<2x4x256xi32, #tpu.memory_space<vmem>> -> memref<1x4x256xi32, #tpu.memory_space<vmem>>
        %dma_start3A_481 = tpu.memref_squeeze %dma_start3A_480 : memref<1x4x256xi32, #tpu.memory_space<vmem>> -> memref<4x256xi32, #tpu.memory_space<vmem>>
        %dma_start3A_482 = arith.constant 0 : i32
        %dma_start3A_483 = arith.constant 0 : i32
        %dma_start3A_484 = tpu.memref_slice %arg4[%arg1, %add3A_468, %dma_start3A_482, %dma_start3A_483] : memref<16x40x4x256xi32, #tpu.memory_space<hbm>> -> memref<1x1x4x256xi32, #tpu.memory_space<hbm>>
        %dma_start3A_485 = tpu.memref_squeeze %dma_start3A_484 : memref<1x1x4x256xi32, #tpu.memory_space<hbm>> -> memref<4x256xi32, #tpu.memory_space<hbm>>
        tpu.enqueue_dma source(%dma_start3A_485 : memref<4x256xi32, #tpu.memory_space<hbm>>) target(%dma_start3A_481 : memref<4x256xi32, #tpu.memory_space<vmem>>) target_semaphore(%arg14 : memref<!tpu.dma_semaphore, #tpu.memory_space<semaphore_mem>>)
      } else {
      }
      %dma_wait3A_259 = arith.constant 1 : i32
      %dma_wait3A_260 = arith.constant 0 : i32
      %dma_wait3A_261 = arith.constant 0 : i32
      %dma_wait3A_262 = arith.constant 0 : i32
      %dma_wait3A_263 = arith.constant 0 : i32
      %dma_wait3A_264 = tpu.memref_slice %arg9[%dma_wait3A_261, %dma_wait3A_262, %dma_wait3A_263] : memref<2x256x64xf32, #tpu.memory_space<vmem>> -> memref<1x256x64xf32, #tpu.memory_space<vmem>>
      %dma_wait3A_265 = tpu.memref_squeeze %dma_wait3A_264 : memref<1x256x64xf32, #tpu.memory_space<vmem>> -> memref<256x64xf32, #tpu.memory_space<vmem>>
      %dma_wait3A_266 = arith.constant 0 : i32
      %dma_wait3A_267 = tpu.memref_slice %arg7[%dma_wait3A_259, %dma_wait3A_260, %dma_wait3A_266] : memref<2x4x256xi32, #tpu.memory_space<vmem>> -> memref<1x1x256xi32, #tpu.memory_space<vmem>>
      %dma_wait3A_268 = tpu.memref_squeeze %dma_wait3A_267 : memref<1x1x256xi32, #tpu.memory_space<vmem>> -> memref<256xi32, #tpu.memory_space<vmem>>
      %dma_wait3A_269 = arith.constant 0 : i32
      %dma_wait3A_270 = arith.constant 0 : i32
      %dma_wait3A_271 = tpu.memref_slice %arg15[%dma_wait3A_269, %dma_wait3A_270] : memref<10112x64xf32, #tpu.memory_space<vmem_shared>> -> memref<10112x64xf32, #tpu.memory_space<vmem_shared>>
      tpu.wait_indirect_dma semaphore(%arg10 : memref<!tpu.dma_semaphore, #tpu.memory_space<semaphore_mem>>) src(%dma_wait3A_271 : memref<10112x64xf32, #tpu.memory_space<vmem_shared>>) dst(%dma_wait3A_265 : memref<256x64xf32, #tpu.memory_space<vmem>>)
      %dma_start3A_272 = arith.constant 0 : i32
      %dma_start3A_273 = arith.constant 1 : i32
      %dma_start3A_274 = arith.constant 0 : i32
      %dma_start3A_275 = arith.constant 0 : i32
      %dma_start3A_276 = arith.constant 0 : i32
      %dma_start3A_277 = tpu.memref_slice %arg9[%dma_start3A_272, %dma_start3A_275, %dma_start3A_276] : memref<2x256x64xf32, #tpu.memory_space<vmem>> -> memref<1x256x64xf32, #tpu.memory_space<vmem>>
      %dma_start3A_278 = tpu.memref_squeeze %dma_start3A_277 : memref<1x256x64xf32, #tpu.memory_space<vmem>> -> memref<256x64xf32, #tpu.memory_space<vmem>>
      %dma_start3A_279 = arith.constant 0 : i32
      %dma_start3A_280 = tpu.memref_slice %arg8[%dma_start3A_273, %dma_start3A_274, %dma_start3A_279] : memref<2x4x256xi32, #tpu.memory_space<vmem>> -> memref<1x1x256xi32, #tpu.memory_space<vmem>>
      %dma_start3A_281 = tpu.memref_squeeze %dma_start3A_280 : memref<1x1x256xi32, #tpu.memory_space<vmem>> -> memref<256xi32, #tpu.memory_space<vmem>>
      %dma_start3A_282 = arith.constant 0 : i32
      %dma_start3A_283 = arith.constant 0 : i32
      %dma_start3A_284 = tpu.memref_slice %arg16[%dma_start3A_282, %dma_start3A_283] : memref<10112x64xf32, #tpu.memory_space<vmem_shared>> -> memref<10112x64xf32, #tpu.memory_space<vmem_shared>>
      tpu.enqueue_indirect_dma source(%dma_start3A_278 : memref<256x64xf32, #tpu.memory_space<vmem>>) target(%dma_start3A_284 : memref<10112x64xf32, #tpu.memory_space<vmem_shared>>) offsets(%dma_start3A_281 : memref<256xi32, #tpu.memory_space<vmem>>) semaphore(%arg12 : memref<!tpu.dma_semaphore, #tpu.memory_space<semaphore_mem>>) {add = true}
      %dma_wait3A_285 = arith.constant 1 : i32
      %dma_wait3A_286 = arith.constant 0 : i32
      %dma_wait3A_287 = arith.constant 3 : i32
      %dma_wait3A_288 = arith.constant 0 : i32
      %dma_wait3A_289 = arith.constant 0 : i32
      %dma_wait3A_290 = tpu.memref_slice %arg9[%dma_wait3A_285, %dma_wait3A_288, %dma_wait3A_289] : memref<2x256x64xf32, #tpu.memory_space<vmem>> -> memref<1x256x64xf32, #tpu.memory_space<vmem>>
      %dma_wait3A_291 = tpu.memref_squeeze %dma_wait3A_290 : memref<1x256x64xf32, #tpu.memory_space<vmem>> -> memref<256x64xf32, #tpu.memory_space<vmem>>
      %dma_wait3A_292 = arith.constant 0 : i32
      %dma_wait3A_293 = tpu.memref_slice %arg8[%dma_wait3A_286, %dma_wait3A_287, %dma_wait3A_292] : memref<2x4x256xi32, #tpu.memory_space<vmem>> -> memref<1x1x256xi32, #tpu.memory_space<vmem>>
      %dma_wait3A_294 = tpu.memref_squeeze %dma_wait3A_293 : memref<1x1x256xi32, #tpu.memory_space<vmem>> -> memref<256xi32, #tpu.memory_space<vmem>>
      %dma_wait3A_295 = arith.constant 0 : i32
      %dma_wait3A_296 = arith.constant 0 : i32
      %dma_wait3A_297 = tpu.memref_slice %arg16[%dma_wait3A_295, %dma_wait3A_296] : memref<10112x64xf32, #tpu.memory_space<vmem_shared>> -> memref<10112x64xf32, #tpu.memory_space<vmem_shared>>
      tpu.wait_indirect_dma semaphore(%arg13 : memref<!tpu.dma_semaphore, #tpu.memory_space<semaphore_mem>>) src(%dma_wait3A_291 : memref<256x64xf32, #tpu.memory_space<vmem>>) dst(%dma_wait3A_297 : memref<10112x64xf32, #tpu.memory_space<vmem_shared>>)
      %dma_start3A_298 = arith.constant 1 : i32
      %dma_start3A_299 = arith.constant 1 : i32
      %dma_start3A_300 = arith.constant 1 : i32
      %dma_start3A_301 = arith.constant 0 : i32
      %dma_start3A_302 = arith.constant 0 : i32
      %dma_start3A_303 = tpu.memref_slice %arg9[%dma_start3A_300, %dma_start3A_301, %dma_start3A_302] : memref<2x256x64xf32, #tpu.memory_space<vmem>> -> memref<1x256x64xf32, #tpu.memory_space<vmem>>
      %dma_start3A_304 = tpu.memref_squeeze %dma_start3A_303 : memref<1x256x64xf32, #tpu.memory_space<vmem>> -> memref<256x64xf32, #tpu.memory_space<vmem>>
      %dma_start3A_305 = arith.constant 0 : i32
      %dma_start3A_306 = tpu.memref_slice %arg7[%dma_start3A_298, %dma_start3A_299, %dma_start3A_305] : memref<2x4x256xi32, #tpu.memory_space<vmem>> -> memref<1x1x256xi32, #tpu.memory_space<vmem>>
      %dma_start3A_307 = tpu.memref_squeeze %dma_start3A_306 : memref<1x1x256xi32, #tpu.memory_space<vmem>> -> memref<256xi32, #tpu.memory_space<vmem>>
      %dma_start3A_308 = arith.constant 0 : i32
      %dma_start3A_309 = arith.constant 0 : i32
      %dma_start3A_310 = tpu.memref_slice %arg15[%dma_start3A_308, %dma_start3A_309] : memref<10112x64xf32, #tpu.memory_space<vmem_shared>> -> memref<10112x64xf32, #tpu.memory_space<vmem_shared>>
      tpu.enqueue_indirect_dma source(%dma_start3A_310 : memref<10112x64xf32, #tpu.memory_space<vmem_shared>>) target(%dma_start3A_304 : memref<256x64xf32, #tpu.memory_space<vmem>>) offsets(%dma_start3A_307 : memref<256xi32, #tpu.memory_space<vmem>>) semaphore(%arg11 : memref<!tpu.dma_semaphore, #tpu.memory_space<semaphore_mem>>)
      %dma_wait3A_311 = arith.constant 1 : i32
      %dma_wait3A_312 = arith.constant 1 : i32
      %dma_wait3A_313 = arith.constant 1 : i32
      %dma_wait3A_314 = arith.constant 0 : i32
      %dma_wait3A_315 = arith.constant 0 : i32
      %dma_wait3A_316 = tpu.memref_slice %arg9[%dma_wait3A_313, %dma_wait3A_314, %dma_wait3A_315] : memref<2x256x64xf32, #tpu.memory_space<vmem>> -> memref<1x256x64xf32, #tpu.memory_space<vmem>>
      %dma_wait3A_317 = tpu.memref_squeeze %dma_wait3A_316 : memref<1x256x64xf32, #tpu.memory_space<vmem>> -> memref<256x64xf32, #tpu.memory_space<vmem>>
      %dma_wait3A_318 = arith.constant 0 : i32
      %dma_wait3A_319 = tpu.memref_slice %arg7[%dma_wait3A_311, %dma_wait3A_312, %dma_wait3A_318] : memref<2x4x256xi32, #tpu.memory_space<vmem>> -> memref<1x1x256xi32, #tpu.memory_space<vmem>>
      %dma_wait3A_320 = tpu.memref_squeeze %dma_wait3A_319 : memref<1x1x256xi32, #tpu.memory_space<vmem>> -> memref<256xi32, #tpu.memory_space<vmem>>
      %dma_wait3A_321 = arith.constant 0 : i32
      %dma_wait3A_322 = arith.constant 0 : i32
      %dma_wait3A_323 = tpu.memref_slice %arg15[%dma_wait3A_321, %dma_wait3A_322] : memref<10112x64xf32, #tpu.memory_space<vmem_shared>> -> memref<10112x64xf32, #tpu.memory_space<vmem_shared>>
      tpu.wait_indirect_dma semaphore(%arg11 : memref<!tpu.dma_semaphore, #tpu.memory_space<semaphore_mem>>) src(%dma_wait3A_323 : memref<10112x64xf32, #tpu.memory_space<vmem_shared>>) dst(%dma_wait3A_317 : memref<256x64xf32, #tpu.memory_space<vmem>>)
      %dma_start3A_324 = arith.constant 1 : i32
      %dma_start3A_325 = arith.constant 1 : i32
      %dma_start3A_326 = arith.constant 1 : i32
      %dma_start3A_327 = arith.constant 0 : i32
      %dma_start3A_328 = arith.constant 0 : i32
      %dma_start3A_329 = tpu.memref_slice %arg9[%dma_start3A_324, %dma_start3A_327, %dma_start3A_328] : memref<2x256x64xf32, #tpu.memory_space<vmem>> -> memref<1x256x64xf32, #tpu.memory_space<vmem>>
      %dma_start3A_330 = tpu.memref_squeeze %dma_start3A_329 : memref<1x256x64xf32, #tpu.memory_space<vmem>> -> memref<256x64xf32, #tpu.memory_space<vmem>>
      %dma_start3A_331 = arith.constant 0 : i32
      %dma_start3A_332 = tpu.memref_slice %arg8[%dma_start3A_325, %dma_start3A_326, %dma_start3A_331] : memref<2x4x256xi32, #tpu.memory_space<vmem>> -> memref<1x1x256xi32, #tpu.memory_space<vmem>>
      %dma_start3A_333 = tpu.memref_squeeze %dma_start3A_332 : memref<1x1x256xi32, #tpu.memory_space<vmem>> -> memref<256xi32, #tpu.memory_space<vmem>>
      %dma_start3A_334 = arith.constant 0 : i32
      %dma_start3A_335 = arith.constant 0 : i32
      %dma_start3A_336 = tpu.memref_slice %arg16[%dma_start3A_334, %dma_start3A_335] : memref<10112x64xf32, #tpu.memory_space<vmem_shared>> -> memref<10112x64xf32, #tpu.memory_space<vmem_shared>>
      tpu.enqueue_indirect_dma source(%dma_start3A_330 : memref<256x64xf32, #tpu.memory_space<vmem>>) target(%dma_start3A_336 : memref<10112x64xf32, #tpu.memory_space<vmem_shared>>) offsets(%dma_start3A_333 : memref<256xi32, #tpu.memory_space<vmem>>) semaphore(%arg13 : memref<!tpu.dma_semaphore, #tpu.memory_space<semaphore_mem>>) {add = true}
      %dma_wait3A_337 = arith.constant 0 : i32
      %dma_wait3A_338 = arith.constant 1 : i32
      %dma_wait3A_339 = arith.constant 0 : i32
      %dma_wait3A_340 = arith.constant 0 : i32
      %dma_wait3A_341 = arith.constant 0 : i32
      %dma_wait3A_342 = tpu.memref_slice %arg9[%dma_wait3A_337, %dma_wait3A_340, %dma_wait3A_341] : memref<2x256x64xf32, #tpu.memory_space<vmem>> -> memref<1x256x64xf32, #tpu.memory_space<vmem>>
      %dma_wait3A_343 = tpu.memref_squeeze %dma_wait3A_342 : memref<1x256x64xf32, #tpu.memory_space<vmem>> -> memref<256x64xf32, #tpu.memory_space<vmem>>
      %dma_wait3A_344 = arith.constant 0 : i32
      %dma_wait3A_345 = tpu.memref_slice %arg8[%dma_wait3A_338, %dma_wait3A_339, %dma_wait3A_344] : memref<2x4x256xi32, #tpu.memory_space<vmem>> -> memref<1x1x256xi32, #tpu.memory_space<vmem>>
      %dma_wait3A_346 = tpu.memref_squeeze %dma_wait3A_345 : memref<1x1x256xi32, #tpu.memory_space<vmem>> -> memref<256xi32, #tpu.memory_space<vmem>>
      %dma_wait3A_347 = arith.constant 0 : i32
      %dma_wait3A_348 = arith.constant 0 : i32
      %dma_wait3A_349 = tpu.memref_slice %arg16[%dma_wait3A_347, %dma_wait3A_348] : memref<10112x64xf32, #tpu.memory_space<vmem_shared>> -> memref<10112x64xf32, #tpu.memory_space<vmem_shared>>
      tpu.wait_indirect_dma semaphore(%arg12 : memref<!tpu.dma_semaphore, #tpu.memory_space<semaphore_mem>>) src(%dma_wait3A_343 : memref<256x64xf32, #tpu.memory_space<vmem>>) dst(%dma_wait3A_349 : memref<10112x64xf32, #tpu.memory_space<vmem_shared>>)
      %dma_start3A_350 = arith.constant 1 : i32
      %dma_start3A_351 = arith.constant 2 : i32
      %dma_start3A_352 = arith.constant 0 : i32
      %dma_start3A_353 = arith.constant 0 : i32
      %dma_start3A_354 = arith.constant 0 : i32
      %dma_start3A_355 = tpu.memref_slice %arg9[%dma_start3A_352, %dma_start3A_353, %dma_start3A_354] : memref<2x256x64xf32, #tpu.memory_space<vmem>> -> memref<1x256x64xf32, #tpu.memory_space<vmem>>
      %dma_start3A_356 = tpu.memref_squeeze %dma_start3A_355 : memref<1x256x64xf32, #tpu.memory_space<vmem>> -> memref<256x64xf32, #tpu.memory_space<vmem>>
      %dma_start3A_357 = arith.constant 0 : i32
      %dma_start3A_358 = tpu.memref_slice %arg7[%dma_start3A_350, %dma_start3A_351, %dma_start3A_357] : memref<2x4x256xi32, #tpu.memory_space<vmem>> -> memref<1x1x256xi32, #tpu.memory_space<vmem>>
      %dma_start3A_359 = tpu.memref_squeeze %dma_start3A_358 : memref<1x1x256xi32, #tpu.memory_space<vmem>> -> memref<256xi32, #tpu.memory_space<vmem>>
      %dma_start3A_360 = arith.constant 0 : i32
      %dma_start3A_361 = arith.constant 0 : i32
      %dma_start3A_362 = tpu.memref_slice %arg15[%dma_start3A_360, %dma_start3A_361] : memref<10112x64xf32, #tpu.memory_space<vmem_shared>> -> memref<10112x64xf32, #tpu.memory_space<vmem_shared>>
      tpu.enqueue_indirect_dma source(%dma_start3A_362 : memref<10112x64xf32, #tpu.memory_space<vmem_shared>>) target(%dma_start3A_356 : memref<256x64xf32, #tpu.memory_space<vmem>>) offsets(%dma_start3A_359 : memref<256xi32, #tpu.memory_space<vmem>>) semaphore(%arg10 : memref<!tpu.dma_semaphore, #tpu.memory_space<semaphore_mem>>)
      %dma_wait3A_363 = arith.constant 1 : i32
      %dma_wait3A_364 = arith.constant 2 : i32
      %dma_wait3A_365 = arith.constant 0 : i32
      %dma_wait3A_366 = arith.constant 0 : i32
      %dma_wait3A_367 = arith.constant 0 : i32
      %dma_wait3A_368 = tpu.memref_slice %arg9[%dma_wait3A_365, %dma_wait3A_366, %dma_wait3A_367] : memref<2x256x64xf32, #tpu.memory_space<vmem>> -> memref<1x256x64xf32, #tpu.memory_space<vmem>>
      %dma_wait3A_369 = tpu.memref_squeeze %dma_wait3A_368 : memref<1x256x64xf32, #tpu.memory_space<vmem>> -> memref<256x64xf32, #tpu.memory_space<vmem>>
      %dma_wait3A_370 = arith.constant 0 : i32
      %dma_wait3A_371 = tpu.memref_slice %arg7[%dma_wait3A_363, %dma_wait3A_364, %dma_wait3A_370] : memref<2x4x256xi32, #tpu.memory_space<vmem>> -> memref<1x1x256xi32, #tpu.memory_space<vmem>>
      %dma_wait3A_372 = tpu.memref_squeeze %dma_wait3A_371 : memref<1x1x256xi32, #tpu.memory_space<vmem>> -> memref<256xi32, #tpu.memory_space<vmem>>
      %dma_wait3A_373 = arith.constant 0 : i32
      %dma_wait3A_374 = arith.constant 0 : i32
      %dma_wait3A_375 = tpu.memref_slice %arg15[%dma_wait3A_373, %dma_wait3A_374] : memref<10112x64xf32, #tpu.memory_space<vmem_shared>> -> memref<10112x64xf32, #tpu.memory_space<vmem_shared>>
      tpu.wait_indirect_dma semaphore(%arg10 : memref<!tpu.dma_semaphore, #tpu.memory_space<semaphore_mem>>) src(%dma_wait3A_375 : memref<10112x64xf32, #tpu.memory_space<vmem_shared>>) dst(%dma_wait3A_369 : memref<256x64xf32, #tpu.memory_space<vmem>>)
      %dma_start3A_376 = arith.constant 0 : i32
      %dma_start3A_377 = arith.constant 1 : i32
      %dma_start3A_378 = arith.constant 2 : i32
      %dma_start3A_379 = arith.constant 0 : i32
      %dma_start3A_380 = arith.constant 0 : i32
      %dma_start3A_381 = tpu.memref_slice %arg9[%dma_start3A_376, %dma_start3A_379, %dma_start3A_380] : memref<2x256x64xf32, #tpu.memory_space<vmem>> -> memref<1x256x64xf32, #tpu.memory_space<vmem>>
      %dma_start3A_382 = tpu.memref_squeeze %dma_start3A_381 : memref<1x256x64xf32, #tpu.memory_space<vmem>> -> memref<256x64xf32, #tpu.memory_space<vmem>>
      %dma_start3A_383 = arith.constant 0 : i32
      %dma_start3A_384 = tpu.memref_slice %arg8[%dma_start3A_377, %dma_start3A_378, %dma_start3A_383] : memref<2x4x256xi32, #tpu.memory_space<vmem>> -> memref<1x1x256xi32, #tpu.memory_space<vmem>>
      %dma_start3A_385 = tpu.memref_squeeze %dma_start3A_384 : memref<1x1x256xi32, #tpu.memory_space<vmem>> -> memref<256xi32, #tpu.memory_space<vmem>>
      %dma_start3A_386 = arith.constant 0 : i32
      %dma_start3A_387 = arith.constant 0 : i32
      %dma_start3A_388 = tpu.memref_slice %arg16[%dma_start3A_386, %dma_start3A_387] : memref<10112x64xf32, #tpu.memory_space<vmem_shared>> -> memref<10112x64xf32, #tpu.memory_space<vmem_shared>>
      tpu.enqueue_indirect_dma source(%dma_start3A_382 : memref<256x64xf32, #tpu.memory_space<vmem>>) target(%dma_start3A_388 : memref<10112x64xf32, #tpu.memory_space<vmem_shared>>) offsets(%dma_start3A_385 : memref<256xi32, #tpu.memory_space<vmem>>) semaphore(%arg12 : memref<!tpu.dma_semaphore, #tpu.memory_space<semaphore_mem>>) {add = true}
      %dma_wait3A_389 = arith.constant 1 : i32
      %dma_wait3A_390 = arith.constant 1 : i32
      %dma_wait3A_391 = arith.constant 1 : i32
      %dma_wait3A_392 = arith.constant 0 : i32
      %dma_wait3A_393 = arith.constant 0 : i32
      %dma_wait3A_394 = tpu.memref_slice %arg9[%dma_wait3A_389, %dma_wait3A_392, %dma_wait3A_393] : memref<2x256x64xf32, #tpu.memory_space<vmem>> -> memref<1x256x64xf32, #tpu.memory_space<vmem>>
      %dma_wait3A_395 = tpu.memref_squeeze %dma_wait3A_394 : memref<1x256x64xf32, #tpu.memory_space<vmem>> -> memref<256x64xf32, #tpu.memory_space<vmem>>
      %dma_wait3A_396 = arith.constant 0 : i32
      %dma_wait3A_397 = tpu.memref_slice %arg8[%dma_wait3A_390, %dma_wait3A_391, %dma_wait3A_396] : memref<2x4x256xi32, #tpu.memory_space<vmem>> -> memref<1x1x256xi32, #tpu.memory_space<vmem>>
      %dma_wait3A_398 = tpu.memref_squeeze %dma_wait3A_397 : memref<1x1x256xi32, #tpu.memory_space<vmem>> -> memref<256xi32, #tpu.memory_space<vmem>>
      %dma_wait3A_399 = arith.constant 0 : i32
      %dma_wait3A_400 = arith.constant 0 : i32
      %dma_wait3A_401 = tpu.memref_slice %arg16[%dma_wait3A_399, %dma_wait3A_400] : memref<10112x64xf32, #tpu.memory_space<vmem_shared>> -> memref<10112x64xf32, #tpu.memory_space<vmem_shared>>
      tpu.wait_indirect_dma semaphore(%arg13 : memref<!tpu.dma_semaphore, #tpu.memory_space<semaphore_mem>>) src(%dma_wait3A_395 : memref<256x64xf32, #tpu.memory_space<vmem>>) dst(%dma_wait3A_401 : memref<10112x64xf32, #tpu.memory_space<vmem_shared>>)
      %dma_start3A_402 = arith.constant 1 : i32
      %dma_start3A_403 = arith.constant 3 : i32
      %dma_start3A_404 = arith.constant 1 : i32
      %dma_start3A_405 = arith.constant 0 : i32
      %dma_start3A_406 = arith.constant 0 : i32
      %dma_start3A_407 = tpu.memref_slice %arg9[%dma_start3A_404, %dma_start3A_405, %dma_start3A_406] : memref<2x256x64xf32, #tpu.memory_space<vmem>> -> memref<1x256x64xf32, #tpu.memory_space<vmem>>
      %dma_start3A_408 = tpu.memref_squeeze %dma_start3A_407 : memref<1x256x64xf32, #tpu.memory_space<vmem>> -> memref<256x64xf32, #tpu.memory_space<vmem>>
      %dma_start3A_409 = arith.constant 0 : i32
      %dma_start3A_410 = tpu.memref_slice %arg7[%dma_start3A_402, %dma_start3A_403, %dma_start3A_409] : memref<2x4x256xi32, #tpu.memory_space<vmem>> -> memref<1x1x256xi32, #tpu.memory_space<vmem>>
      %dma_start3A_411 = tpu.memref_squeeze %dma_start3A_410 : memref<1x1x256xi32, #tpu.memory_space<vmem>> -> memref<256xi32, #tpu.memory_space<vmem>>
      %dma_start3A_412 = arith.constant 0 : i32
      %dma_start3A_413 = arith.constant 0 : i32
      %dma_start3A_414 = tpu.memref_slice %arg15[%dma_start3A_412, %dma_start3A_413] : memref<10112x64xf32, #tpu.memory_space<vmem_shared>> -> memref<10112x64xf32, #tpu.memory_space<vmem_shared>>
      tpu.enqueue_indirect_dma source(%dma_start3A_414 : memref<10112x64xf32, #tpu.memory_space<vmem_shared>>) target(%dma_start3A_408 : memref<256x64xf32, #tpu.memory_space<vmem>>) offsets(%dma_start3A_411 : memref<256xi32, #tpu.memory_space<vmem>>) semaphore(%arg11 : memref<!tpu.dma_semaphore, #tpu.memory_space<semaphore_mem>>)
      %dma_wait3A_415 = arith.constant 1 : i32
      %dma_wait3A_416 = arith.constant 3 : i32
      %dma_wait3A_417 = arith.constant 1 : i32
      %dma_wait3A_418 = arith.constant 0 : i32
      %dma_wait3A_419 = arith.constant 0 : i32
      %dma_wait3A_420 = tpu.memref_slice %arg9[%dma_wait3A_417, %dma_wait3A_418, %dma_wait3A_419] : memref<2x256x64xf32, #tpu.memory_space<vmem>> -> memref<1x256x64xf32, #tpu.memory_space<vmem>>
      %dma_wait3A_421 = tpu.memref_squeeze %dma_wait3A_420 : memref<1x256x64xf32, #tpu.memory_space<vmem>> -> memref<256x64xf32, #tpu.memory_space<vmem>>
      %dma_wait3A_422 = arith.constant 0 : i32
      %dma_wait3A_423 = tpu.memref_slice %arg7[%dma_wait3A_415, %dma_wait3A_416, %dma_wait3A_422] : memref<2x4x256xi32, #tpu.memory_space<vmem>> -> memref<1x1x256xi32, #tpu.memory_space<vmem>>
      %dma_wait3A_424 = tpu.memref_squeeze %dma_wait3A_423 : memref<1x1x256xi32, #tpu.memory_space<vmem>> -> memref<256xi32, #tpu.memory_space<vmem>>
      %dma_wait3A_425 = arith.constant 0 : i32
      %dma_wait3A_426 = arith.constant 0 : i32
      %dma_wait3A_427 = tpu.memref_slice %arg15[%dma_wait3A_425, %dma_wait3A_426] : memref<10112x64xf32, #tpu.memory_space<vmem_shared>> -> memref<10112x64xf32, #tpu.memory_space<vmem_shared>>
      tpu.wait_indirect_dma semaphore(%arg11 : memref<!tpu.dma_semaphore, #tpu.memory_space<semaphore_mem>>) src(%dma_wait3A_427 : memref<10112x64xf32, #tpu.memory_space<vmem_shared>>) dst(%dma_wait3A_421 : memref<256x64xf32, #tpu.memory_space<vmem>>)
      %dma_start3A_428 = arith.constant 1 : i32
      %dma_start3A_429 = arith.constant 1 : i32
      %dma_start3A_430 = arith.constant 3 : i32
      %dma_start3A_431 = arith.constant 0 : i32
      %dma_start3A_432 = arith.constant 0 : i32
      %dma_start3A_433 = tpu.memref_slice %arg9[%dma_start3A_428, %dma_start3A_431, %dma_start3A_432] : memref<2x256x64xf32, #tpu.memory_space<vmem>> -> memref<1x256x64xf32, #tpu.memory_space<vmem>>
      %dma_start3A_434 = tpu.memref_squeeze %dma_start3A_433 : memref<1x256x64xf32, #tpu.memory_space<vmem>> -> memref<256x64xf32, #tpu.memory_space<vmem>>
      %dma_start3A_435 = arith.constant 0 : i32
      %dma_start3A_436 = tpu.memref_slice %arg8[%dma_start3A_429, %dma_start3A_430, %dma_start3A_435] : memref<2x4x256xi32, #tpu.memory_space<vmem>> -> memref<1x1x256xi32, #tpu.memory_space<vmem>>
      %dma_start3A_437 = tpu.memref_squeeze %dma_start3A_436 : memref<1x1x256xi32, #tpu.memory_space<vmem>> -> memref<256xi32, #tpu.memory_space<vmem>>
      %dma_start3A_438 = arith.constant 0 : i32
      %dma_start3A_439 = arith.constant 0 : i32
      %dma_start3A_440 = tpu.memref_slice %arg16[%dma_start3A_438, %dma_start3A_439] : memref<10112x64xf32, #tpu.memory_space<vmem_shared>> -> memref<10112x64xf32, #tpu.memory_space<vmem_shared>>
      tpu.enqueue_indirect_dma source(%dma_start3A_434 : memref<256x64xf32, #tpu.memory_space<vmem>>) target(%dma_start3A_440 : memref<10112x64xf32, #tpu.memory_space<vmem_shared>>) offsets(%dma_start3A_437 : memref<256xi32, #tpu.memory_space<vmem>>) semaphore(%arg13 : memref<!tpu.dma_semaphore, #tpu.memory_space<semaphore_mem>>) {add = true}
      %add3A_441 = arith.constant 1 : i32
      %add3A_442 = arith.addi %add3A_251, %add3A_441 : i32
      %lt3A_443 = arith.constant 40 : i32
      %lt3A_444 = arith.cmpi slt, %add3A_442, %lt3A_443 : i32
      %convert_element_type3A_445 = arith.extui %lt3A_444 : i1 to i32
      %cond3A_446 = arith.constant 0 : i32
      %cond3A_447 = arith.cmpi ne, %convert_element_type3A_445, %cond3A_446 : i32
      scf.if %cond3A_447 {
        %add3A_448 = arith.constant 1 : i32
        %add3A_449 = arith.addi %add3A_251, %add3A_448 : i32
        %dma_wait3A_450 = arith.constant 0 : i32
        %dma_wait3A_451 = arith.constant 0 : i32
        %dma_wait3A_452 = arith.constant 0 : i32
        %dma_wait3A_453 = tpu.memref_slice %arg7[%dma_wait3A_450, %dma_wait3A_451, %dma_wait3A_452] : memref<2x4x256xi32, #tpu.memory_space<vmem>> -> memref<1x4x256xi32, #tpu.memory_space<vmem>>
        %dma_wait3A_454 = tpu.memref_squeeze %dma_wait3A_453 : memref<1x4x256xi32, #tpu.memory_space<vmem>> -> memref<4x256xi32, #tpu.memory_space<vmem>>
        %dma_wait3A_455 = arith.constant 0 : i32
        %dma_wait3A_456 = arith.constant 0 : i32
        %dma_wait3A_457 = tpu.memref_slice %arg3[%arg1, %add3A_449, %dma_wait3A_455, %dma_wait3A_456] : memref<16x40x4x256xi32, #tpu.memory_space<hbm>> -> memref<1x1x4x256xi32, #tpu.memory_space<hbm>>
        %dma_wait3A_458 = tpu.memref_squeeze %dma_wait3A_457 : memref<1x1x4x256xi32, #tpu.memory_space<hbm>> -> memref<4x256xi32, #tpu.memory_space<hbm>>
        %dma_wait3A_459 = arith.constant 0 : i32
        %dma_wait3A_460 = arith.constant 0 : i32
        %dma_wait3A_461 = tpu.memref_slice %arg7[%dma_wait3A_450, %dma_wait3A_459, %dma_wait3A_460] : memref<2x4x256xi32, #tpu.memory_space<vmem>> -> memref<1x4x256xi32, #tpu.memory_space<vmem>>
        %dma_wait3A_462 = tpu.memref_squeeze %dma_wait3A_461 : memref<1x4x256xi32, #tpu.memory_space<vmem>> -> memref<4x256xi32, #tpu.memory_space<vmem>>
        %dma_wait3A_463 = arith.constant 0 : i32
        %dma_wait3A_464 = arith.constant 0 : i32
        %dma_wait3A_465 = tpu.memref_slice %arg3[%arg1, %add3A_449, %dma_wait3A_463, %dma_wait3A_464] : memref<16x40x4x256xi32, #tpu.memory_space<hbm>> -> memref<1x1x4x256xi32, #tpu.memory_space<hbm>>
        %dma_wait3A_466 = tpu.memref_squeeze %dma_wait3A_465 : memref<1x1x4x256xi32, #tpu.memory_space<hbm>> -> memref<4x256xi32, #tpu.memory_space<hbm>>
        tpu.wait_dma2 semaphore(%arg14 : memref<!tpu.dma_semaphore, #tpu.memory_space<semaphore_mem>>) src(%dma_wait3A_466 : memref<4x256xi32, #tpu.memory_space<hbm>>) dst(%dma_wait3A_462 : memref<4x256xi32, #tpu.memory_space<vmem>>)
        %add3A_467 = arith.constant 1 : i32
        %add3A_468 = arith.addi %add3A_251, %add3A_467 : i32
        %dma_wait3A_469 = arith.constant 0 : i32
        %dma_wait3A_470 = arith.constant 0 : i32
        %dma_wait3A_471 = arith.constant 0 : i32
        %dma_wait3A_472 = tpu.memref_slice %arg8[%dma_wait3A_469, %dma_wait3A_470, %dma_wait3A_471] : memref<2x4x256xi32, #tpu.memory_space<vmem>> -> memref<1x4x256xi32, #tpu.memory_space<vmem>>
        %dma_wait3A_473 = tpu.memref_squeeze %dma_wait3A_472 : memref<1x4x256xi32, #tpu.memory_space<vmem>> -> memref<4x256xi32, #tpu.memory_space<vmem>>
        %dma_wait3A_474 = arith.constant 0 : i32
        %dma_wait3A_475 = arith.constant 0 : i32
        %dma_wait3A_476 = tpu.memref_slice %arg4[%arg1, %add3A_468, %dma_wait3A_474, %dma_wait3A_475] : memref<16x40x4x256xi32, #tpu.memory_space<hbm>> -> memref<1x1x4x256xi32, #tpu.memory_space<hbm>>
        %dma_wait3A_477 = tpu.memref_squeeze %dma_wait3A_476 : memref<1x1x4x256xi32, #tpu.memory_space<hbm>> -> memref<4x256xi32, #tpu.memory_space<hbm>>
        %dma_wait3A_478 = arith.constant 0 : i32
        %dma_wait3A_479 = arith.constant 0 : i32
        %dma_wait3A_480 = tpu.memref_slice %arg8[%dma_wait3A_469, %dma_wait3A_478, %dma_wait3A_479] : memref<2x4x256xi32, #tpu.memory_space<vmem>> -> memref<1x4x256xi32, #tpu.memory_space<vmem>>
        %dma_wait3A_481 = tpu.memref_squeeze %dma_wait3A_480 : memref<1x4x256xi32, #tpu.memory_space<vmem>> -> memref<4x256xi32, #tpu.memory_space<vmem>>
        %dma_wait3A_482 = arith.constant 0 : i32
        %dma_wait3A_483 = arith.constant 0 : i32
        %dma_wait3A_484 = tpu.memref_slice %arg4[%arg1, %add3A_468, %dma_wait3A_482, %dma_wait3A_483] : memref<16x40x4x256xi32, #tpu.memory_space<hbm>> -> memref<1x1x4x256xi32, #tpu.memory_space<hbm>>
        %dma_wait3A_485 = tpu.memref_squeeze %dma_wait3A_484 : memref<1x1x4x256xi32, #tpu.memory_space<hbm>> -> memref<4x256xi32, #tpu.memory_space<hbm>>
        tpu.wait_dma2 semaphore(%arg14 : memref<!tpu.dma_semaphore, #tpu.memory_space<semaphore_mem>>) src(%dma_wait3A_485 : memref<4x256xi32, #tpu.memory_space<hbm>>) dst(%dma_wait3A_481 : memref<4x256xi32, #tpu.memory_space<vmem>>)
        %dma_wait3A_486 = arith.constant 0 : i32
        %dma_wait3A_487 = arith.constant 1 : i32
        %dma_wait3A_488 = arith.constant 2 : i32
        %dma_wait3A_489 = arith.constant 0 : i32
        %dma_wait3A_490 = arith.constant 0 : i32
        %dma_wait3A_491 = tpu.memref_slice %arg9[%dma_wait3A_486, %dma_wait3A_489, %dma_wait3A_490] : memref<2x256x64xf32, #tpu.memory_space<vmem>> -> memref<1x256x64xf32, #tpu.memory_space<vmem>>
        %dma_wait3A_492 = tpu.memref_squeeze %dma_wait3A_491 : memref<1x256x64xf32, #tpu.memory_space<vmem>> -> memref<256x64xf32, #tpu.memory_space<vmem>>
        %dma_wait3A_493 = arith.constant 0 : i32
        %dma_wait3A_494 = tpu.memref_slice %arg8[%dma_wait3A_487, %dma_wait3A_488, %dma_wait3A_493] : memref<2x4x256xi32, #tpu.memory_space<vmem>> -> memref<1x1x256xi32, #tpu.memory_space<vmem>>
        %dma_wait3A_495 = tpu.memref_squeeze %dma_wait3A_494 : memref<1x1x256xi32, #tpu.memory_space<vmem>> -> memref<256xi32, #tpu.memory_space<vmem>>
        %dma_wait3A_496 = arith.constant 0 : i32
        %dma_wait3A_497 = arith.constant 0 : i32
        %dma_wait3A_498 = tpu.memref_slice %arg16[%dma_wait3A_496, %dma_wait3A_497] : memref<10112x64xf32, #tpu.memory_space<vmem_shared>> -> memref<10112x64xf32, #tpu.memory_space<vmem_shared>>
        tpu.wait_indirect_dma semaphore(%arg12 : memref<!tpu.dma_semaphore, #tpu.memory_space<semaphore_mem>>) src(%dma_wait3A_492 : memref<256x64xf32, #tpu.memory_space<vmem>>) dst(%dma_wait3A_498 : memref<10112x64xf32, #tpu.memory_space<vmem_shared>>)
        %dma_start3A_499 = arith.constant 0 : i32
        %dma_start3A_500 = arith.constant 0 : i32
        %dma_start3A_501 = arith.constant 0 : i32
        %dma_start3A_502 = arith.constant 0 : i32
        %dma_start3A_503 = arith.constant 0 : i32
        %dma_start3A_504 = tpu.memref_slice %arg9[%dma_start3A_501, %dma_start3A_502, %dma_start3A_503] : memref<2x256x64xf32, #tpu.memory_space<vmem>> -> memref<1x256x64xf32, #tpu.memory_space<vmem>>
        %dma_start3A_505 = tpu.memref_squeeze %dma_start3A_504 : memref<1x256x64xf32, #tpu.memory_space<vmem>> -> memref<256x64xf32, #tpu.memory_space<vmem>>
        %dma_start3A_506 = arith.constant 0 : i32
        %dma_start3A_507 = tpu.memref_slice %arg7[%dma_start3A_499, %dma_start3A_500, %dma_start3A_506] : memref<2x4x256xi32, #tpu.memory_space<vmem>> -> memref<1x1x256xi32, #tpu.memory_space<vmem>>
        %dma_start3A_508 = tpu.memref_squeeze %dma_start3A_507 : memref<1x1x256xi32, #tpu.memory_space<vmem>> -> memref<256xi32, #tpu.memory_space<vmem>>
        %dma_start3A_509 = arith.constant 0 : i32
        %dma_start3A_510 = arith.constant 0 : i32
        %dma_start3A_511 = tpu.memref_slice %arg15[%dma_start3A_509, %dma_start3A_510] : memref<10112x64xf32, #tpu.memory_space<vmem_shared>> -> memref<10112x64xf32, #tpu.memory_space<vmem_shared>>
        tpu.enqueue_indirect_dma source(%dma_start3A_511 : memref<10112x64xf32, #tpu.memory_space<vmem_shared>>) target(%dma_start3A_505 : memref<256x64xf32, #tpu.memory_space<vmem>>) offsets(%dma_start3A_508 : memref<256xi32, #tpu.memory_space<vmem>>) semaphore(%arg10 : memref<!tpu.dma_semaphore, #tpu.memory_space<semaphore_mem>>)
      } else {
      }
    }
    %scan3A_25 = arith.constant 20 : i32
    %dma_wait3A = arith.constant 0 : i32
    %dma_wait3A_26 = arith.constant 1 : i32
    %dma_wait3A_27 = arith.constant 2 : i32
    %dma_wait3A_28 = arith.constant 0 : i32
    %dma_wait3A_29 = arith.constant 0 : i32
    %dma_wait3A_30 = tpu.memref_slice %arg9[%dma_wait3A, %dma_wait3A_28, %dma_wait3A_29] : memref<2x256x64xf32, #tpu.memory_space<vmem>> -> memref<1x256x64xf32, #tpu.memory_space<vmem>>
    %dma_wait3A_31 = tpu.memref_squeeze %dma_wait3A_30 : memref<1x256x64xf32, #tpu.memory_space<vmem>> -> memref<256x64xf32, #tpu.memory_space<vmem>>
    %dma_wait3A_32 = arith.constant 0 : i32
    %dma_wait3A_33 = tpu.memref_slice %arg8[%dma_wait3A_26, %dma_wait3A_27, %dma_wait3A_32] : memref<2x4x256xi32, #tpu.memory_space<vmem>> -> memref<1x1x256xi32, #tpu.memory_space<vmem>>
    %dma_wait3A_34 = tpu.memref_squeeze %dma_wait3A_33 : memref<1x1x256xi32, #tpu.memory_space<vmem>> -> memref<256xi32, #tpu.memory_space<vmem>>
    %dma_wait3A_35 = arith.constant 0 : i32
    %dma_wait3A_36 = arith.constant 0 : i32
    %dma_wait3A_37 = tpu.memref_slice %arg16[%dma_wait3A_35, %dma_wait3A_36] : memref<10112x64xf32, #tpu.memory_space<vmem_shared>> -> memref<10112x64xf32, #tpu.memory_space<vmem_shared>>
    tpu.wait_indirect_dma semaphore(%arg12 : memref<!tpu.dma_semaphore, #tpu.memory_space<semaphore_mem>>) src(%dma_wait3A_31 : memref<256x64xf32, #tpu.memory_space<vmem>>) dst(%dma_wait3A_37 : memref<10112x64xf32, #tpu.memory_space<vmem_shared>>)
    %dma_wait3A_38 = arith.constant 1 : i32
    %dma_wait3A_39 = arith.constant 1 : i32
    %dma_wait3A_40 = arith.constant 3 : i32
    %dma_wait3A_41 = arith.constant 0 : i32
    %dma_wait3A_42 = arith.constant 0 : i32
    %dma_wait3A_43 = tpu.memref_slice %arg9[%dma_wait3A_38, %dma_wait3A_41, %dma_wait3A_42] : memref<2x256x64xf32, #tpu.memory_space<vmem>> -> memref<1x256x64xf32, #tpu.memory_space<vmem>>
    %dma_wait3A_44 = tpu.memref_squeeze %dma_wait3A_43 : memref<1x256x64xf32, #tpu.memory_space<vmem>> -> memref<256x64xf32, #tpu.memory_space<vmem>>
    %dma_wait3A_45 = arith.constant 0 : i32
    %dma_wait3A_46 = tpu.memref_slice %arg8[%dma_wait3A_39, %dma_wait3A_40, %dma_wait3A_45] : memref<2x4x256xi32, #tpu.memory_space<vmem>> -> memref<1x1x256xi32, #tpu.memory_space<vmem>>
    %dma_wait3A_47 = tpu.memref_squeeze %dma_wait3A_46 : memref<1x1x256xi32, #tpu.memory_space<vmem>> -> memref<256xi32, #tpu.memory_space<vmem>>
    %dma_wait3A_48 = arith.constant 0 : i32
    %dma_wait3A_49 = arith.constant 0 : i32
    %dma_wait3A_50 = tpu.memref_slice %arg16[%dma_wait3A_48, %dma_wait3A_49] : memref<10112x64xf32, #tpu.memory_space<vmem_shared>> -> memref<10112x64xf32, #tpu.memory_space<vmem_shared>>
    tpu.wait_indirect_dma semaphore(%arg13 : memref<!tpu.dma_semaphore, #tpu.memory_space<semaphore_mem>>) src(%dma_wait3A_44 : memref<256x64xf32, #tpu.memory_space<vmem>>) dst(%dma_wait3A_50 : memref<10112x64xf32, #tpu.memory_space<vmem_shared>>)
    %barrier3A_51 = arith.constant 0 : index
    tpu.barrier barrier_id(%barrier3A_51)
    %mul3A_52 = arith.constant 632 : i32
    %mul3A_53 = arith.muli %arg1, %mul3A_52 : i32
    %mul3A_54 = arith.constant 632 : i32
    %mul3A_55 = arith.muli %arg1, %mul3A_54 : i32
    "tpu.region"() ({
      %run_scoped3A_56 = tpu.sem_alloc : memref<!tpu.dma_semaphore, #tpu.memory_space<semaphore_mem>>
      %dma_start3A_57 = arith.constant 0 : i32
      %dma_start3A_58 = tpu.memref_slice %arg6[%arg0, %mul3A_55, %dma_start3A_57] : memref<2x10112x64xf32, #tpu.memory_space<hbm>> -> memref<1x632x64xf32, #tpu.memory_space<hbm>>
      %dma_start3A_59 = tpu.memref_squeeze %dma_start3A_58 : memref<1x632x64xf32, #tpu.memory_space<hbm>> -> memref<632x64xf32, #tpu.memory_space<hbm>>
      %dma_start3A_60 = arith.constant 0 : i32
      %dma_start3A_61 = tpu.memref_slice %arg16[%mul3A_53, %dma_start3A_60] : memref<10112x64xf32, #tpu.memory_space<vmem_shared>> -> memref<632x64xf32, #tpu.memory_space<vmem_shared>>
      tpu.enqueue_dma source(%dma_start3A_61 : memref<632x64xf32, #tpu.memory_space<vmem_shared>>) target(%dma_start3A_59 : memref<632x64xf32, #tpu.memory_space<hbm>>) target_semaphore(%run_scoped3A_56 : memref<!tpu.dma_semaphore, #tpu.memory_space<semaphore_mem>>)
      %dma_wait3A_62 = arith.constant 0 : i32
      %dma_wait3A_63 = tpu.memref_slice %arg6[%arg0, %mul3A_55, %dma_wait3A_62] : memref<2x10112x64xf32, #tpu.memory_space<hbm>> -> memref<1x632x64xf32, #tpu.memory_space<hbm>>
      %dma_wait3A_64 = tpu.memref_squeeze %dma_wait3A_63 : memref<1x632x64xf32, #tpu.memory_space<hbm>> -> memref<632x64xf32, #tpu.memory_space<hbm>>
      %dma_wait3A_65 = arith.constant 0 : i32
      %dma_wait3A_66 = tpu.memref_slice %arg16[%mul3A_53, %dma_wait3A_65] : memref<10112x64xf32, #tpu.memory_space<vmem_shared>> -> memref<632x64xf32, #tpu.memory_space<vmem_shared>>
      tpu.wait_dma2 semaphore(%run_scoped3A_56 : memref<!tpu.dma_semaphore, #tpu.memory_space<semaphore_mem>>) src(%dma_wait3A_66 : memref<632x64xf32, #tpu.memory_space<vmem_shared>>) dst(%dma_wait3A_64 : memref<632x64xf32, #tpu.memory_space<hbm>>)
      tpu.yield
    }) : () -> ()
    return
  }
}

#map = affine_map<(d0, d1) -> (0, 0, 0)>
#map1 = affine_map<(d0, d1) -> (0, 0, 0, 0)>
#map2 = affine_map<(d0, d1) -> (0, 0)>
module attributes {stable_mosaic.version = 14 : i64} {
  func.func @_prop_body(%arg0: i32, %arg1: i32, %arg2: memref<2x10112x64xf32, #tpu.memory_space<hbm>>, %arg3: memref<16x40x4x256xi32, #tpu.memory_space<hbm>>, %arg4: memref<16x40x4x256xi32, #tpu.memory_space<hbm>>, %arg5: memref<10112x64xf32, #tpu.memory_space<hbm>>, %arg6: memref<2x10112x64xf32, #tpu.memory_space<hbm>>, %arg7: memref<2x4x256xi32, #tpu.memory_space<vmem>>, %arg8: memref<2x4x256xi32, #tpu.memory_space<vmem>>, %arg9: memref<2x256x64xf32, #tpu.memory_space<vmem>>, %arg10: memref<!tpu.dma_semaphore, #tpu.memory_space<semaphore_mem>>, %arg11: memref<!tpu.dma_semaphore, #tpu.memory_space<semaphore_mem>>, %arg12: memref<!tpu.dma_semaphore, #tpu.memory_space<semaphore_mem>>, %arg13: memref<!tpu.dma_semaphore, #tpu.memory_space<semaphore_mem>>, %arg14: memref<!tpu.dma_semaphore, #tpu.memory_space<semaphore_mem>>, %arg15: memref<10112x64xf32, #tpu.memory_space<vmem_shared>>, %arg16: memref<10112x64xf32, #tpu.memory_space<vmem_shared>>) attributes {dimension_semantics = [#tpu.dimension_semantics<core_parallel>, #tpu.dimension_semantics<subcore_parallel>], iteration_bounds = array<i64: 2, 16>, scalar_prefetch = 0 : i64, scratch_operands = 10 : i64, tpu.core_type = #tpu.core_type<sc_vector_subcore>, window_params = [{transform_indices = #map}, {transform_indices = #map1}, {transform_indices = #map1}, {transform_indices = #map2}, {transform_indices = #map}]} {
    %mul3A = arith.constant 632 : i32
    %mul3A_0 = arith.muli %arg1, %mul3A : i32
    %mul3A_1 = arith.constant 632 : i32
    %mul3A_2 = arith.muli %arg1, %mul3A_1 : i32
    "tpu.region"() ({
      %run_scoped3A_56 = tpu.sem_alloc : memref<!tpu.dma_semaphore, #tpu.memory_space<semaphore_mem>>
      %dma_start3A_57 = arith.constant 0 : i32
      %dma_start3A_58 = tpu.memref_slice %arg16[%mul3A_2, %dma_start3A_57] : memref<10112x64xf32, #tpu.memory_space<vmem_shared>> -> memref<632x64xf32, #tpu.memory_space<vmem_shared>>
      %dma_start3A_59 = arith.constant 0 : i32
      %dma_start3A_60 = tpu.memref_slice %arg5[%mul3A_0, %dma_start3A_59] : memref<10112x64xf32, #tpu.memory_space<hbm>> -> memref<632x64xf32, #tpu.memory_space<hbm>>
      tpu.enqueue_dma source(%dma_start3A_60 : memref<632x64xf32, #tpu.memory_space<hbm>>) target(%dma_start3A_58 : memref<632x64xf32, #tpu.memory_space<vmem_shared>>) target_semaphore(%run_scoped3A_56 : memref<!tpu.dma_semaphore, #tpu.memory_space<semaphore_mem>>)
      %dma_wait3A_61 = arith.constant 0 : i32
      %dma_wait3A_62 = tpu.memref_slice %arg16[%mul3A_2, %dma_wait3A_61] : memref<10112x64xf32, #tpu.memory_space<vmem_shared>> -> memref<632x64xf32, #tpu.memory_space<vmem_shared>>
      %dma_wait3A_63 = arith.constant 0 : i32
      %dma_wait3A_64 = tpu.memref_slice %arg5[%mul3A_0, %dma_wait3A_63] : memref<10112x64xf32, #tpu.memory_space<hbm>> -> memref<632x64xf32, #tpu.memory_space<hbm>>
      tpu.wait_dma2 semaphore(%run_scoped3A_56 : memref<!tpu.dma_semaphore, #tpu.memory_space<semaphore_mem>>) src(%dma_wait3A_64 : memref<632x64xf32, #tpu.memory_space<hbm>>) dst(%dma_wait3A_62 : memref<632x64xf32, #tpu.memory_space<vmem_shared>>)
      tpu.yield
    }) : () -> ()
    %mul3A_3 = arith.constant 632 : i32
    %mul3A_4 = arith.muli %arg1, %mul3A_3 : i32
    %mul3A_5 = arith.constant 632 : i32
    %mul3A_6 = arith.muli %arg1, %mul3A_5 : i32
    "tpu.region"() ({
      %run_scoped3A_56 = tpu.sem_alloc : memref<!tpu.dma_semaphore, #tpu.memory_space<semaphore_mem>>
      %dma_start3A_57 = arith.constant 0 : i32
      %dma_start3A_58 = tpu.memref_slice %arg15[%mul3A_6, %dma_start3A_57] : memref<10112x64xf32, #tpu.memory_space<vmem_shared>> -> memref<632x64xf32, #tpu.memory_space<vmem_shared>>
      %dma_start3A_59 = arith.constant 0 : i32
      %dma_start3A_60 = tpu.memref_slice %arg2[%arg0, %mul3A_4, %dma_start3A_59] : memref<2x10112x64xf32, #tpu.memory_space<hbm>> -> memref<1x632x64xf32, #tpu.memory_space<hbm>>
      %dma_start3A_61 = tpu.memref_squeeze %dma_start3A_60 : memref<1x632x64xf32, #tpu.memory_space<hbm>> -> memref<632x64xf32, #tpu.memory_space<hbm>>
      tpu.enqueue_dma source(%dma_start3A_61 : memref<632x64xf32, #tpu.memory_space<hbm>>) target(%dma_start3A_58 : memref<632x64xf32, #tpu.memory_space<vmem_shared>>) target_semaphore(%run_scoped3A_56 : memref<!tpu.dma_semaphore, #tpu.memory_space<semaphore_mem>>)
      %dma_wait3A_62 = arith.constant 0 : i32
      %dma_wait3A_63 = tpu.memref_slice %arg15[%mul3A_6, %dma_wait3A_62] : memref<10112x64xf32, #tpu.memory_space<vmem_shared>> -> memref<632x64xf32, #tpu.memory_space<vmem_shared>>
      %dma_wait3A_64 = arith.constant 0 : i32
      %dma_wait3A_65 = tpu.memref_slice %arg2[%arg0, %mul3A_4, %dma_wait3A_64] : memref<2x10112x64xf32, #tpu.memory_space<hbm>> -> memref<1x632x64xf32, #tpu.memory_space<hbm>>
      %dma_wait3A_66 = tpu.memref_squeeze %dma_wait3A_65 : memref<1x632x64xf32, #tpu.memory_space<hbm>> -> memref<632x64xf32, #tpu.memory_space<hbm>>
      tpu.wait_dma2 semaphore(%run_scoped3A_56 : memref<!tpu.dma_semaphore, #tpu.memory_space<semaphore_mem>>) src(%dma_wait3A_66 : memref<632x64xf32, #tpu.memory_space<hbm>>) dst(%dma_wait3A_63 : memref<632x64xf32, #tpu.memory_space<vmem_shared>>)
      tpu.yield
    }) : () -> ()
    %barrier3A = arith.constant 0 : index
    tpu.barrier barrier_id(%barrier3A)
    %run_scoped3A = arith.constant 0 : i32
    %run_scoped3A_7 = arith.constant 0 : i32
    "tpu.region"() ({
      %run_scoped3A_56 = tpu.sem_alloc : memref<!tpu.dma_semaphore, #tpu.memory_space<semaphore_mem>>
      %dma_start3A_57 = arith.constant 0 : i32
      %dma_start3A_58 = arith.constant 0 : i32
      %dma_start3A_59 = tpu.memref_slice %arg7[%run_scoped3A_7, %dma_start3A_57, %dma_start3A_58] : memref<2x4x256xi32, #tpu.memory_space<vmem>> -> memref<1x4x256xi32, #tpu.memory_space<vmem>>
      %dma_start3A_60 = tpu.memref_squeeze %dma_start3A_59 : memref<1x4x256xi32, #tpu.memory_space<vmem>> -> memref<4x256xi32, #tpu.memory_space<vmem>>
      %dma_start3A_61 = arith.constant 0 : i32
      %dma_start3A_62 = arith.constant 0 : i32
      %dma_start3A_63 = tpu.memref_slice %arg3[%arg1, %run_scoped3A, %dma_start3A_61, %dma_start3A_62] : memref<16x40x4x256xi32, #tpu.memory_space<hbm>> -> memref<1x1x4x256xi32, #tpu.memory_space<hbm>>
      %dma_start3A_64 = tpu.memref_squeeze %dma_start3A_63 : memref<1x1x4x256xi32, #tpu.memory_space<hbm>> -> memref<4x256xi32, #tpu.memory_space<hbm>>
      %dma_start3A_65 = arith.constant 0 : i32
      %dma_start3A_66 = arith.constant 0 : i32
      %dma_start3A_67 = tpu.memref_slice %arg7[%run_scoped3A_7, %dma_start3A_65, %dma_start3A_66] : memref<2x4x256xi32, #tpu.memory_space<vmem>> -> memref<1x4x256xi32, #tpu.memory_space<vmem>>
      %dma_start3A_68 = tpu.memref_squeeze %dma_start3A_67 : memref<1x4x256xi32, #tpu.memory_space<vmem>> -> memref<4x256xi32, #tpu.memory_space<vmem>>
      %dma_start3A_69 = arith.constant 0 : i32
      %dma_start3A_70 = arith.constant 0 : i32
      %dma_start3A_71 = tpu.memref_slice %arg3[%arg1, %run_scoped3A, %dma_start3A_69, %dma_start3A_70] : memref<16x40x4x256xi32, #tpu.memory_space<hbm>> -> memref<1x1x4x256xi32, #tpu.memory_space<hbm>>
      %dma_start3A_72 = tpu.memref_squeeze %dma_start3A_71 : memref<1x1x4x256xi32, #tpu.memory_space<hbm>> -> memref<4x256xi32, #tpu.memory_space<hbm>>
      tpu.enqueue_dma source(%dma_start3A_72 : memref<4x256xi32, #tpu.memory_space<hbm>>) target(%dma_start3A_68 : memref<4x256xi32, #tpu.memory_space<vmem>>) target_semaphore(%run_scoped3A_56 : memref<!tpu.dma_semaphore, #tpu.memory_space<semaphore_mem>>)
      %dma_wait3A_73 = arith.constant 0 : i32
      %dma_wait3A_74 = arith.constant 0 : i32
      %dma_wait3A_75 = tpu.memref_slice %arg7[%run_scoped3A_7, %dma_wait3A_73, %dma_wait3A_74] : memref<2x4x256xi32, #tpu.memory_space<vmem>> -> memref<1x4x256xi32, #tpu.memory_space<vmem>>
      %dma_wait3A_76 = tpu.memref_squeeze %dma_wait3A_75 : memref<1x4x256xi32, #tpu.memory_space<vmem>> -> memref<4x256xi32, #tpu.memory_space<vmem>>
      %dma_wait3A_77 = arith.constant 0 : i32
      %dma_wait3A_78 = arith.constant 0 : i32
      %dma_wait3A_79 = tpu.memref_slice %arg3[%arg1, %run_scoped3A, %dma_wait3A_77, %dma_wait3A_78] : memref<16x40x4x256xi32, #tpu.memory_space<hbm>> -> memref<1x1x4x256xi32, #tpu.memory_space<hbm>>
      %dma_wait3A_80 = tpu.memref_squeeze %dma_wait3A_79 : memref<1x1x4x256xi32, #tpu.memory_space<hbm>> -> memref<4x256xi32, #tpu.memory_space<hbm>>
      %dma_wait3A_81 = arith.constant 0 : i32
      %dma_wait3A_82 = arith.constant 0 : i32
      %dma_wait3A_83 = tpu.memref_slice %arg7[%run_scoped3A_7, %dma_wait3A_81, %dma_wait3A_82] : memref<2x4x256xi32, #tpu.memory_space<vmem>> -> memref<1x4x256xi32, #tpu.memory_space<vmem>>
      %dma_wait3A_84 = tpu.memref_squeeze %dma_wait3A_83 : memref<1x4x256xi32, #tpu.memory_space<vmem>> -> memref<4x256xi32, #tpu.memory_space<vmem>>
      %dma_wait3A_85 = arith.constant 0 : i32
      %dma_wait3A_86 = arith.constant 0 : i32
      %dma_wait3A_87 = tpu.memref_slice %arg3[%arg1, %run_scoped3A, %dma_wait3A_85, %dma_wait3A_86] : memref<16x40x4x256xi32, #tpu.memory_space<hbm>> -> memref<1x1x4x256xi32, #tpu.memory_space<hbm>>
      %dma_wait3A_88 = tpu.memref_squeeze %dma_wait3A_87 : memref<1x1x4x256xi32, #tpu.memory_space<hbm>> -> memref<4x256xi32, #tpu.memory_space<hbm>>
      tpu.wait_dma2 semaphore(%run_scoped3A_56 : memref<!tpu.dma_semaphore, #tpu.memory_space<semaphore_mem>>) src(%dma_wait3A_88 : memref<4x256xi32, #tpu.memory_space<hbm>>) dst(%dma_wait3A_84 : memref<4x256xi32, #tpu.memory_space<vmem>>)
      tpu.yield
    }) : () -> ()
    %run_scoped3A_8 = arith.constant 0 : i32
    %run_scoped3A_9 = arith.constant 0 : i32
    "tpu.region"() ({
      %run_scoped3A_56 = tpu.sem_alloc : memref<!tpu.dma_semaphore, #tpu.memory_space<semaphore_mem>>
      %dma_start3A_57 = arith.constant 0 : i32
      %dma_start3A_58 = arith.constant 0 : i32
      %dma_start3A_59 = tpu.memref_slice %arg8[%run_scoped3A_9, %dma_start3A_57, %dma_start3A_58] : memref<2x4x256xi32, #tpu.memory_space<vmem>> -> memref<1x4x256xi32, #tpu.memory_space<vmem>>
      %dma_start3A_60 = tpu.memref_squeeze %dma_start3A_59 : memref<1x4x256xi32, #tpu.memory_space<vmem>> -> memref<4x256xi32, #tpu.memory_space<vmem>>
      %dma_start3A_61 = arith.constant 0 : i32
      %dma_start3A_62 = arith.constant 0 : i32
      %dma_start3A_63 = tpu.memref_slice %arg4[%arg1, %run_scoped3A_8, %dma_start3A_61, %dma_start3A_62] : memref<16x40x4x256xi32, #tpu.memory_space<hbm>> -> memref<1x1x4x256xi32, #tpu.memory_space<hbm>>
      %dma_start3A_64 = tpu.memref_squeeze %dma_start3A_63 : memref<1x1x4x256xi32, #tpu.memory_space<hbm>> -> memref<4x256xi32, #tpu.memory_space<hbm>>
      %dma_start3A_65 = arith.constant 0 : i32
      %dma_start3A_66 = arith.constant 0 : i32
      %dma_start3A_67 = tpu.memref_slice %arg8[%run_scoped3A_9, %dma_start3A_65, %dma_start3A_66] : memref<2x4x256xi32, #tpu.memory_space<vmem>> -> memref<1x4x256xi32, #tpu.memory_space<vmem>>
      %dma_start3A_68 = tpu.memref_squeeze %dma_start3A_67 : memref<1x4x256xi32, #tpu.memory_space<vmem>> -> memref<4x256xi32, #tpu.memory_space<vmem>>
      %dma_start3A_69 = arith.constant 0 : i32
      %dma_start3A_70 = arith.constant 0 : i32
      %dma_start3A_71 = tpu.memref_slice %arg4[%arg1, %run_scoped3A_8, %dma_start3A_69, %dma_start3A_70] : memref<16x40x4x256xi32, #tpu.memory_space<hbm>> -> memref<1x1x4x256xi32, #tpu.memory_space<hbm>>
      %dma_start3A_72 = tpu.memref_squeeze %dma_start3A_71 : memref<1x1x4x256xi32, #tpu.memory_space<hbm>> -> memref<4x256xi32, #tpu.memory_space<hbm>>
      tpu.enqueue_dma source(%dma_start3A_72 : memref<4x256xi32, #tpu.memory_space<hbm>>) target(%dma_start3A_68 : memref<4x256xi32, #tpu.memory_space<vmem>>) target_semaphore(%run_scoped3A_56 : memref<!tpu.dma_semaphore, #tpu.memory_space<semaphore_mem>>)
      %dma_wait3A_73 = arith.constant 0 : i32
      %dma_wait3A_74 = arith.constant 0 : i32
      %dma_wait3A_75 = tpu.memref_slice %arg8[%run_scoped3A_9, %dma_wait3A_73, %dma_wait3A_74] : memref<2x4x256xi32, #tpu.memory_space<vmem>> -> memref<1x4x256xi32, #tpu.memory_space<vmem>>
      %dma_wait3A_76 = tpu.memref_squeeze %dma_wait3A_75 : memref<1x4x256xi32, #tpu.memory_space<vmem>> -> memref<4x256xi32, #tpu.memory_space<vmem>>
      %dma_wait3A_77 = arith.constant 0 : i32
      %dma_wait3A_78 = arith.constant 0 : i32
      %dma_wait3A_79 = tpu.memref_slice %arg4[%arg1, %run_scoped3A_8, %dma_wait3A_77, %dma_wait3A_78] : memref<16x40x4x256xi32, #tpu.memory_space<hbm>> -> memref<1x1x4x256xi32, #tpu.memory_space<hbm>>
      %dma_wait3A_80 = tpu.memref_squeeze %dma_wait3A_79 : memref<1x1x4x256xi32, #tpu.memory_space<hbm>> -> memref<4x256xi32, #tpu.memory_space<hbm>>
      %dma_wait3A_81 = arith.constant 0 : i32
      %dma_wait3A_82 = arith.constant 0 : i32
      %dma_wait3A_83 = tpu.memref_slice %arg8[%run_scoped3A_9, %dma_wait3A_81, %dma_wait3A_82] : memref<2x4x256xi32, #tpu.memory_space<vmem>> -> memref<1x4x256xi32, #tpu.memory_space<vmem>>
      %dma_wait3A_84 = tpu.memref_squeeze %dma_wait3A_83 : memref<1x4x256xi32, #tpu.memory_space<vmem>> -> memref<4x256xi32, #tpu.memory_space<vmem>>
      %dma_wait3A_85 = arith.constant 0 : i32
      %dma_wait3A_86 = arith.constant 0 : i32
      %dma_wait3A_87 = tpu.memref_slice %arg4[%arg1, %run_scoped3A_8, %dma_wait3A_85, %dma_wait3A_86] : memref<16x40x4x256xi32, #tpu.memory_space<hbm>> -> memref<1x1x4x256xi32, #tpu.memory_space<hbm>>
      %dma_wait3A_88 = tpu.memref_squeeze %dma_wait3A_87 : memref<1x1x4x256xi32, #tpu.memory_space<hbm>> -> memref<4x256xi32, #tpu.memory_space<hbm>>
      tpu.wait_dma2 semaphore(%run_scoped3A_56 : memref<!tpu.dma_semaphore, #tpu.memory_space<semaphore_mem>>) src(%dma_wait3A_88 : memref<4x256xi32, #tpu.memory_space<hbm>>) dst(%dma_wait3A_84 : memref<4x256xi32, #tpu.memory_space<vmem>>)
      tpu.yield
    }) : () -> ()
    %dma_start3A = arith.constant 0 : i32
    %dma_start3A_10 = arith.constant 0 : i32
    %dma_start3A_11 = arith.constant 0 : i32
    %dma_start3A_12 = arith.constant 0 : i32
    %dma_start3A_13 = arith.constant 0 : i32
    %dma_start3A_14 = tpu.memref_slice %arg9[%dma_start3A_11, %dma_start3A_12, %dma_start3A_13] : memref<2x256x64xf32, #tpu.memory_space<vmem>> -> memref<1x256x64xf32, #tpu.memory_space<vmem>>
    %dma_start3A_15 = tpu.memref_squeeze %dma_start3A_14 : memref<1x256x64xf32, #tpu.memory_space<vmem>> -> memref<256x64xf32, #tpu.memory_space<vmem>>
    %dma_start3A_16 = arith.constant 0 : i32
    %dma_start3A_17 = tpu.memref_slice %arg7[%dma_start3A, %dma_start3A_10, %dma_start3A_16] : memref<2x4x256xi32, #tpu.memory_space<vmem>> -> memref<1x1x256xi32, #tpu.memory_space<vmem>>
    %dma_start3A_18 = tpu.memref_squeeze %dma_start3A_17 : memref<1x1x256xi32, #tpu.memory_space<vmem>> -> memref<256xi32, #tpu.memory_space<vmem>>
    %dma_start3A_19 = arith.constant 0 : i32
    %dma_start3A_20 = arith.constant 0 : i32
    %dma_start3A_21 = tpu.memref_slice %arg15[%dma_start3A_19, %dma_start3A_20] : memref<10112x64xf32, #tpu.memory_space<vmem_shared>> -> memref<10112x64xf32, #tpu.memory_space<vmem_shared>>
    tpu.enqueue_indirect_dma source(%dma_start3A_21 : memref<10112x64xf32, #tpu.memory_space<vmem_shared>>) target(%dma_start3A_15 : memref<256x64xf32, #tpu.memory_space<vmem>>) offsets(%dma_start3A_18 : memref<256xi32, #tpu.memory_space<vmem>>) semaphore(%arg10 : memref<!tpu.dma_semaphore, #tpu.memory_space<semaphore_mem>>)
    %scan3A = arith.constant 0 : i32
    %scan3A_22 = arith.constant 20 : i32
    %scan3A_23 = arith.addi %scan3A, %scan3A_22 : i32
    %scan3A_24 = arith.constant 1 : i32
    scf.for %scan3A_56 = %scan3A to %scan3A_23 step %scan3A_24  : i32 {
      %mul3A_57 = arith.constant 1 : i32
      %mul3A_58 = arith.muli %scan3A_56, %mul3A_57 : i32
      %add3A = arith.constant 0 : i32
      %add3A_59 = arith.addi %add3A, %mul3A_58 : i32
      %mul3A_60 = arith.constant 2 : i32
      %mul3A_61 = arith.muli %mul3A_60, %add3A_59 : i32
      %add3A_62 = arith.constant 0 : i32
      %add3A_63 = arith.addi %mul3A_61, %add3A_62 : i32
      %add3A_64 = arith.constant 1 : i32
      %add3A_65 = arith.addi %add3A_63, %add3A_64 : i32
      %lt3A = arith.constant 40 : i32
      %lt3A_66 = arith.cmpi slt, %add3A_65, %lt3A : i32
      %convert_element_type3A = arith.extui %lt3A_66 : i1 to i32
      %cond3A = arith.constant 0 : i32
      %cond3A_67 = arith.cmpi ne, %convert_element_type3A, %cond3A : i32
      scf.if %cond3A_67 {
        %add3A_448 = arith.constant 1 : i32
        %add3A_449 = arith.addi %add3A_63, %add3A_448 : i32
        %dma_start3A_450 = arith.constant 1 : i32
        %dma_start3A_451 = arith.constant 0 : i32
        %dma_start3A_452 = arith.constant 0 : i32
        %dma_start3A_453 = tpu.memref_slice %arg7[%dma_start3A_450, %dma_start3A_451, %dma_start3A_452] : memref<2x4x256xi32, #tpu.memory_space<vmem>> -> memref<1x4x256xi32, #tpu.memory_space<vmem>>
        %dma_start3A_454 = tpu.memref_squeeze %dma_start3A_453 : memref<1x4x256xi32, #tpu.memory_space<vmem>> -> memref<4x256xi32, #tpu.memory_space<vmem>>
        %dma_start3A_455 = arith.constant 0 : i32
        %dma_start3A_456 = arith.constant 0 : i32
        %dma_start3A_457 = tpu.memref_slice %arg3[%arg1, %add3A_449, %dma_start3A_455, %dma_start3A_456] : memref<16x40x4x256xi32, #tpu.memory_space<hbm>> -> memref<1x1x4x256xi32, #tpu.memory_space<hbm>>
        %dma_start3A_458 = tpu.memref_squeeze %dma_start3A_457 : memref<1x1x4x256xi32, #tpu.memory_space<hbm>> -> memref<4x256xi32, #tpu.memory_space<hbm>>
        %dma_start3A_459 = arith.constant 0 : i32
        %dma_start3A_460 = arith.constant 0 : i32
        %dma_start3A_461 = tpu.memref_slice %arg7[%dma_start3A_450, %dma_start3A_459, %dma_start3A_460] : memref<2x4x256xi32, #tpu.memory_space<vmem>> -> memref<1x4x256xi32, #tpu.memory_space<vmem>>
        %dma_start3A_462 = tpu.memref_squeeze %dma_start3A_461 : memref<1x4x256xi32, #tpu.memory_space<vmem>> -> memref<4x256xi32, #tpu.memory_space<vmem>>
        %dma_start3A_463 = arith.constant 0 : i32
        %dma_start3A_464 = arith.constant 0 : i32
        %dma_start3A_465 = tpu.memref_slice %arg3[%arg1, %add3A_449, %dma_start3A_463, %dma_start3A_464] : memref<16x40x4x256xi32, #tpu.memory_space<hbm>> -> memref<1x1x4x256xi32, #tpu.memory_space<hbm>>
        %dma_start3A_466 = tpu.memref_squeeze %dma_start3A_465 : memref<1x1x4x256xi32, #tpu.memory_space<hbm>> -> memref<4x256xi32, #tpu.memory_space<hbm>>
        tpu.enqueue_dma source(%dma_start3A_466 : memref<4x256xi32, #tpu.memory_space<hbm>>) target(%dma_start3A_462 : memref<4x256xi32, #tpu.memory_space<vmem>>) target_semaphore(%arg14 : memref<!tpu.dma_semaphore, #tpu.memory_space<semaphore_mem>>)
        %add3A_467 = arith.constant 1 : i32
        %add3A_468 = arith.addi %add3A_63, %add3A_467 : i32
        %dma_start3A_469 = arith.constant 1 : i32
        %dma_start3A_470 = arith.constant 0 : i32
        %dma_start3A_471 = arith.constant 0 : i32
        %dma_start3A_472 = tpu.memref_slice %arg8[%dma_start3A_469, %dma_start3A_470, %dma_start3A_471] : memref<2x4x256xi32, #tpu.memory_space<vmem>> -> memref<1x4x256xi32, #tpu.memory_space<vmem>>
        %dma_start3A_473 = tpu.memref_squeeze %dma_start3A_472 : memref<1x4x256xi32, #tpu.memory_space<vmem>> -> memref<4x256xi32, #tpu.memory_space<vmem>>
        %dma_start3A_474 = arith.constant 0 : i32
        %dma_start3A_475 = arith.constant 0 : i32
        %dma_start3A_476 = tpu.memref_slice %arg4[%arg1, %add3A_468, %dma_start3A_474, %dma_start3A_475] : memref<16x40x4x256xi32, #tpu.memory_space<hbm>> -> memref<1x1x4x256xi32, #tpu.memory_space<hbm>>
        %dma_start3A_477 = tpu.memref_squeeze %dma_start3A_476 : memref<1x1x4x256xi32, #tpu.memory_space<hbm>> -> memref<4x256xi32, #tpu.memory_space<hbm>>
        %dma_start3A_478 = arith.constant 0 : i32
        %dma_start3A_479 = arith.constant 0 : i32
        %dma_start3A_480 = tpu.memref_slice %arg8[%dma_start3A_469, %dma_start3A_478, %dma_start3A_479] : memref<2x4x256xi32, #tpu.memory_space<vmem>> -> memref<1x4x256xi32, #tpu.memory_space<vmem>>
        %dma_start3A_481 = tpu.memref_squeeze %dma_start3A_480 : memref<1x4x256xi32, #tpu.memory_space<vmem>> -> memref<4x256xi32, #tpu.memory_space<vmem>>
        %dma_start3A_482 = arith.constant 0 : i32
        %dma_start3A_483 = arith.constant 0 : i32
        %dma_start3A_484 = tpu.memref_slice %arg4[%arg1, %add3A_468, %dma_start3A_482, %dma_start3A_483] : memref<16x40x4x256xi32, #tpu.memory_space<hbm>> -> memref<1x1x4x256xi32, #tpu.memory_space<hbm>>
        %dma_start3A_485 = tpu.memref_squeeze %dma_start3A_484 : memref<1x1x4x256xi32, #tpu.memory_space<hbm>> -> memref<4x256xi32, #tpu.memory_space<hbm>>
        tpu.enqueue_dma source(%dma_start3A_485 : memref<4x256xi32, #tpu.memory_space<hbm>>) target(%dma_start3A_481 : memref<4x256xi32, #tpu.memory_space<vmem>>) target_semaphore(%arg14 : memref<!tpu.dma_semaphore, #tpu.memory_space<semaphore_mem>>)
      } else {
      }
      %dma_wait3A_68 = arith.constant 0 : i32
      %dma_wait3A_69 = arith.constant 0 : i32
      %dma_wait3A_70 = arith.constant 0 : i32
      %dma_wait3A_71 = arith.constant 0 : i32
      %dma_wait3A_72 = arith.constant 0 : i32
      %dma_wait3A_73 = tpu.memref_slice %arg9[%dma_wait3A_70, %dma_wait3A_71, %dma_wait3A_72] : memref<2x256x64xf32, #tpu.memory_space<vmem>> -> memref<1x256x64xf32, #tpu.memory_space<vmem>>
      %dma_wait3A_74 = tpu.memref_squeeze %dma_wait3A_73 : memref<1x256x64xf32, #tpu.memory_space<vmem>> -> memref<256x64xf32, #tpu.memory_space<vmem>>
      %dma_wait3A_75 = arith.constant 0 : i32
      %dma_wait3A_76 = tpu.memref_slice %arg7[%dma_wait3A_68, %dma_wait3A_69, %dma_wait3A_75] : memref<2x4x256xi32, #tpu.memory_space<vmem>> -> memref<1x1x256xi32, #tpu.memory_space<vmem>>
      %dma_wait3A_77 = tpu.memref_squeeze %dma_wait3A_76 : memref<1x1x256xi32, #tpu.memory_space<vmem>> -> memref<256xi32, #tpu.memory_space<vmem>>
      %dma_wait3A_78 = arith.constant 0 : i32
      %dma_wait3A_79 = arith.constant 0 : i32
      %dma_wait3A_80 = tpu.memref_slice %arg15[%dma_wait3A_78, %dma_wait3A_79] : memref<10112x64xf32, #tpu.memory_space<vmem_shared>> -> memref<10112x64xf32, #tpu.memory_space<vmem_shared>>
      tpu.wait_indirect_dma semaphore(%arg10 : memref<!tpu.dma_semaphore, #tpu.memory_space<semaphore_mem>>) src(%dma_wait3A_80 : memref<10112x64xf32, #tpu.memory_space<vmem_shared>>) dst(%dma_wait3A_74 : memref<256x64xf32, #tpu.memory_space<vmem>>)
      %dma_start3A_81 = arith.constant 0 : i32
      %dma_start3A_82 = arith.constant 0 : i32
      %dma_start3A_83 = arith.constant 0 : i32
      %dma_start3A_84 = arith.constant 0 : i32
      %dma_start3A_85 = arith.constant 0 : i32
      %dma_start3A_86 = tpu.memref_slice %arg9[%dma_start3A_81, %dma_start3A_84, %dma_start3A_85] : memref<2x256x64xf32, #tpu.memory_space<vmem>> -> memref<1x256x64xf32, #tpu.memory_space<vmem>>
      %dma_start3A_87 = tpu.memref_squeeze %dma_start3A_86 : memref<1x256x64xf32, #tpu.memory_space<vmem>> -> memref<256x64xf32, #tpu.memory_space<vmem>>
      %dma_start3A_88 = arith.constant 0 : i32
      %dma_start3A_89 = tpu.memref_slice %arg8[%dma_start3A_82, %dma_start3A_83, %dma_start3A_88] : memref<2x4x256xi32, #tpu.memory_space<vmem>> -> memref<1x1x256xi32, #tpu.memory_space<vmem>>
      %dma_start3A_90 = tpu.memref_squeeze %dma_start3A_89 : memref<1x1x256xi32, #tpu.memory_space<vmem>> -> memref<256xi32, #tpu.memory_space<vmem>>
      %dma_start3A_91 = arith.constant 0 : i32
      %dma_start3A_92 = arith.constant 0 : i32
      %dma_start3A_93 = tpu.memref_slice %arg16[%dma_start3A_91, %dma_start3A_92] : memref<10112x64xf32, #tpu.memory_space<vmem_shared>> -> memref<10112x64xf32, #tpu.memory_space<vmem_shared>>
      tpu.enqueue_indirect_dma source(%dma_start3A_87 : memref<256x64xf32, #tpu.memory_space<vmem>>) target(%dma_start3A_93 : memref<10112x64xf32, #tpu.memory_space<vmem_shared>>) offsets(%dma_start3A_90 : memref<256xi32, #tpu.memory_space<vmem>>) semaphore(%arg12 : memref<!tpu.dma_semaphore, #tpu.memory_space<semaphore_mem>>) {add = true}
      %gt3A = arith.constant 0 : i32
      %gt3A_94 = arith.cmpi sgt, %add3A_59, %gt3A : i32
      %convert_element_type3A_95 = arith.extui %gt3A_94 : i1 to i32
      %cond3A_96 = arith.constant 0 : i32
      %cond3A_97 = arith.cmpi ne, %convert_element_type3A_95, %cond3A_96 : i32
      scf.if %cond3A_97 {
        %dma_wait3A_448 = arith.constant 1 : i32
        %dma_wait3A_449 = arith.constant 1 : i32
        %dma_wait3A_450 = arith.constant 3 : i32
        %dma_wait3A_451 = arith.constant 0 : i32
        %dma_wait3A_452 = arith.constant 0 : i32
        %dma_wait3A_453 = tpu.memref_slice %arg9[%dma_wait3A_448, %dma_wait3A_451, %dma_wait3A_452] : memref<2x256x64xf32, #tpu.memory_space<vmem>> -> memref<1x256x64xf32, #tpu.memory_space<vmem>>
        %dma_wait3A_454 = tpu.memref_squeeze %dma_wait3A_453 : memref<1x256x64xf32, #tpu.memory_space<vmem>> -> memref<256x64xf32, #tpu.memory_space<vmem>>
        %dma_wait3A_455 = arith.constant 0 : i32
        %dma_wait3A_456 = tpu.memref_slice %arg8[%dma_wait3A_449, %dma_wait3A_450, %dma_wait3A_455] : memref<2x4x256xi32, #tpu.memory_space<vmem>> -> memref<1x1x256xi32, #tpu.memory_space<vmem>>
        %dma_wait3A_457 = tpu.memref_squeeze %dma_wait3A_456 : memref<1x1x256xi32, #tpu.memory_space<vmem>> -> memref<256xi32, #tpu.memory_space<vmem>>
        %dma_wait3A_458 = arith.constant 0 : i32
        %dma_wait3A_459 = arith.constant 0 : i32
        %dma_wait3A_460 = tpu.memref_slice %arg16[%dma_wait3A_458, %dma_wait3A_459] : memref<10112x64xf32, #tpu.memory_space<vmem_shared>> -> memref<10112x64xf32, #tpu.memory_space<vmem_shared>>
        tpu.wait_indirect_dma semaphore(%arg13 : memref<!tpu.dma_semaphore, #tpu.memory_space<semaphore_mem>>) src(%dma_wait3A_454 : memref<256x64xf32, #tpu.memory_space<vmem>>) dst(%dma_wait3A_460 : memref<10112x64xf32, #tpu.memory_space<vmem_shared>>)
      } else {
      }
      %dma_start3A_98 = arith.constant 0 : i32
      %dma_start3A_99 = arith.constant 1 : i32
      %dma_start3A_100 = arith.constant 1 : i32
      %dma_start3A_101 = arith.constant 0 : i32
      %dma_start3A_102 = arith.constant 0 : i32
      %dma_start3A_103 = tpu.memref_slice %arg9[%dma_start3A_100, %dma_start3A_101, %dma_start3A_102] : memref<2x256x64xf32, #tpu.memory_space<vmem>> -> memref<1x256x64xf32, #tpu.memory_space<vmem>>
      %dma_start3A_104 = tpu.memref_squeeze %dma_start3A_103 : memref<1x256x64xf32, #tpu.memory_space<vmem>> -> memref<256x64xf32, #tpu.memory_space<vmem>>
      %dma_start3A_105 = arith.constant 0 : i32
      %dma_start3A_106 = tpu.memref_slice %arg7[%dma_start3A_98, %dma_start3A_99, %dma_start3A_105] : memref<2x4x256xi32, #tpu.memory_space<vmem>> -> memref<1x1x256xi32, #tpu.memory_space<vmem>>
      %dma_start3A_107 = tpu.memref_squeeze %dma_start3A_106 : memref<1x1x256xi32, #tpu.memory_space<vmem>> -> memref<256xi32, #tpu.memory_space<vmem>>
      %dma_start3A_108 = arith.constant 0 : i32
      %dma_start3A_109 = arith.constant 0 : i32
      %dma_start3A_110 = tpu.memref_slice %arg15[%dma_start3A_108, %dma_start3A_109] : memref<10112x64xf32, #tpu.memory_space<vmem_shared>> -> memref<10112x64xf32, #tpu.memory_space<vmem_shared>>
      tpu.enqueue_indirect_dma source(%dma_start3A_110 : memref<10112x64xf32, #tpu.memory_space<vmem_shared>>) target(%dma_start3A_104 : memref<256x64xf32, #tpu.memory_space<vmem>>) offsets(%dma_start3A_107 : memref<256xi32, #tpu.memory_space<vmem>>) semaphore(%arg11 : memref<!tpu.dma_semaphore, #tpu.memory_space<semaphore_mem>>)
      %dma_wait3A_111 = arith.constant 0 : i32
      %dma_wait3A_112 = arith.constant 1 : i32
      %dma_wait3A_113 = arith.constant 1 : i32
      %dma_wait3A_114 = arith.constant 0 : i32
      %dma_wait3A_115 = arith.constant 0 : i32
      %dma_wait3A_116 = tpu.memref_slice %arg9[%dma_wait3A_113, %dma_wait3A_114, %dma_wait3A_115] : memref<2x256x64xf32, #tpu.memory_space<vmem>> -> memref<1x256x64xf32, #tpu.memory_space<vmem>>
      %dma_wait3A_117 = tpu.memref_squeeze %dma_wait3A_116 : memref<1x256x64xf32, #tpu.memory_space<vmem>> -> memref<256x64xf32, #tpu.memory_space<vmem>>
      %dma_wait3A_118 = arith.constant 0 : i32
      %dma_wait3A_119 = tpu.memref_slice %arg7[%dma_wait3A_111, %dma_wait3A_112, %dma_wait3A_118] : memref<2x4x256xi32, #tpu.memory_space<vmem>> -> memref<1x1x256xi32, #tpu.memory_space<vmem>>
      %dma_wait3A_120 = tpu.memref_squeeze %dma_wait3A_119 : memref<1x1x256xi32, #tpu.memory_space<vmem>> -> memref<256xi32, #tpu.memory_space<vmem>>
      %dma_wait3A_121 = arith.constant 0 : i32
      %dma_wait3A_122 = arith.constant 0 : i32
      %dma_wait3A_123 = tpu.memref_slice %arg15[%dma_wait3A_121, %dma_wait3A_122] : memref<10112x64xf32, #tpu.memory_space<vmem_shared>> -> memref<10112x64xf32, #tpu.memory_space<vmem_shared>>
      tpu.wait_indirect_dma semaphore(%arg11 : memref<!tpu.dma_semaphore, #tpu.memory_space<semaphore_mem>>) src(%dma_wait3A_123 : memref<10112x64xf32, #tpu.memory_space<vmem_shared>>) dst(%dma_wait3A_117 : memref<256x64xf32, #tpu.memory_space<vmem>>)
      %dma_start3A_124 = arith.constant 1 : i32
      %dma_start3A_125 = arith.constant 0 : i32
      %dma_start3A_126 = arith.constant 1 : i32
      %dma_start3A_127 = arith.constant 0 : i32
      %dma_start3A_128 = arith.constant 0 : i32
      %dma_start3A_129 = tpu.memref_slice %arg9[%dma_start3A_124, %dma_start3A_127, %dma_start3A_128] : memref<2x256x64xf32, #tpu.memory_space<vmem>> -> memref<1x256x64xf32, #tpu.memory_space<vmem>>
      %dma_start3A_130 = tpu.memref_squeeze %dma_start3A_129 : memref<1x256x64xf32, #tpu.memory_space<vmem>> -> memref<256x64xf32, #tpu.memory_space<vmem>>
      %dma_start3A_131 = arith.constant 0 : i32
      %dma_start3A_132 = tpu.memref_slice %arg8[%dma_start3A_125, %dma_start3A_126, %dma_start3A_131] : memref<2x4x256xi32, #tpu.memory_space<vmem>> -> memref<1x1x256xi32, #tpu.memory_space<vmem>>
      %dma_start3A_133 = tpu.memref_squeeze %dma_start3A_132 : memref<1x1x256xi32, #tpu.memory_space<vmem>> -> memref<256xi32, #tpu.memory_space<vmem>>
      %dma_start3A_134 = arith.constant 0 : i32
      %dma_start3A_135 = arith.constant 0 : i32
      %dma_start3A_136 = tpu.memref_slice %arg16[%dma_start3A_134, %dma_start3A_135] : memref<10112x64xf32, #tpu.memory_space<vmem_shared>> -> memref<10112x64xf32, #tpu.memory_space<vmem_shared>>
      tpu.enqueue_indirect_dma source(%dma_start3A_130 : memref<256x64xf32, #tpu.memory_space<vmem>>) target(%dma_start3A_136 : memref<10112x64xf32, #tpu.memory_space<vmem_shared>>) offsets(%dma_start3A_133 : memref<256xi32, #tpu.memory_space<vmem>>) semaphore(%arg13 : memref<!tpu.dma_semaphore, #tpu.memory_space<semaphore_mem>>) {add = true}
      %dma_wait3A_137 = arith.constant 0 : i32
      %dma_wait3A_138 = arith.constant 0 : i32
      %dma_wait3A_139 = arith.constant 0 : i32
      %dma_wait3A_140 = arith.constant 0 : i32
      %dma_wait3A_141 = arith.constant 0 : i32
      %dma_wait3A_142 = tpu.memref_slice %arg9[%dma_wait3A_137, %dma_wait3A_140, %dma_wait3A_141] : memref<2x256x64xf32, #tpu.memory_space<vmem>> -> memref<1x256x64xf32, #tpu.memory_space<vmem>>
      %dma_wait3A_143 = tpu.memref_squeeze %dma_wait3A_142 : memref<1x256x64xf32, #tpu.memory_space<vmem>> -> memref<256x64xf32, #tpu.memory_space<vmem>>
      %dma_wait3A_144 = arith.constant 0 : i32
      %dma_wait3A_145 = tpu.memref_slice %arg8[%dma_wait3A_138, %dma_wait3A_139, %dma_wait3A_144] : memref<2x4x256xi32, #tpu.memory_space<vmem>> -> memref<1x1x256xi32, #tpu.memory_space<vmem>>
      %dma_wait3A_146 = tpu.memref_squeeze %dma_wait3A_145 : memref<1x1x256xi32, #tpu.memory_space<vmem>> -> memref<256xi32, #tpu.memory_space<vmem>>
      %dma_wait3A_147 = arith.constant 0 : i32
      %dma_wait3A_148 = arith.constant 0 : i32
      %dma_wait3A_149 = tpu.memref_slice %arg16[%dma_wait3A_147, %dma_wait3A_148] : memref<10112x64xf32, #tpu.memory_space<vmem_shared>> -> memref<10112x64xf32, #tpu.memory_space<vmem_shared>>
      tpu.wait_indirect_dma semaphore(%arg12 : memref<!tpu.dma_semaphore, #tpu.memory_space<semaphore_mem>>) src(%dma_wait3A_143 : memref<256x64xf32, #tpu.memory_space<vmem>>) dst(%dma_wait3A_149 : memref<10112x64xf32, #tpu.memory_space<vmem_shared>>)
      %dma_start3A_150 = arith.constant 0 : i32
      %dma_start3A_151 = arith.constant 2 : i32
      %dma_start3A_152 = arith.constant 0 : i32
      %dma_start3A_153 = arith.constant 0 : i32
      %dma_start3A_154 = arith.constant 0 : i32
      %dma_start3A_155 = tpu.memref_slice %arg9[%dma_start3A_152, %dma_start3A_153, %dma_start3A_154] : memref<2x256x64xf32, #tpu.memory_space<vmem>> -> memref<1x256x64xf32, #tpu.memory_space<vmem>>
      %dma_start3A_156 = tpu.memref_squeeze %dma_start3A_155 : memref<1x256x64xf32, #tpu.memory_space<vmem>> -> memref<256x64xf32, #tpu.memory_space<vmem>>
      %dma_start3A_157 = arith.constant 0 : i32
      %dma_start3A_158 = tpu.memref_slice %arg7[%dma_start3A_150, %dma_start3A_151, %dma_start3A_157] : memref<2x4x256xi32, #tpu.memory_space<vmem>> -> memref<1x1x256xi32, #tpu.memory_space<vmem>>
      %dma_start3A_159 = tpu.memref_squeeze %dma_start3A_158 : memref<1x1x256xi32, #tpu.memory_space<vmem>> -> memref<256xi32, #tpu.memory_space<vmem>>
      %dma_start3A_160 = arith.constant 0 : i32
      %dma_start3A_161 = arith.constant 0 : i32
      %dma_start3A_162 = tpu.memref_slice %arg15[%dma_start3A_160, %dma_start3A_161] : memref<10112x64xf32, #tpu.memory_space<vmem_shared>> -> memref<10112x64xf32, #tpu.memory_space<vmem_shared>>
      tpu.enqueue_indirect_dma source(%dma_start3A_162 : memref<10112x64xf32, #tpu.memory_space<vmem_shared>>) target(%dma_start3A_156 : memref<256x64xf32, #tpu.memory_space<vmem>>) offsets(%dma_start3A_159 : memref<256xi32, #tpu.memory_space<vmem>>) semaphore(%arg10 : memref<!tpu.dma_semaphore, #tpu.memory_space<semaphore_mem>>)
      %dma_wait3A_163 = arith.constant 0 : i32
      %dma_wait3A_164 = arith.constant 2 : i32
      %dma_wait3A_165 = arith.constant 0 : i32
      %dma_wait3A_166 = arith.constant 0 : i32
      %dma_wait3A_167 = arith.constant 0 : i32
      %dma_wait3A_168 = tpu.memref_slice %arg9[%dma_wait3A_165, %dma_wait3A_166, %dma_wait3A_167] : memref<2x256x64xf32, #tpu.memory_space<vmem>> -> memref<1x256x64xf32, #tpu.memory_space<vmem>>
      %dma_wait3A_169 = tpu.memref_squeeze %dma_wait3A_168 : memref<1x256x64xf32, #tpu.memory_space<vmem>> -> memref<256x64xf32, #tpu.memory_space<vmem>>
      %dma_wait3A_170 = arith.constant 0 : i32
      %dma_wait3A_171 = tpu.memref_slice %arg7[%dma_wait3A_163, %dma_wait3A_164, %dma_wait3A_170] : memref<2x4x256xi32, #tpu.memory_space<vmem>> -> memref<1x1x256xi32, #tpu.memory_space<vmem>>
      %dma_wait3A_172 = tpu.memref_squeeze %dma_wait3A_171 : memref<1x1x256xi32, #tpu.memory_space<vmem>> -> memref<256xi32, #tpu.memory_space<vmem>>
      %dma_wait3A_173 = arith.constant 0 : i32
      %dma_wait3A_174 = arith.constant 0 : i32
      %dma_wait3A_175 = tpu.memref_slice %arg15[%dma_wait3A_173, %dma_wait3A_174] : memref<10112x64xf32, #tpu.memory_space<vmem_shared>> -> memref<10112x64xf32, #tpu.memory_space<vmem_shared>>
      tpu.wait_indirect_dma semaphore(%arg10 : memref<!tpu.dma_semaphore, #tpu.memory_space<semaphore_mem>>) src(%dma_wait3A_175 : memref<10112x64xf32, #tpu.memory_space<vmem_shared>>) dst(%dma_wait3A_169 : memref<256x64xf32, #tpu.memory_space<vmem>>)
      %dma_start3A_176 = arith.constant 0 : i32
      %dma_start3A_177 = arith.constant 0 : i32
      %dma_start3A_178 = arith.constant 2 : i32
      %dma_start3A_179 = arith.constant 0 : i32
      %dma_start3A_180 = arith.constant 0 : i32
      %dma_start3A_181 = tpu.memref_slice %arg9[%dma_start3A_176, %dma_start3A_179, %dma_start3A_180] : memref<2x256x64xf32, #tpu.memory_space<vmem>> -> memref<1x256x64xf32, #tpu.memory_space<vmem>>
      %dma_start3A_182 = tpu.memref_squeeze %dma_start3A_181 : memref<1x256x64xf32, #tpu.memory_space<vmem>> -> memref<256x64xf32, #tpu.memory_space<vmem>>
      %dma_start3A_183 = arith.constant 0 : i32
      %dma_start3A_184 = tpu.memref_slice %arg8[%dma_start3A_177, %dma_start3A_178, %dma_start3A_183] : memref<2x4x256xi32, #tpu.memory_space<vmem>> -> memref<1x1x256xi32, #tpu.memory_space<vmem>>
      %dma_start3A_185 = tpu.memref_squeeze %dma_start3A_184 : memref<1x1x256xi32, #tpu.memory_space<vmem>> -> memref<256xi32, #tpu.memory_space<vmem>>
      %dma_start3A_186 = arith.constant 0 : i32
      %dma_start3A_187 = arith.constant 0 : i32
      %dma_start3A_188 = tpu.memref_slice %arg16[%dma_start3A_186, %dma_start3A_187] : memref<10112x64xf32, #tpu.memory_space<vmem_shared>> -> memref<10112x64xf32, #tpu.memory_space<vmem_shared>>
      tpu.enqueue_indirect_dma source(%dma_start3A_182 : memref<256x64xf32, #tpu.memory_space<vmem>>) target(%dma_start3A_188 : memref<10112x64xf32, #tpu.memory_space<vmem_shared>>) offsets(%dma_start3A_185 : memref<256xi32, #tpu.memory_space<vmem>>) semaphore(%arg12 : memref<!tpu.dma_semaphore, #tpu.memory_space<semaphore_mem>>) {add = true}
      %dma_wait3A_189 = arith.constant 1 : i32
      %dma_wait3A_190 = arith.constant 0 : i32
      %dma_wait3A_191 = arith.constant 1 : i32
      %dma_wait3A_192 = arith.constant 0 : i32
      %dma_wait3A_193 = arith.constant 0 : i32
      %dma_wait3A_194 = tpu.memref_slice %arg9[%dma_wait3A_189, %dma_wait3A_192, %dma_wait3A_193] : memref<2x256x64xf32, #tpu.memory_space<vmem>> -> memref<1x256x64xf32, #tpu.memory_space<vmem>>
      %dma_wait3A_195 = tpu.memref_squeeze %dma_wait3A_194 : memref<1x256x64xf32, #tpu.memory_space<vmem>> -> memref<256x64xf32, #tpu.memory_space<vmem>>
      %dma_wait3A_196 = arith.constant 0 : i32
      %dma_wait3A_197 = tpu.memref_slice %arg8[%dma_wait3A_190, %dma_wait3A_191, %dma_wait3A_196] : memref<2x4x256xi32, #tpu.memory_space<vmem>> -> memref<1x1x256xi32, #tpu.memory_space<vmem>>
      %dma_wait3A_198 = tpu.memref_squeeze %dma_wait3A_197 : memref<1x1x256xi32, #tpu.memory_space<vmem>> -> memref<256xi32, #tpu.memory_space<vmem>>
      %dma_wait3A_199 = arith.constant 0 : i32
      %dma_wait3A_200 = arith.constant 0 : i32
      %dma_wait3A_201 = tpu.memref_slice %arg16[%dma_wait3A_199, %dma_wait3A_200] : memref<10112x64xf32, #tpu.memory_space<vmem_shared>> -> memref<10112x64xf32, #tpu.memory_space<vmem_shared>>
      tpu.wait_indirect_dma semaphore(%arg13 : memref<!tpu.dma_semaphore, #tpu.memory_space<semaphore_mem>>) src(%dma_wait3A_195 : memref<256x64xf32, #tpu.memory_space<vmem>>) dst(%dma_wait3A_201 : memref<10112x64xf32, #tpu.memory_space<vmem_shared>>)
      %dma_start3A_202 = arith.constant 0 : i32
      %dma_start3A_203 = arith.constant 3 : i32
      %dma_start3A_204 = arith.constant 1 : i32
      %dma_start3A_205 = arith.constant 0 : i32
      %dma_start3A_206 = arith.constant 0 : i32
      %dma_start3A_207 = tpu.memref_slice %arg9[%dma_start3A_204, %dma_start3A_205, %dma_start3A_206] : memref<2x256x64xf32, #tpu.memory_space<vmem>> -> memref<1x256x64xf32, #tpu.memory_space<vmem>>
      %dma_start3A_208 = tpu.memref_squeeze %dma_start3A_207 : memref<1x256x64xf32, #tpu.memory_space<vmem>> -> memref<256x64xf32, #tpu.memory_space<vmem>>
      %dma_start3A_209 = arith.constant 0 : i32
      %dma_start3A_210 = tpu.memref_slice %arg7[%dma_start3A_202, %dma_start3A_203, %dma_start3A_209] : memref<2x4x256xi32, #tpu.memory_space<vmem>> -> memref<1x1x256xi32, #tpu.memory_space<vmem>>
      %dma_start3A_211 = tpu.memref_squeeze %dma_start3A_210 : memref<1x1x256xi32, #tpu.memory_space<vmem>> -> memref<256xi32, #tpu.memory_space<vmem>>
      %dma_start3A_212 = arith.constant 0 : i32
      %dma_start3A_213 = arith.constant 0 : i32
      %dma_start3A_214 = tpu.memref_slice %arg15[%dma_start3A_212, %dma_start3A_213] : memref<10112x64xf32, #tpu.memory_space<vmem_shared>> -> memref<10112x64xf32, #tpu.memory_space<vmem_shared>>
      tpu.enqueue_indirect_dma source(%dma_start3A_214 : memref<10112x64xf32, #tpu.memory_space<vmem_shared>>) target(%dma_start3A_208 : memref<256x64xf32, #tpu.memory_space<vmem>>) offsets(%dma_start3A_211 : memref<256xi32, #tpu.memory_space<vmem>>) semaphore(%arg11 : memref<!tpu.dma_semaphore, #tpu.memory_space<semaphore_mem>>)
      %dma_wait3A_215 = arith.constant 0 : i32
      %dma_wait3A_216 = arith.constant 3 : i32
      %dma_wait3A_217 = arith.constant 1 : i32
      %dma_wait3A_218 = arith.constant 0 : i32
      %dma_wait3A_219 = arith.constant 0 : i32
      %dma_wait3A_220 = tpu.memref_slice %arg9[%dma_wait3A_217, %dma_wait3A_218, %dma_wait3A_219] : memref<2x256x64xf32, #tpu.memory_space<vmem>> -> memref<1x256x64xf32, #tpu.memory_space<vmem>>
      %dma_wait3A_221 = tpu.memref_squeeze %dma_wait3A_220 : memref<1x256x64xf32, #tpu.memory_space<vmem>> -> memref<256x64xf32, #tpu.memory_space<vmem>>
      %dma_wait3A_222 = arith.constant 0 : i32
      %dma_wait3A_223 = tpu.memref_slice %arg7[%dma_wait3A_215, %dma_wait3A_216, %dma_wait3A_222] : memref<2x4x256xi32, #tpu.memory_space<vmem>> -> memref<1x1x256xi32, #tpu.memory_space<vmem>>
      %dma_wait3A_224 = tpu.memref_squeeze %dma_wait3A_223 : memref<1x1x256xi32, #tpu.memory_space<vmem>> -> memref<256xi32, #tpu.memory_space<vmem>>
      %dma_wait3A_225 = arith.constant 0 : i32
      %dma_wait3A_226 = arith.constant 0 : i32
      %dma_wait3A_227 = tpu.memref_slice %arg15[%dma_wait3A_225, %dma_wait3A_226] : memref<10112x64xf32, #tpu.memory_space<vmem_shared>> -> memref<10112x64xf32, #tpu.memory_space<vmem_shared>>
      tpu.wait_indirect_dma semaphore(%arg11 : memref<!tpu.dma_semaphore, #tpu.memory_space<semaphore_mem>>) src(%dma_wait3A_227 : memref<10112x64xf32, #tpu.memory_space<vmem_shared>>) dst(%dma_wait3A_221 : memref<256x64xf32, #tpu.memory_space<vmem>>)
      %dma_start3A_228 = arith.constant 1 : i32
      %dma_start3A_229 = arith.constant 0 : i32
      %dma_start3A_230 = arith.constant 3 : i32
      %dma_start3A_231 = arith.constant 0 : i32
      %dma_start3A_232 = arith.constant 0 : i32
      %dma_start3A_233 = tpu.memref_slice %arg9[%dma_start3A_228, %dma_start3A_231, %dma_start3A_232] : memref<2x256x64xf32, #tpu.memory_space<vmem>> -> memref<1x256x64xf32, #tpu.memory_space<vmem>>
      %dma_start3A_234 = tpu.memref_squeeze %dma_start3A_233 : memref<1x256x64xf32, #tpu.memory_space<vmem>> -> memref<256x64xf32, #tpu.memory_space<vmem>>
      %dma_start3A_235 = arith.constant 0 : i32
      %dma_start3A_236 = tpu.memref_slice %arg8[%dma_start3A_229, %dma_start3A_230, %dma_start3A_235] : memref<2x4x256xi32, #tpu.memory_space<vmem>> -> memref<1x1x256xi32, #tpu.memory_space<vmem>>
      %dma_start3A_237 = tpu.memref_squeeze %dma_start3A_236 : memref<1x1x256xi32, #tpu.memory_space<vmem>> -> memref<256xi32, #tpu.memory_space<vmem>>
      %dma_start3A_238 = arith.constant 0 : i32
      %dma_start3A_239 = arith.constant 0 : i32
      %dma_start3A_240 = tpu.memref_slice %arg16[%dma_start3A_238, %dma_start3A_239] : memref<10112x64xf32, #tpu.memory_space<vmem_shared>> -> memref<10112x64xf32, #tpu.memory_space<vmem_shared>>
      tpu.enqueue_indirect_dma source(%dma_start3A_234 : memref<256x64xf32, #tpu.memory_space<vmem>>) target(%dma_start3A_240 : memref<10112x64xf32, #tpu.memory_space<vmem_shared>>) offsets(%dma_start3A_237 : memref<256xi32, #tpu.memory_space<vmem>>) semaphore(%arg13 : memref<!tpu.dma_semaphore, #tpu.memory_space<semaphore_mem>>) {add = true}
      %add3A_241 = arith.constant 1 : i32
      %add3A_242 = arith.addi %add3A_63, %add3A_241 : i32
      %lt3A_243 = arith.constant 40 : i32
      %lt3A_244 = arith.cmpi slt, %add3A_242, %lt3A_243 : i32
      %convert_element_type3A_245 = arith.extui %lt3A_244 : i1 to i32
      %cond3A_246 = arith.constant 0 : i32
      %cond3A_247 = arith.cmpi ne, %convert_element_type3A_245, %cond3A_246 : i32
      scf.if %cond3A_247 {
        %add3A_448 = arith.constant 1 : i32
        %add3A_449 = arith.addi %add3A_63, %add3A_448 : i32
        %dma_wait3A_450 = arith.constant 1 : i32
        %dma_wait3A_451 = arith.constant 0 : i32
        %dma_wait3A_452 = arith.constant 0 : i32
        %dma_wait3A_453 = tpu.memref_slice %arg7[%dma_wait3A_450, %dma_wait3A_451, %dma_wait3A_452] : memref<2x4x256xi32, #tpu.memory_space<vmem>> -> memref<1x4x256xi32, #tpu.memory_space<vmem>>
        %dma_wait3A_454 = tpu.memref_squeeze %dma_wait3A_453 : memref<1x4x256xi32, #tpu.memory_space<vmem>> -> memref<4x256xi32, #tpu.memory_space<vmem>>
        %dma_wait3A_455 = arith.constant 0 : i32
        %dma_wait3A_456 = arith.constant 0 : i32
        %dma_wait3A_457 = tpu.memref_slice %arg3[%arg1, %add3A_449, %dma_wait3A_455, %dma_wait3A_456] : memref<16x40x4x256xi32, #tpu.memory_space<hbm>> -> memref<1x1x4x256xi32, #tpu.memory_space<hbm>>
        %dma_wait3A_458 = tpu.memref_squeeze %dma_wait3A_457 : memref<1x1x4x256xi32, #tpu.memory_space<hbm>> -> memref<4x256xi32, #tpu.memory_space<hbm>>
        %dma_wait3A_459 = arith.constant 0 : i32
        %dma_wait3A_460 = arith.constant 0 : i32
        %dma_wait3A_461 = tpu.memref_slice %arg7[%dma_wait3A_450, %dma_wait3A_459, %dma_wait3A_460] : memref<2x4x256xi32, #tpu.memory_space<vmem>> -> memref<1x4x256xi32, #tpu.memory_space<vmem>>
        %dma_wait3A_462 = tpu.memref_squeeze %dma_wait3A_461 : memref<1x4x256xi32, #tpu.memory_space<vmem>> -> memref<4x256xi32, #tpu.memory_space<vmem>>
        %dma_wait3A_463 = arith.constant 0 : i32
        %dma_wait3A_464 = arith.constant 0 : i32
        %dma_wait3A_465 = tpu.memref_slice %arg3[%arg1, %add3A_449, %dma_wait3A_463, %dma_wait3A_464] : memref<16x40x4x256xi32, #tpu.memory_space<hbm>> -> memref<1x1x4x256xi32, #tpu.memory_space<hbm>>
        %dma_wait3A_466 = tpu.memref_squeeze %dma_wait3A_465 : memref<1x1x4x256xi32, #tpu.memory_space<hbm>> -> memref<4x256xi32, #tpu.memory_space<hbm>>
        tpu.wait_dma2 semaphore(%arg14 : memref<!tpu.dma_semaphore, #tpu.memory_space<semaphore_mem>>) src(%dma_wait3A_466 : memref<4x256xi32, #tpu.memory_space<hbm>>) dst(%dma_wait3A_462 : memref<4x256xi32, #tpu.memory_space<vmem>>)
        %add3A_467 = arith.constant 1 : i32
        %add3A_468 = arith.addi %add3A_63, %add3A_467 : i32
        %dma_wait3A_469 = arith.constant 1 : i32
        %dma_wait3A_470 = arith.constant 0 : i32
        %dma_wait3A_471 = arith.constant 0 : i32
        %dma_wait3A_472 = tpu.memref_slice %arg8[%dma_wait3A_469, %dma_wait3A_470, %dma_wait3A_471] : memref<2x4x256xi32, #tpu.memory_space<vmem>> -> memref<1x4x256xi32, #tpu.memory_space<vmem>>
        %dma_wait3A_473 = tpu.memref_squeeze %dma_wait3A_472 : memref<1x4x256xi32, #tpu.memory_space<vmem>> -> memref<4x256xi32, #tpu.memory_space<vmem>>
        %dma_wait3A_474 = arith.constant 0 : i32
        %dma_wait3A_475 = arith.constant 0 : i32
        %dma_wait3A_476 = tpu.memref_slice %arg4[%arg1, %add3A_468, %dma_wait3A_474, %dma_wait3A_475] : memref<16x40x4x256xi32, #tpu.memory_space<hbm>> -> memref<1x1x4x256xi32, #tpu.memory_space<hbm>>
        %dma_wait3A_477 = tpu.memref_squeeze %dma_wait3A_476 : memref<1x1x4x256xi32, #tpu.memory_space<hbm>> -> memref<4x256xi32, #tpu.memory_space<hbm>>
        %dma_wait3A_478 = arith.constant 0 : i32
        %dma_wait3A_479 = arith.constant 0 : i32
        %dma_wait3A_480 = tpu.memref_slice %arg8[%dma_wait3A_469, %dma_wait3A_478, %dma_wait3A_479] : memref<2x4x256xi32, #tpu.memory_space<vmem>> -> memref<1x4x256xi32, #tpu.memory_space<vmem>>
        %dma_wait3A_481 = tpu.memref_squeeze %dma_wait3A_480 : memref<1x4x256xi32, #tpu.memory_space<vmem>> -> memref<4x256xi32, #tpu.memory_space<vmem>>
        %dma_wait3A_482 = arith.constant 0 : i32
        %dma_wait3A_483 = arith.constant 0 : i32
        %dma_wait3A_484 = tpu.memref_slice %arg4[%arg1, %add3A_468, %dma_wait3A_482, %dma_wait3A_483] : memref<16x40x4x256xi32, #tpu.memory_space<hbm>> -> memref<1x1x4x256xi32, #tpu.memory_space<hbm>>
        %dma_wait3A_485 = tpu.memref_squeeze %dma_wait3A_484 : memref<1x1x4x256xi32, #tpu.memory_space<hbm>> -> memref<4x256xi32, #tpu.memory_space<hbm>>
        tpu.wait_dma2 semaphore(%arg14 : memref<!tpu.dma_semaphore, #tpu.memory_space<semaphore_mem>>) src(%dma_wait3A_485 : memref<4x256xi32, #tpu.memory_space<hbm>>) dst(%dma_wait3A_481 : memref<4x256xi32, #tpu.memory_space<vmem>>)
        %dma_wait3A_486 = arith.constant 0 : i32
        %dma_wait3A_487 = arith.constant 0 : i32
        %dma_wait3A_488 = arith.constant 2 : i32
        %dma_wait3A_489 = arith.constant 0 : i32
        %dma_wait3A_490 = arith.constant 0 : i32
        %dma_wait3A_491 = tpu.memref_slice %arg9[%dma_wait3A_486, %dma_wait3A_489, %dma_wait3A_490] : memref<2x256x64xf32, #tpu.memory_space<vmem>> -> memref<1x256x64xf32, #tpu.memory_space<vmem>>
        %dma_wait3A_492 = tpu.memref_squeeze %dma_wait3A_491 : memref<1x256x64xf32, #tpu.memory_space<vmem>> -> memref<256x64xf32, #tpu.memory_space<vmem>>
        %dma_wait3A_493 = arith.constant 0 : i32
        %dma_wait3A_494 = tpu.memref_slice %arg8[%dma_wait3A_487, %dma_wait3A_488, %dma_wait3A_493] : memref<2x4x256xi32, #tpu.memory_space<vmem>> -> memref<1x1x256xi32, #tpu.memory_space<vmem>>
        %dma_wait3A_495 = tpu.memref_squeeze %dma_wait3A_494 : memref<1x1x256xi32, #tpu.memory_space<vmem>> -> memref<256xi32, #tpu.memory_space<vmem>>
        %dma_wait3A_496 = arith.constant 0 : i32
        %dma_wait3A_497 = arith.constant 0 : i32
        %dma_wait3A_498 = tpu.memref_slice %arg16[%dma_wait3A_496, %dma_wait3A_497] : memref<10112x64xf32, #tpu.memory_space<vmem_shared>> -> memref<10112x64xf32, #tpu.memory_space<vmem_shared>>
        tpu.wait_indirect_dma semaphore(%arg12 : memref<!tpu.dma_semaphore, #tpu.memory_space<semaphore_mem>>) src(%dma_wait3A_492 : memref<256x64xf32, #tpu.memory_space<vmem>>) dst(%dma_wait3A_498 : memref<10112x64xf32, #tpu.memory_space<vmem_shared>>)
        %dma_start3A_499 = arith.constant 1 : i32
        %dma_start3A_500 = arith.constant 0 : i32
        %dma_start3A_501 = arith.constant 0 : i32
        %dma_start3A_502 = arith.constant 0 : i32
        %dma_start3A_503 = arith.constant 0 : i32
        %dma_start3A_504 = tpu.memref_slice %arg9[%dma_start3A_501, %dma_start3A_502, %dma_start3A_503] : memref<2x256x64xf32, #tpu.memory_space<vmem>> -> memref<1x256x64xf32, #tpu.memory_space<vmem>>
        %dma_start3A_505 = tpu.memref_squeeze %dma_start3A_504 : memref<1x256x64xf32, #tpu.memory_space<vmem>> -> memref<256x64xf32, #tpu.memory_space<vmem>>
        %dma_start3A_506 = arith.constant 0 : i32
        %dma_start3A_507 = tpu.memref_slice %arg7[%dma_start3A_499, %dma_start3A_500, %dma_start3A_506] : memref<2x4x256xi32, #tpu.memory_space<vmem>> -> memref<1x1x256xi32, #tpu.memory_space<vmem>>
        %dma_start3A_508 = tpu.memref_squeeze %dma_start3A_507 : memref<1x1x256xi32, #tpu.memory_space<vmem>> -> memref<256xi32, #tpu.memory_space<vmem>>
        %dma_start3A_509 = arith.constant 0 : i32
        %dma_start3A_510 = arith.constant 0 : i32
        %dma_start3A_511 = tpu.memref_slice %arg15[%dma_start3A_509, %dma_start3A_510] : memref<10112x64xf32, #tpu.memory_space<vmem_shared>> -> memref<10112x64xf32, #tpu.memory_space<vmem_shared>>
        tpu.enqueue_indirect_dma source(%dma_start3A_511 : memref<10112x64xf32, #tpu.memory_space<vmem_shared>>) target(%dma_start3A_505 : memref<256x64xf32, #tpu.memory_space<vmem>>) offsets(%dma_start3A_508 : memref<256xi32, #tpu.memory_space<vmem>>) semaphore(%arg10 : memref<!tpu.dma_semaphore, #tpu.memory_space<semaphore_mem>>)
      } else {
      }
      %mul3A_248 = arith.constant 2 : i32
      %mul3A_249 = arith.muli %mul3A_248, %add3A_59 : i32
      %add3A_250 = arith.constant 1 : i32
      %add3A_251 = arith.addi %mul3A_249, %add3A_250 : i32
      %add3A_252 = arith.constant 1 : i32
      %add3A_253 = arith.addi %add3A_251, %add3A_252 : i32
      %lt3A_254 = arith.constant 40 : i32
      %lt3A_255 = arith.cmpi slt, %add3A_253, %lt3A_254 : i32
      %convert_element_type3A_256 = arith.extui %lt3A_255 : i1 to i32
      %cond3A_257 = arith.constant 0 : i32
      %cond3A_258 = arith.cmpi ne, %convert_element_type3A_256, %cond3A_257 : i32
      scf.if %cond3A_258 {
        %add3A_448 = arith.constant 1 : i32
        %add3A_449 = arith.addi %add3A_251, %add3A_448 : i32
        %dma_start3A_450 = arith.constant 0 : i32
        %dma_start3A_451 = arith.constant 0 : i32
        %dma_start3A_452 = arith.constant 0 : i32
        %dma_start3A_453 = tpu.memref_slice %arg7[%dma_start3A_450, %dma_start3A_451, %dma_start3A_452] : memref<2x4x256xi32, #tpu.memory_space<vmem>> -> memref<1x4x256xi32, #tpu.memory_space<vmem>>
        %dma_start3A_454 = tpu.memref_squeeze %dma_start3A_453 : memref<1x4x256xi32, #tpu.memory_space<vmem>> -> memref<4x256xi32, #tpu.memory_space<vmem>>
        %dma_start3A_455 = arith.constant 0 : i32
        %dma_start3A_456 = arith.constant 0 : i32
        %dma_start3A_457 = tpu.memref_slice %arg3[%arg1, %add3A_449, %dma_start3A_455, %dma_start3A_456] : memref<16x40x4x256xi32, #tpu.memory_space<hbm>> -> memref<1x1x4x256xi32, #tpu.memory_space<hbm>>
        %dma_start3A_458 = tpu.memref_squeeze %dma_start3A_457 : memref<1x1x4x256xi32, #tpu.memory_space<hbm>> -> memref<4x256xi32, #tpu.memory_space<hbm>>
        %dma_start3A_459 = arith.constant 0 : i32
        %dma_start3A_460 = arith.constant 0 : i32
        %dma_start3A_461 = tpu.memref_slice %arg7[%dma_start3A_450, %dma_start3A_459, %dma_start3A_460] : memref<2x4x256xi32, #tpu.memory_space<vmem>> -> memref<1x4x256xi32, #tpu.memory_space<vmem>>
        %dma_start3A_462 = tpu.memref_squeeze %dma_start3A_461 : memref<1x4x256xi32, #tpu.memory_space<vmem>> -> memref<4x256xi32, #tpu.memory_space<vmem>>
        %dma_start3A_463 = arith.constant 0 : i32
        %dma_start3A_464 = arith.constant 0 : i32
        %dma_start3A_465 = tpu.memref_slice %arg3[%arg1, %add3A_449, %dma_start3A_463, %dma_start3A_464] : memref<16x40x4x256xi32, #tpu.memory_space<hbm>> -> memref<1x1x4x256xi32, #tpu.memory_space<hbm>>
        %dma_start3A_466 = tpu.memref_squeeze %dma_start3A_465 : memref<1x1x4x256xi32, #tpu.memory_space<hbm>> -> memref<4x256xi32, #tpu.memory_space<hbm>>
        tpu.enqueue_dma source(%dma_start3A_466 : memref<4x256xi32, #tpu.memory_space<hbm>>) target(%dma_start3A_462 : memref<4x256xi32, #tpu.memory_space<vmem>>) target_semaphore(%arg14 : memref<!tpu.dma_semaphore, #tpu.memory_space<semaphore_mem>>)
        %add3A_467 = arith.constant 1 : i32
        %add3A_468 = arith.addi %add3A_251, %add3A_467 : i32
        %dma_start3A_469 = arith.constant 0 : i32
        %dma_start3A_470 = arith.constant 0 : i32
        %dma_start3A_471 = arith.constant 0 : i32
        %dma_start3A_472 = tpu.memref_slice %arg8[%dma_start3A_469, %dma_start3A_470, %dma_start3A_471] : memref<2x4x256xi32, #tpu.memory_space<vmem>> -> memref<1x4x256xi32, #tpu.memory_space<vmem>>
        %dma_start3A_473 = tpu.memref_squeeze %dma_start3A_472 : memref<1x4x256xi32, #tpu.memory_space<vmem>> -> memref<4x256xi32, #tpu.memory_space<vmem>>
        %dma_start3A_474 = arith.constant 0 : i32
        %dma_start3A_475 = arith.constant 0 : i32
        %dma_start3A_476 = tpu.memref_slice %arg4[%arg1, %add3A_468, %dma_start3A_474, %dma_start3A_475] : memref<16x40x4x256xi32, #tpu.memory_space<hbm>> -> memref<1x1x4x256xi32, #tpu.memory_space<hbm>>
        %dma_start3A_477 = tpu.memref_squeeze %dma_start3A_476 : memref<1x1x4x256xi32, #tpu.memory_space<hbm>> -> memref<4x256xi32, #tpu.memory_space<hbm>>
        %dma_start3A_478 = arith.constant 0 : i32
        %dma_start3A_479 = arith.constant 0 : i32
        %dma_start3A_480 = tpu.memref_slice %arg8[%dma_start3A_469, %dma_start3A_478, %dma_start3A_479] : memref<2x4x256xi32, #tpu.memory_space<vmem>> -> memref<1x4x256xi32, #tpu.memory_space<vmem>>
        %dma_start3A_481 = tpu.memref_squeeze %dma_start3A_480 : memref<1x4x256xi32, #tpu.memory_space<vmem>> -> memref<4x256xi32, #tpu.memory_space<vmem>>
        %dma_start3A_482 = arith.constant 0 : i32
        %dma_start3A_483 = arith.constant 0 : i32
        %dma_start3A_484 = tpu.memref_slice %arg4[%arg1, %add3A_468, %dma_start3A_482, %dma_start3A_483] : memref<16x40x4x256xi32, #tpu.memory_space<hbm>> -> memref<1x1x4x256xi32, #tpu.memory_space<hbm>>
        %dma_start3A_485 = tpu.memref_squeeze %dma_start3A_484 : memref<1x1x4x256xi32, #tpu.memory_space<hbm>> -> memref<4x256xi32, #tpu.memory_space<hbm>>
        tpu.enqueue_dma source(%dma_start3A_485 : memref<4x256xi32, #tpu.memory_space<hbm>>) target(%dma_start3A_481 : memref<4x256xi32, #tpu.memory_space<vmem>>) target_semaphore(%arg14 : memref<!tpu.dma_semaphore, #tpu.memory_space<semaphore_mem>>)
      } else {
      }
      %dma_wait3A_259 = arith.constant 1 : i32
      %dma_wait3A_260 = arith.constant 0 : i32
      %dma_wait3A_261 = arith.constant 0 : i32
      %dma_wait3A_262 = arith.constant 0 : i32
      %dma_wait3A_263 = arith.constant 0 : i32
      %dma_wait3A_264 = tpu.memref_slice %arg9[%dma_wait3A_261, %dma_wait3A_262, %dma_wait3A_263] : memref<2x256x64xf32, #tpu.memory_space<vmem>> -> memref<1x256x64xf32, #tpu.memory_space<vmem>>
      %dma_wait3A_265 = tpu.memref_squeeze %dma_wait3A_264 : memref<1x256x64xf32, #tpu.memory_space<vmem>> -> memref<256x64xf32, #tpu.memory_space<vmem>>
      %dma_wait3A_266 = arith.constant 0 : i32
      %dma_wait3A_267 = tpu.memref_slice %arg7[%dma_wait3A_259, %dma_wait3A_260, %dma_wait3A_266] : memref<2x4x256xi32, #tpu.memory_space<vmem>> -> memref<1x1x256xi32, #tpu.memory_space<vmem>>
      %dma_wait3A_268 = tpu.memref_squeeze %dma_wait3A_267 : memref<1x1x256xi32, #tpu.memory_space<vmem>> -> memref<256xi32, #tpu.memory_space<vmem>>
      %dma_wait3A_269 = arith.constant 0 : i32
      %dma_wait3A_270 = arith.constant 0 : i32
      %dma_wait3A_271 = tpu.memref_slice %arg15[%dma_wait3A_269, %dma_wait3A_270] : memref<10112x64xf32, #tpu.memory_space<vmem_shared>> -> memref<10112x64xf32, #tpu.memory_space<vmem_shared>>
      tpu.wait_indirect_dma semaphore(%arg10 : memref<!tpu.dma_semaphore, #tpu.memory_space<semaphore_mem>>) src(%dma_wait3A_271 : memref<10112x64xf32, #tpu.memory_space<vmem_shared>>) dst(%dma_wait3A_265 : memref<256x64xf32, #tpu.memory_space<vmem>>)
      %dma_start3A_272 = arith.constant 0 : i32
      %dma_start3A_273 = arith.constant 1 : i32
      %dma_start3A_274 = arith.constant 0 : i32
      %dma_start3A_275 = arith.constant 0 : i32
      %dma_start3A_276 = arith.constant 0 : i32
      %dma_start3A_277 = tpu.memref_slice %arg9[%dma_start3A_272, %dma_start3A_275, %dma_start3A_276] : memref<2x256x64xf32, #tpu.memory_space<vmem>> -> memref<1x256x64xf32, #tpu.memory_space<vmem>>
      %dma_start3A_278 = tpu.memref_squeeze %dma_start3A_277 : memref<1x256x64xf32, #tpu.memory_space<vmem>> -> memref<256x64xf32, #tpu.memory_space<vmem>>
      %dma_start3A_279 = arith.constant 0 : i32
      %dma_start3A_280 = tpu.memref_slice %arg8[%dma_start3A_273, %dma_start3A_274, %dma_start3A_279] : memref<2x4x256xi32, #tpu.memory_space<vmem>> -> memref<1x1x256xi32, #tpu.memory_space<vmem>>
      %dma_start3A_281 = tpu.memref_squeeze %dma_start3A_280 : memref<1x1x256xi32, #tpu.memory_space<vmem>> -> memref<256xi32, #tpu.memory_space<vmem>>
      %dma_start3A_282 = arith.constant 0 : i32
      %dma_start3A_283 = arith.constant 0 : i32
      %dma_start3A_284 = tpu.memref_slice %arg16[%dma_start3A_282, %dma_start3A_283] : memref<10112x64xf32, #tpu.memory_space<vmem_shared>> -> memref<10112x64xf32, #tpu.memory_space<vmem_shared>>
      tpu.enqueue_indirect_dma source(%dma_start3A_278 : memref<256x64xf32, #tpu.memory_space<vmem>>) target(%dma_start3A_284 : memref<10112x64xf32, #tpu.memory_space<vmem_shared>>) offsets(%dma_start3A_281 : memref<256xi32, #tpu.memory_space<vmem>>) semaphore(%arg12 : memref<!tpu.dma_semaphore, #tpu.memory_space<semaphore_mem>>) {add = true}
      %dma_wait3A_285 = arith.constant 1 : i32
      %dma_wait3A_286 = arith.constant 0 : i32
      %dma_wait3A_287 = arith.constant 3 : i32
      %dma_wait3A_288 = arith.constant 0 : i32
      %dma_wait3A_289 = arith.constant 0 : i32
      %dma_wait3A_290 = tpu.memref_slice %arg9[%dma_wait3A_285, %dma_wait3A_288, %dma_wait3A_289] : memref<2x256x64xf32, #tpu.memory_space<vmem>> -> memref<1x256x64xf32, #tpu.memory_space<vmem>>
      %dma_wait3A_291 = tpu.memref_squeeze %dma_wait3A_290 : memref<1x256x64xf32, #tpu.memory_space<vmem>> -> memref<256x64xf32, #tpu.memory_space<vmem>>
      %dma_wait3A_292 = arith.constant 0 : i32
      %dma_wait3A_293 = tpu.memref_slice %arg8[%dma_wait3A_286, %dma_wait3A_287, %dma_wait3A_292] : memref<2x4x256xi32, #tpu.memory_space<vmem>> -> memref<1x1x256xi32, #tpu.memory_space<vmem>>
      %dma_wait3A_294 = tpu.memref_squeeze %dma_wait3A_293 : memref<1x1x256xi32, #tpu.memory_space<vmem>> -> memref<256xi32, #tpu.memory_space<vmem>>
      %dma_wait3A_295 = arith.constant 0 : i32
      %dma_wait3A_296 = arith.constant 0 : i32
      %dma_wait3A_297 = tpu.memref_slice %arg16[%dma_wait3A_295, %dma_wait3A_296] : memref<10112x64xf32, #tpu.memory_space<vmem_shared>> -> memref<10112x64xf32, #tpu.memory_space<vmem_shared>>
      tpu.wait_indirect_dma semaphore(%arg13 : memref<!tpu.dma_semaphore, #tpu.memory_space<semaphore_mem>>) src(%dma_wait3A_291 : memref<256x64xf32, #tpu.memory_space<vmem>>) dst(%dma_wait3A_297 : memref<10112x64xf32, #tpu.memory_space<vmem_shared>>)
      %dma_start3A_298 = arith.constant 1 : i32
      %dma_start3A_299 = arith.constant 1 : i32
      %dma_start3A_300 = arith.constant 1 : i32
      %dma_start3A_301 = arith.constant 0 : i32
      %dma_start3A_302 = arith.constant 0 : i32
      %dma_start3A_303 = tpu.memref_slice %arg9[%dma_start3A_300, %dma_start3A_301, %dma_start3A_302] : memref<2x256x64xf32, #tpu.memory_space<vmem>> -> memref<1x256x64xf32, #tpu.memory_space<vmem>>
      %dma_start3A_304 = tpu.memref_squeeze %dma_start3A_303 : memref<1x256x64xf32, #tpu.memory_space<vmem>> -> memref<256x64xf32, #tpu.memory_space<vmem>>
      %dma_start3A_305 = arith.constant 0 : i32
      %dma_start3A_306 = tpu.memref_slice %arg7[%dma_start3A_298, %dma_start3A_299, %dma_start3A_305] : memref<2x4x256xi32, #tpu.memory_space<vmem>> -> memref<1x1x256xi32, #tpu.memory_space<vmem>>
      %dma_start3A_307 = tpu.memref_squeeze %dma_start3A_306 : memref<1x1x256xi32, #tpu.memory_space<vmem>> -> memref<256xi32, #tpu.memory_space<vmem>>
      %dma_start3A_308 = arith.constant 0 : i32
      %dma_start3A_309 = arith.constant 0 : i32
      %dma_start3A_310 = tpu.memref_slice %arg15[%dma_start3A_308, %dma_start3A_309] : memref<10112x64xf32, #tpu.memory_space<vmem_shared>> -> memref<10112x64xf32, #tpu.memory_space<vmem_shared>>
      tpu.enqueue_indirect_dma source(%dma_start3A_310 : memref<10112x64xf32, #tpu.memory_space<vmem_shared>>) target(%dma_start3A_304 : memref<256x64xf32, #tpu.memory_space<vmem>>) offsets(%dma_start3A_307 : memref<256xi32, #tpu.memory_space<vmem>>) semaphore(%arg11 : memref<!tpu.dma_semaphore, #tpu.memory_space<semaphore_mem>>)
      %dma_wait3A_311 = arith.constant 1 : i32
      %dma_wait3A_312 = arith.constant 1 : i32
      %dma_wait3A_313 = arith.constant 1 : i32
      %dma_wait3A_314 = arith.constant 0 : i32
      %dma_wait3A_315 = arith.constant 0 : i32
      %dma_wait3A_316 = tpu.memref_slice %arg9[%dma_wait3A_313, %dma_wait3A_314, %dma_wait3A_315] : memref<2x256x64xf32, #tpu.memory_space<vmem>> -> memref<1x256x64xf32, #tpu.memory_space<vmem>>
      %dma_wait3A_317 = tpu.memref_squeeze %dma_wait3A_316 : memref<1x256x64xf32, #tpu.memory_space<vmem>> -> memref<256x64xf32, #tpu.memory_space<vmem>>
      %dma_wait3A_318 = arith.constant 0 : i32
      %dma_wait3A_319 = tpu.memref_slice %arg7[%dma_wait3A_311, %dma_wait3A_312, %dma_wait3A_318] : memref<2x4x256xi32, #tpu.memory_space<vmem>> -> memref<1x1x256xi32, #tpu.memory_space<vmem>>
      %dma_wait3A_320 = tpu.memref_squeeze %dma_wait3A_319 : memref<1x1x256xi32, #tpu.memory_space<vmem>> -> memref<256xi32, #tpu.memory_space<vmem>>
      %dma_wait3A_321 = arith.constant 0 : i32
      %dma_wait3A_322 = arith.constant 0 : i32
      %dma_wait3A_323 = tpu.memref_slice %arg15[%dma_wait3A_321, %dma_wait3A_322] : memref<10112x64xf32, #tpu.memory_space<vmem_shared>> -> memref<10112x64xf32, #tpu.memory_space<vmem_shared>>
      tpu.wait_indirect_dma semaphore(%arg11 : memref<!tpu.dma_semaphore, #tpu.memory_space<semaphore_mem>>) src(%dma_wait3A_323 : memref<10112x64xf32, #tpu.memory_space<vmem_shared>>) dst(%dma_wait3A_317 : memref<256x64xf32, #tpu.memory_space<vmem>>)
      %dma_start3A_324 = arith.constant 1 : i32
      %dma_start3A_325 = arith.constant 1 : i32
      %dma_start3A_326 = arith.constant 1 : i32
      %dma_start3A_327 = arith.constant 0 : i32
      %dma_start3A_328 = arith.constant 0 : i32
      %dma_start3A_329 = tpu.memref_slice %arg9[%dma_start3A_324, %dma_start3A_327, %dma_start3A_328] : memref<2x256x64xf32, #tpu.memory_space<vmem>> -> memref<1x256x64xf32, #tpu.memory_space<vmem>>
      %dma_start3A_330 = tpu.memref_squeeze %dma_start3A_329 : memref<1x256x64xf32, #tpu.memory_space<vmem>> -> memref<256x64xf32, #tpu.memory_space<vmem>>
      %dma_start3A_331 = arith.constant 0 : i32
      %dma_start3A_332 = tpu.memref_slice %arg8[%dma_start3A_325, %dma_start3A_326, %dma_start3A_331] : memref<2x4x256xi32, #tpu.memory_space<vmem>> -> memref<1x1x256xi32, #tpu.memory_space<vmem>>
      %dma_start3A_333 = tpu.memref_squeeze %dma_start3A_332 : memref<1x1x256xi32, #tpu.memory_space<vmem>> -> memref<256xi32, #tpu.memory_space<vmem>>
      %dma_start3A_334 = arith.constant 0 : i32
      %dma_start3A_335 = arith.constant 0 : i32
      %dma_start3A_336 = tpu.memref_slice %arg16[%dma_start3A_334, %dma_start3A_335] : memref<10112x64xf32, #tpu.memory_space<vmem_shared>> -> memref<10112x64xf32, #tpu.memory_space<vmem_shared>>
      tpu.enqueue_indirect_dma source(%dma_start3A_330 : memref<256x64xf32, #tpu.memory_space<vmem>>) target(%dma_start3A_336 : memref<10112x64xf32, #tpu.memory_space<vmem_shared>>) offsets(%dma_start3A_333 : memref<256xi32, #tpu.memory_space<vmem>>) semaphore(%arg13 : memref<!tpu.dma_semaphore, #tpu.memory_space<semaphore_mem>>) {add = true}
      %dma_wait3A_337 = arith.constant 0 : i32
      %dma_wait3A_338 = arith.constant 1 : i32
      %dma_wait3A_339 = arith.constant 0 : i32
      %dma_wait3A_340 = arith.constant 0 : i32
      %dma_wait3A_341 = arith.constant 0 : i32
      %dma_wait3A_342 = tpu.memref_slice %arg9[%dma_wait3A_337, %dma_wait3A_340, %dma_wait3A_341] : memref<2x256x64xf32, #tpu.memory_space<vmem>> -> memref<1x256x64xf32, #tpu.memory_space<vmem>>
      %dma_wait3A_343 = tpu.memref_squeeze %dma_wait3A_342 : memref<1x256x64xf32, #tpu.memory_space<vmem>> -> memref<256x64xf32, #tpu.memory_space<vmem>>
      %dma_wait3A_344 = arith.constant 0 : i32
      %dma_wait3A_345 = tpu.memref_slice %arg8[%dma_wait3A_338, %dma_wait3A_339, %dma_wait3A_344] : memref<2x4x256xi32, #tpu.memory_space<vmem>> -> memref<1x1x256xi32, #tpu.memory_space<vmem>>
      %dma_wait3A_346 = tpu.memref_squeeze %dma_wait3A_345 : memref<1x1x256xi32, #tpu.memory_space<vmem>> -> memref<256xi32, #tpu.memory_space<vmem>>
      %dma_wait3A_347 = arith.constant 0 : i32
      %dma_wait3A_348 = arith.constant 0 : i32
      %dma_wait3A_349 = tpu.memref_slice %arg16[%dma_wait3A_347, %dma_wait3A_348] : memref<10112x64xf32, #tpu.memory_space<vmem_shared>> -> memref<10112x64xf32, #tpu.memory_space<vmem_shared>>
      tpu.wait_indirect_dma semaphore(%arg12 : memref<!tpu.dma_semaphore, #tpu.memory_space<semaphore_mem>>) src(%dma_wait3A_343 : memref<256x64xf32, #tpu.memory_space<vmem>>) dst(%dma_wait3A_349 : memref<10112x64xf32, #tpu.memory_space<vmem_shared>>)
      %dma_start3A_350 = arith.constant 1 : i32
      %dma_start3A_351 = arith.constant 2 : i32
      %dma_start3A_352 = arith.constant 0 : i32
      %dma_start3A_353 = arith.constant 0 : i32
      %dma_start3A_354 = arith.constant 0 : i32
      %dma_start3A_355 = tpu.memref_slice %arg9[%dma_start3A_352, %dma_start3A_353, %dma_start3A_354] : memref<2x256x64xf32, #tpu.memory_space<vmem>> -> memref<1x256x64xf32, #tpu.memory_space<vmem>>
      %dma_start3A_356 = tpu.memref_squeeze %dma_start3A_355 : memref<1x256x64xf32, #tpu.memory_space<vmem>> -> memref<256x64xf32, #tpu.memory_space<vmem>>
      %dma_start3A_357 = arith.constant 0 : i32
      %dma_start3A_358 = tpu.memref_slice %arg7[%dma_start3A_350, %dma_start3A_351, %dma_start3A_357] : memref<2x4x256xi32, #tpu.memory_space<vmem>> -> memref<1x1x256xi32, #tpu.memory_space<vmem>>
      %dma_start3A_359 = tpu.memref_squeeze %dma_start3A_358 : memref<1x1x256xi32, #tpu.memory_space<vmem>> -> memref<256xi32, #tpu.memory_space<vmem>>
      %dma_start3A_360 = arith.constant 0 : i32
      %dma_start3A_361 = arith.constant 0 : i32
      %dma_start3A_362 = tpu.memref_slice %arg15[%dma_start3A_360, %dma_start3A_361] : memref<10112x64xf32, #tpu.memory_space<vmem_shared>> -> memref<10112x64xf32, #tpu.memory_space<vmem_shared>>
      tpu.enqueue_indirect_dma source(%dma_start3A_362 : memref<10112x64xf32, #tpu.memory_space<vmem_shared>>) target(%dma_start3A_356 : memref<256x64xf32, #tpu.memory_space<vmem>>) offsets(%dma_start3A_359 : memref<256xi32, #tpu.memory_space<vmem>>) semaphore(%arg10 : memref<!tpu.dma_semaphore, #tpu.memory_space<semaphore_mem>>)
      %dma_wait3A_363 = arith.constant 1 : i32
      %dma_wait3A_364 = arith.constant 2 : i32
      %dma_wait3A_365 = arith.constant 0 : i32
      %dma_wait3A_366 = arith.constant 0 : i32
      %dma_wait3A_367 = arith.constant 0 : i32
      %dma_wait3A_368 = tpu.memref_slice %arg9[%dma_wait3A_365, %dma_wait3A_366, %dma_wait3A_367] : memref<2x256x64xf32, #tpu.memory_space<vmem>> -> memref<1x256x64xf32, #tpu.memory_space<vmem>>
      %dma_wait3A_369 = tpu.memref_squeeze %dma_wait3A_368 : memref<1x256x64xf32, #tpu.memory_space<vmem>> -> memref<256x64xf32, #tpu.memory_space<vmem>>
      %dma_wait3A_370 = arith.constant 0 : i32
      %dma_wait3A_371 = tpu.memref_slice %arg7[%dma_wait3A_363, %dma_wait3A_364, %dma_wait3A_370] : memref<2x4x256xi32, #tpu.memory_space<vmem>> -> memref<1x1x256xi32, #tpu.memory_space<vmem>>
      %dma_wait3A_372 = tpu.memref_squeeze %dma_wait3A_371 : memref<1x1x256xi32, #tpu.memory_space<vmem>> -> memref<256xi32, #tpu.memory_space<vmem>>
      %dma_wait3A_373 = arith.constant 0 : i32
      %dma_wait3A_374 = arith.constant 0 : i32
      %dma_wait3A_375 = tpu.memref_slice %arg15[%dma_wait3A_373, %dma_wait3A_374] : memref<10112x64xf32, #tpu.memory_space<vmem_shared>> -> memref<10112x64xf32, #tpu.memory_space<vmem_shared>>
      tpu.wait_indirect_dma semaphore(%arg10 : memref<!tpu.dma_semaphore, #tpu.memory_space<semaphore_mem>>) src(%dma_wait3A_375 : memref<10112x64xf32, #tpu.memory_space<vmem_shared>>) dst(%dma_wait3A_369 : memref<256x64xf32, #tpu.memory_space<vmem>>)
      %dma_start3A_376 = arith.constant 0 : i32
      %dma_start3A_377 = arith.constant 1 : i32
      %dma_start3A_378 = arith.constant 2 : i32
      %dma_start3A_379 = arith.constant 0 : i32
      %dma_start3A_380 = arith.constant 0 : i32
      %dma_start3A_381 = tpu.memref_slice %arg9[%dma_start3A_376, %dma_start3A_379, %dma_start3A_380] : memref<2x256x64xf32, #tpu.memory_space<vmem>> -> memref<1x256x64xf32, #tpu.memory_space<vmem>>
      %dma_start3A_382 = tpu.memref_squeeze %dma_start3A_381 : memref<1x256x64xf32, #tpu.memory_space<vmem>> -> memref<256x64xf32, #tpu.memory_space<vmem>>
      %dma_start3A_383 = arith.constant 0 : i32
      %dma_start3A_384 = tpu.memref_slice %arg8[%dma_start3A_377, %dma_start3A_378, %dma_start3A_383] : memref<2x4x256xi32, #tpu.memory_space<vmem>> -> memref<1x1x256xi32, #tpu.memory_space<vmem>>
      %dma_start3A_385 = tpu.memref_squeeze %dma_start3A_384 : memref<1x1x256xi32, #tpu.memory_space<vmem>> -> memref<256xi32, #tpu.memory_space<vmem>>
      %dma_start3A_386 = arith.constant 0 : i32
      %dma_start3A_387 = arith.constant 0 : i32
      %dma_start3A_388 = tpu.memref_slice %arg16[%dma_start3A_386, %dma_start3A_387] : memref<10112x64xf32, #tpu.memory_space<vmem_shared>> -> memref<10112x64xf32, #tpu.memory_space<vmem_shared>>
      tpu.enqueue_indirect_dma source(%dma_start3A_382 : memref<256x64xf32, #tpu.memory_space<vmem>>) target(%dma_start3A_388 : memref<10112x64xf32, #tpu.memory_space<vmem_shared>>) offsets(%dma_start3A_385 : memref<256xi32, #tpu.memory_space<vmem>>) semaphore(%arg12 : memref<!tpu.dma_semaphore, #tpu.memory_space<semaphore_mem>>) {add = true}
      %dma_wait3A_389 = arith.constant 1 : i32
      %dma_wait3A_390 = arith.constant 1 : i32
      %dma_wait3A_391 = arith.constant 1 : i32
      %dma_wait3A_392 = arith.constant 0 : i32
      %dma_wait3A_393 = arith.constant 0 : i32
      %dma_wait3A_394 = tpu.memref_slice %arg9[%dma_wait3A_389, %dma_wait3A_392, %dma_wait3A_393] : memref<2x256x64xf32, #tpu.memory_space<vmem>> -> memref<1x256x64xf32, #tpu.memory_space<vmem>>
      %dma_wait3A_395 = tpu.memref_squeeze %dma_wait3A_394 : memref<1x256x64xf32, #tpu.memory_space<vmem>> -> memref<256x64xf32, #tpu.memory_space<vmem>>
      %dma_wait3A_396 = arith.constant 0 : i32
      %dma_wait3A_397 = tpu.memref_slice %arg8[%dma_wait3A_390, %dma_wait3A_391, %dma_wait3A_396] : memref<2x4x256xi32, #tpu.memory_space<vmem>> -> memref<1x1x256xi32, #tpu.memory_space<vmem>>
      %dma_wait3A_398 = tpu.memref_squeeze %dma_wait3A_397 : memref<1x1x256xi32, #tpu.memory_space<vmem>> -> memref<256xi32, #tpu.memory_space<vmem>>
      %dma_wait3A_399 = arith.constant 0 : i32
      %dma_wait3A_400 = arith.constant 0 : i32
      %dma_wait3A_401 = tpu.memref_slice %arg16[%dma_wait3A_399, %dma_wait3A_400] : memref<10112x64xf32, #tpu.memory_space<vmem_shared>> -> memref<10112x64xf32, #tpu.memory_space<vmem_shared>>
      tpu.wait_indirect_dma semaphore(%arg13 : memref<!tpu.dma_semaphore, #tpu.memory_space<semaphore_mem>>) src(%dma_wait3A_395 : memref<256x64xf32, #tpu.memory_space<vmem>>) dst(%dma_wait3A_401 : memref<10112x64xf32, #tpu.memory_space<vmem_shared>>)
      %dma_start3A_402 = arith.constant 1 : i32
      %dma_start3A_403 = arith.constant 3 : i32
      %dma_start3A_404 = arith.constant 1 : i32
      %dma_start3A_405 = arith.constant 0 : i32
      %dma_start3A_406 = arith.constant 0 : i32
      %dma_start3A_407 = tpu.memref_slice %arg9[%dma_start3A_404, %dma_start3A_405, %dma_start3A_406] : memref<2x256x64xf32, #tpu.memory_space<vmem>> -> memref<1x256x64xf32, #tpu.memory_space<vmem>>
      %dma_start3A_408 = tpu.memref_squeeze %dma_start3A_407 : memref<1x256x64xf32, #tpu.memory_space<vmem>> -> memref<256x64xf32, #tpu.memory_space<vmem>>
      %dma_start3A_409 = arith.constant 0 : i32
      %dma_start3A_410 = tpu.memref_slice %arg7[%dma_start3A_402, %dma_start3A_403, %dma_start3A_409] : memref<2x4x256xi32, #tpu.memory_space<vmem>> -> memref<1x1x256xi32, #tpu.memory_space<vmem>>
      %dma_start3A_411 = tpu.memref_squeeze %dma_start3A_410 : memref<1x1x256xi32, #tpu.memory_space<vmem>> -> memref<256xi32, #tpu.memory_space<vmem>>
      %dma_start3A_412 = arith.constant 0 : i32
      %dma_start3A_413 = arith.constant 0 : i32
      %dma_start3A_414 = tpu.memref_slice %arg15[%dma_start3A_412, %dma_start3A_413] : memref<10112x64xf32, #tpu.memory_space<vmem_shared>> -> memref<10112x64xf32, #tpu.memory_space<vmem_shared>>
      tpu.enqueue_indirect_dma source(%dma_start3A_414 : memref<10112x64xf32, #tpu.memory_space<vmem_shared>>) target(%dma_start3A_408 : memref<256x64xf32, #tpu.memory_space<vmem>>) offsets(%dma_start3A_411 : memref<256xi32, #tpu.memory_space<vmem>>) semaphore(%arg11 : memref<!tpu.dma_semaphore, #tpu.memory_space<semaphore_mem>>)
      %dma_wait3A_415 = arith.constant 1 : i32
      %dma_wait3A_416 = arith.constant 3 : i32
      %dma_wait3A_417 = arith.constant 1 : i32
      %dma_wait3A_418 = arith.constant 0 : i32
      %dma_wait3A_419 = arith.constant 0 : i32
      %dma_wait3A_420 = tpu.memref_slice %arg9[%dma_wait3A_417, %dma_wait3A_418, %dma_wait3A_419] : memref<2x256x64xf32, #tpu.memory_space<vmem>> -> memref<1x256x64xf32, #tpu.memory_space<vmem>>
      %dma_wait3A_421 = tpu.memref_squeeze %dma_wait3A_420 : memref<1x256x64xf32, #tpu.memory_space<vmem>> -> memref<256x64xf32, #tpu.memory_space<vmem>>
      %dma_wait3A_422 = arith.constant 0 : i32
      %dma_wait3A_423 = tpu.memref_slice %arg7[%dma_wait3A_415, %dma_wait3A_416, %dma_wait3A_422] : memref<2x4x256xi32, #tpu.memory_space<vmem>> -> memref<1x1x256xi32, #tpu.memory_space<vmem>>
      %dma_wait3A_424 = tpu.memref_squeeze %dma_wait3A_423 : memref<1x1x256xi32, #tpu.memory_space<vmem>> -> memref<256xi32, #tpu.memory_space<vmem>>
      %dma_wait3A_425 = arith.constant 0 : i32
      %dma_wait3A_426 = arith.constant 0 : i32
      %dma_wait3A_427 = tpu.memref_slice %arg15[%dma_wait3A_425, %dma_wait3A_426] : memref<10112x64xf32, #tpu.memory_space<vmem_shared>> -> memref<10112x64xf32, #tpu.memory_space<vmem_shared>>
      tpu.wait_indirect_dma semaphore(%arg11 : memref<!tpu.dma_semaphore, #tpu.memory_space<semaphore_mem>>) src(%dma_wait3A_427 : memref<10112x64xf32, #tpu.memory_space<vmem_shared>>) dst(%dma_wait3A_421 : memref<256x64xf32, #tpu.memory_space<vmem>>)
      %dma_start3A_428 = arith.constant 1 : i32
      %dma_start3A_429 = arith.constant 1 : i32
      %dma_start3A_430 = arith.constant 3 : i32
      %dma_start3A_431 = arith.constant 0 : i32
      %dma_start3A_432 = arith.constant 0 : i32
      %dma_start3A_433 = tpu.memref_slice %arg9[%dma_start3A_428, %dma_start3A_431, %dma_start3A_432] : memref<2x256x64xf32, #tpu.memory_space<vmem>> -> memref<1x256x64xf32, #tpu.memory_space<vmem>>
      %dma_start3A_434 = tpu.memref_squeeze %dma_start3A_433 : memref<1x256x64xf32, #tpu.memory_space<vmem>> -> memref<256x64xf32, #tpu.memory_space<vmem>>
      %dma_start3A_435 = arith.constant 0 : i32
      %dma_start3A_436 = tpu.memref_slice %arg8[%dma_start3A_429, %dma_start3A_430, %dma_start3A_435] : memref<2x4x256xi32, #tpu.memory_space<vmem>> -> memref<1x1x256xi32, #tpu.memory_space<vmem>>
      %dma_start3A_437 = tpu.memref_squeeze %dma_start3A_436 : memref<1x1x256xi32, #tpu.memory_space<vmem>> -> memref<256xi32, #tpu.memory_space<vmem>>
      %dma_start3A_438 = arith.constant 0 : i32
      %dma_start3A_439 = arith.constant 0 : i32
      %dma_start3A_440 = tpu.memref_slice %arg16[%dma_start3A_438, %dma_start3A_439] : memref<10112x64xf32, #tpu.memory_space<vmem_shared>> -> memref<10112x64xf32, #tpu.memory_space<vmem_shared>>
      tpu.enqueue_indirect_dma source(%dma_start3A_434 : memref<256x64xf32, #tpu.memory_space<vmem>>) target(%dma_start3A_440 : memref<10112x64xf32, #tpu.memory_space<vmem_shared>>) offsets(%dma_start3A_437 : memref<256xi32, #tpu.memory_space<vmem>>) semaphore(%arg13 : memref<!tpu.dma_semaphore, #tpu.memory_space<semaphore_mem>>) {add = true}
      %add3A_441 = arith.constant 1 : i32
      %add3A_442 = arith.addi %add3A_251, %add3A_441 : i32
      %lt3A_443 = arith.constant 40 : i32
      %lt3A_444 = arith.cmpi slt, %add3A_442, %lt3A_443 : i32
      %convert_element_type3A_445 = arith.extui %lt3A_444 : i1 to i32
      %cond3A_446 = arith.constant 0 : i32
      %cond3A_447 = arith.cmpi ne, %convert_element_type3A_445, %cond3A_446 : i32
      scf.if %cond3A_447 {
        %add3A_448 = arith.constant 1 : i32
        %add3A_449 = arith.addi %add3A_251, %add3A_448 : i32
        %dma_wait3A_450 = arith.constant 0 : i32
        %dma_wait3A_451 = arith.constant 0 : i32
        %dma_wait3A_452 = arith.constant 0 : i32
        %dma_wait3A_453 = tpu.memref_slice %arg7[%dma_wait3A_450, %dma_wait3A_451, %dma_wait3A_452] : memref<2x4x256xi32, #tpu.memory_space<vmem>> -> memref<1x4x256xi32, #tpu.memory_space<vmem>>
        %dma_wait3A_454 = tpu.memref_squeeze %dma_wait3A_453 : memref<1x4x256xi32, #tpu.memory_space<vmem>> -> memref<4x256xi32, #tpu.memory_space<vmem>>
        %dma_wait3A_455 = arith.constant 0 : i32
        %dma_wait3A_456 = arith.constant 0 : i32
        %dma_wait3A_457 = tpu.memref_slice %arg3[%arg1, %add3A_449, %dma_wait3A_455, %dma_wait3A_456] : memref<16x40x4x256xi32, #tpu.memory_space<hbm>> -> memref<1x1x4x256xi32, #tpu.memory_space<hbm>>
        %dma_wait3A_458 = tpu.memref_squeeze %dma_wait3A_457 : memref<1x1x4x256xi32, #tpu.memory_space<hbm>> -> memref<4x256xi32, #tpu.memory_space<hbm>>
        %dma_wait3A_459 = arith.constant 0 : i32
        %dma_wait3A_460 = arith.constant 0 : i32
        %dma_wait3A_461 = tpu.memref_slice %arg7[%dma_wait3A_450, %dma_wait3A_459, %dma_wait3A_460] : memref<2x4x256xi32, #tpu.memory_space<vmem>> -> memref<1x4x256xi32, #tpu.memory_space<vmem>>
        %dma_wait3A_462 = tpu.memref_squeeze %dma_wait3A_461 : memref<1x4x256xi32, #tpu.memory_space<vmem>> -> memref<4x256xi32, #tpu.memory_space<vmem>>
        %dma_wait3A_463 = arith.constant 0 : i32
        %dma_wait3A_464 = arith.constant 0 : i32
        %dma_wait3A_465 = tpu.memref_slice %arg3[%arg1, %add3A_449, %dma_wait3A_463, %dma_wait3A_464] : memref<16x40x4x256xi32, #tpu.memory_space<hbm>> -> memref<1x1x4x256xi32, #tpu.memory_space<hbm>>
        %dma_wait3A_466 = tpu.memref_squeeze %dma_wait3A_465 : memref<1x1x4x256xi32, #tpu.memory_space<hbm>> -> memref<4x256xi32, #tpu.memory_space<hbm>>
        tpu.wait_dma2 semaphore(%arg14 : memref<!tpu.dma_semaphore, #tpu.memory_space<semaphore_mem>>) src(%dma_wait3A_466 : memref<4x256xi32, #tpu.memory_space<hbm>>) dst(%dma_wait3A_462 : memref<4x256xi32, #tpu.memory_space<vmem>>)
        %add3A_467 = arith.constant 1 : i32
        %add3A_468 = arith.addi %add3A_251, %add3A_467 : i32
        %dma_wait3A_469 = arith.constant 0 : i32
        %dma_wait3A_470 = arith.constant 0 : i32
        %dma_wait3A_471 = arith.constant 0 : i32
        %dma_wait3A_472 = tpu.memref_slice %arg8[%dma_wait3A_469, %dma_wait3A_470, %dma_wait3A_471] : memref<2x4x256xi32, #tpu.memory_space<vmem>> -> memref<1x4x256xi32, #tpu.memory_space<vmem>>
        %dma_wait3A_473 = tpu.memref_squeeze %dma_wait3A_472 : memref<1x4x256xi32, #tpu.memory_space<vmem>> -> memref<4x256xi32, #tpu.memory_space<vmem>>
        %dma_wait3A_474 = arith.constant 0 : i32
        %dma_wait3A_475 = arith.constant 0 : i32
        %dma_wait3A_476 = tpu.memref_slice %arg4[%arg1, %add3A_468, %dma_wait3A_474, %dma_wait3A_475] : memref<16x40x4x256xi32, #tpu.memory_space<hbm>> -> memref<1x1x4x256xi32, #tpu.memory_space<hbm>>
        %dma_wait3A_477 = tpu.memref_squeeze %dma_wait3A_476 : memref<1x1x4x256xi32, #tpu.memory_space<hbm>> -> memref<4x256xi32, #tpu.memory_space<hbm>>
        %dma_wait3A_478 = arith.constant 0 : i32
        %dma_wait3A_479 = arith.constant 0 : i32
        %dma_wait3A_480 = tpu.memref_slice %arg8[%dma_wait3A_469, %dma_wait3A_478, %dma_wait3A_479] : memref<2x4x256xi32, #tpu.memory_space<vmem>> -> memref<1x4x256xi32, #tpu.memory_space<vmem>>
        %dma_wait3A_481 = tpu.memref_squeeze %dma_wait3A_480 : memref<1x4x256xi32, #tpu.memory_space<vmem>> -> memref<4x256xi32, #tpu.memory_space<vmem>>
        %dma_wait3A_482 = arith.constant 0 : i32
        %dma_wait3A_483 = arith.constant 0 : i32
        %dma_wait3A_484 = tpu.memref_slice %arg4[%arg1, %add3A_468, %dma_wait3A_482, %dma_wait3A_483] : memref<16x40x4x256xi32, #tpu.memory_space<hbm>> -> memref<1x1x4x256xi32, #tpu.memory_space<hbm>>
        %dma_wait3A_485 = tpu.memref_squeeze %dma_wait3A_484 : memref<1x1x4x256xi32, #tpu.memory_space<hbm>> -> memref<4x256xi32, #tpu.memory_space<hbm>>
        tpu.wait_dma2 semaphore(%arg14 : memref<!tpu.dma_semaphore, #tpu.memory_space<semaphore_mem>>) src(%dma_wait3A_485 : memref<4x256xi32, #tpu.memory_space<hbm>>) dst(%dma_wait3A_481 : memref<4x256xi32, #tpu.memory_space<vmem>>)
        %dma_wait3A_486 = arith.constant 0 : i32
        %dma_wait3A_487 = arith.constant 1 : i32
        %dma_wait3A_488 = arith.constant 2 : i32
        %dma_wait3A_489 = arith.constant 0 : i32
        %dma_wait3A_490 = arith.constant 0 : i32
        %dma_wait3A_491 = tpu.memref_slice %arg9[%dma_wait3A_486, %dma_wait3A_489, %dma_wait3A_490] : memref<2x256x64xf32, #tpu.memory_space<vmem>> -> memref<1x256x64xf32, #tpu.memory_space<vmem>>
        %dma_wait3A_492 = tpu.memref_squeeze %dma_wait3A_491 : memref<1x256x64xf32, #tpu.memory_space<vmem>> -> memref<256x64xf32, #tpu.memory_space<vmem>>
        %dma_wait3A_493 = arith.constant 0 : i32
        %dma_wait3A_494 = tpu.memref_slice %arg8[%dma_wait3A_487, %dma_wait3A_488, %dma_wait3A_493] : memref<2x4x256xi32, #tpu.memory_space<vmem>> -> memref<1x1x256xi32, #tpu.memory_space<vmem>>
        %dma_wait3A_495 = tpu.memref_squeeze %dma_wait3A_494 : memref<1x1x256xi32, #tpu.memory_space<vmem>> -> memref<256xi32, #tpu.memory_space<vmem>>
        %dma_wait3A_496 = arith.constant 0 : i32
        %dma_wait3A_497 = arith.constant 0 : i32
        %dma_wait3A_498 = tpu.memref_slice %arg16[%dma_wait3A_496, %dma_wait3A_497] : memref<10112x64xf32, #tpu.memory_space<vmem_shared>> -> memref<10112x64xf32, #tpu.memory_space<vmem_shared>>
        tpu.wait_indirect_dma semaphore(%arg12 : memref<!tpu.dma_semaphore, #tpu.memory_space<semaphore_mem>>) src(%dma_wait3A_492 : memref<256x64xf32, #tpu.memory_space<vmem>>) dst(%dma_wait3A_498 : memref<10112x64xf32, #tpu.memory_space<vmem_shared>>)
        %dma_start3A_499 = arith.constant 0 : i32
        %dma_start3A_500 = arith.constant 0 : i32
        %dma_start3A_501 = arith.constant 0 : i32
        %dma_start3A_502 = arith.constant 0 : i32
        %dma_start3A_503 = arith.constant 0 : i32
        %dma_start3A_504 = tpu.memref_slice %arg9[%dma_start3A_501, %dma_start3A_502, %dma_start3A_503] : memref<2x256x64xf32, #tpu.memory_space<vmem>> -> memref<1x256x64xf32, #tpu.memory_space<vmem>>
        %dma_start3A_505 = tpu.memref_squeeze %dma_start3A_504 : memref<1x256x64xf32, #tpu.memory_space<vmem>> -> memref<256x64xf32, #tpu.memory_space<vmem>>
        %dma_start3A_506 = arith.constant 0 : i32
        %dma_start3A_507 = tpu.memref_slice %arg7[%dma_start3A_499, %dma_start3A_500, %dma_start3A_506] : memref<2x4x256xi32, #tpu.memory_space<vmem>> -> memref<1x1x256xi32, #tpu.memory_space<vmem>>
        %dma_start3A_508 = tpu.memref_squeeze %dma_start3A_507 : memref<1x1x256xi32, #tpu.memory_space<vmem>> -> memref<256xi32, #tpu.memory_space<vmem>>
        %dma_start3A_509 = arith.constant 0 : i32
        %dma_start3A_510 = arith.constant 0 : i32
        %dma_start3A_511 = tpu.memref_slice %arg15[%dma_start3A_509, %dma_start3A_510] : memref<10112x64xf32, #tpu.memory_space<vmem_shared>> -> memref<10112x64xf32, #tpu.memory_space<vmem_shared>>
        tpu.enqueue_indirect_dma source(%dma_start3A_511 : memref<10112x64xf32, #tpu.memory_space<vmem_shared>>) target(%dma_start3A_505 : memref<256x64xf32, #tpu.memory_space<vmem>>) offsets(%dma_start3A_508 : memref<256xi32, #tpu.memory_space<vmem>>) semaphore(%arg10 : memref<!tpu.dma_semaphore, #tpu.memory_space<semaphore_mem>>)
      } else {
      }
    }
    %scan3A_25 = arith.constant 20 : i32
    %dma_wait3A = arith.constant 0 : i32
    %dma_wait3A_26 = arith.constant 1 : i32
    %dma_wait3A_27 = arith.constant 2 : i32
    %dma_wait3A_28 = arith.constant 0 : i32
    %dma_wait3A_29 = arith.constant 0 : i32
    %dma_wait3A_30 = tpu.memref_slice %arg9[%dma_wait3A, %dma_wait3A_28, %dma_wait3A_29] : memref<2x256x64xf32, #tpu.memory_space<vmem>> -> memref<1x256x64xf32, #tpu.memory_space<vmem>>
    %dma_wait3A_31 = tpu.memref_squeeze %dma_wait3A_30 : memref<1x256x64xf32, #tpu.memory_space<vmem>> -> memref<256x64xf32, #tpu.memory_space<vmem>>
    %dma_wait3A_32 = arith.constant 0 : i32
    %dma_wait3A_33 = tpu.memref_slice %arg8[%dma_wait3A_26, %dma_wait3A_27, %dma_wait3A_32] : memref<2x4x256xi32, #tpu.memory_space<vmem>> -> memref<1x1x256xi32, #tpu.memory_space<vmem>>
    %dma_wait3A_34 = tpu.memref_squeeze %dma_wait3A_33 : memref<1x1x256xi32, #tpu.memory_space<vmem>> -> memref<256xi32, #tpu.memory_space<vmem>>
    %dma_wait3A_35 = arith.constant 0 : i32
    %dma_wait3A_36 = arith.constant 0 : i32
    %dma_wait3A_37 = tpu.memref_slice %arg16[%dma_wait3A_35, %dma_wait3A_36] : memref<10112x64xf32, #tpu.memory_space<vmem_shared>> -> memref<10112x64xf32, #tpu.memory_space<vmem_shared>>
    tpu.wait_indirect_dma semaphore(%arg12 : memref<!tpu.dma_semaphore, #tpu.memory_space<semaphore_mem>>) src(%dma_wait3A_31 : memref<256x64xf32, #tpu.memory_space<vmem>>) dst(%dma_wait3A_37 : memref<10112x64xf32, #tpu.memory_space<vmem_shared>>)
    %dma_wait3A_38 = arith.constant 1 : i32
    %dma_wait3A_39 = arith.constant 1 : i32
    %dma_wait3A_40 = arith.constant 3 : i32
    %dma_wait3A_41 = arith.constant 0 : i32
    %dma_wait3A_42 = arith.constant 0 : i32
    %dma_wait3A_43 = tpu.memref_slice %arg9[%dma_wait3A_38, %dma_wait3A_41, %dma_wait3A_42] : memref<2x256x64xf32, #tpu.memory_space<vmem>> -> memref<1x256x64xf32, #tpu.memory_space<vmem>>
    %dma_wait3A_44 = tpu.memref_squeeze %dma_wait3A_43 : memref<1x256x64xf32, #tpu.memory_space<vmem>> -> memref<256x64xf32, #tpu.memory_space<vmem>>
    %dma_wait3A_45 = arith.constant 0 : i32
    %dma_wait3A_46 = tpu.memref_slice %arg8[%dma_wait3A_39, %dma_wait3A_40, %dma_wait3A_45] : memref<2x4x256xi32, #tpu.memory_space<vmem>> -> memref<1x1x256xi32, #tpu.memory_space<vmem>>
    %dma_wait3A_47 = tpu.memref_squeeze %dma_wait3A_46 : memref<1x1x256xi32, #tpu.memory_space<vmem>> -> memref<256xi32, #tpu.memory_space<vmem>>
    %dma_wait3A_48 = arith.constant 0 : i32
    %dma_wait3A_49 = arith.constant 0 : i32
    %dma_wait3A_50 = tpu.memref_slice %arg16[%dma_wait3A_48, %dma_wait3A_49] : memref<10112x64xf32, #tpu.memory_space<vmem_shared>> -> memref<10112x64xf32, #tpu.memory_space<vmem_shared>>
    tpu.wait_indirect_dma semaphore(%arg13 : memref<!tpu.dma_semaphore, #tpu.memory_space<semaphore_mem>>) src(%dma_wait3A_44 : memref<256x64xf32, #tpu.memory_space<vmem>>) dst(%dma_wait3A_50 : memref<10112x64xf32, #tpu.memory_space<vmem_shared>>)
    %barrier3A_51 = arith.constant 0 : index
    tpu.barrier barrier_id(%barrier3A_51)
    %mul3A_52 = arith.constant 632 : i32
    %mul3A_53 = arith.muli %arg1, %mul3A_52 : i32
    %mul3A_54 = arith.constant 632 : i32
    %mul3A_55 = arith.muli %arg1, %mul3A_54 : i32
    "tpu.region"() ({
      %run_scoped3A_56 = tpu.sem_alloc : memref<!tpu.dma_semaphore, #tpu.memory_space<semaphore_mem>>
      %dma_start3A_57 = arith.constant 0 : i32
      %dma_start3A_58 = tpu.memref_slice %arg6[%arg0, %mul3A_55, %dma_start3A_57] : memref<2x10112x64xf32, #tpu.memory_space<hbm>> -> memref<1x632x64xf32, #tpu.memory_space<hbm>>
      %dma_start3A_59 = tpu.memref_squeeze %dma_start3A_58 : memref<1x632x64xf32, #tpu.memory_space<hbm>> -> memref<632x64xf32, #tpu.memory_space<hbm>>
      %dma_start3A_60 = arith.constant 0 : i32
      %dma_start3A_61 = tpu.memref_slice %arg16[%mul3A_53, %dma_start3A_60] : memref<10112x64xf32, #tpu.memory_space<vmem_shared>> -> memref<632x64xf32, #tpu.memory_space<vmem_shared>>
      tpu.enqueue_dma source(%dma_start3A_61 : memref<632x64xf32, #tpu.memory_space<vmem_shared>>) target(%dma_start3A_59 : memref<632x64xf32, #tpu.memory_space<hbm>>) target_semaphore(%run_scoped3A_56 : memref<!tpu.dma_semaphore, #tpu.memory_space<semaphore_mem>>)
      %dma_wait3A_62 = arith.constant 0 : i32
      %dma_wait3A_63 = tpu.memref_slice %arg6[%arg0, %mul3A_55, %dma_wait3A_62] : memref<2x10112x64xf32, #tpu.memory_space<hbm>> -> memref<1x632x64xf32, #tpu.memory_space<hbm>>
      %dma_wait3A_64 = tpu.memref_squeeze %dma_wait3A_63 : memref<1x632x64xf32, #tpu.memory_space<hbm>> -> memref<632x64xf32, #tpu.memory_space<hbm>>
      %dma_wait3A_65 = arith.constant 0 : i32
      %dma_wait3A_66 = tpu.memref_slice %arg16[%mul3A_53, %dma_wait3A_65] : memref<10112x64xf32, #tpu.memory_space<vmem_shared>> -> memref<632x64xf32, #tpu.memory_space<vmem_shared>>
      tpu.wait_dma2 semaphore(%run_scoped3A_56 : memref<!tpu.dma_semaphore, #tpu.memory_space<semaphore_mem>>) src(%dma_wait3A_66 : memref<632x64xf32, #tpu.memory_space<vmem_shared>>) dst(%dma_wait3A_64 : memref<632x64xf32, #tpu.memory_space<hbm>>)
      tpu.yield
    }) : () -> ()
    return
  }
}

module attributes {stable_mosaic.version = 14 : i64} {
  func.func @_tc1_body(%arg0: i32, %arg1: memref<1264x128xf32, #tpu.memory_space<vmem>>, %arg2: memref<128x128xf32, #tpu.memory_space<vmem>>, %arg3: memref<2x1264x16xf32, #tpu.memory_space<vmem>>, %arg4: memref<1264x128xf32, #tpu.memory_space<vmem>>, %arg5: memref<2x1264x64xf32, #tpu.memory_space<vmem>>) attributes {dimension_semantics = [#tpu.dimension_semantics<arbitrary>], iteration_bounds = array<i64: 8>, scalar_prefetch = 0 : i64, scratch_operands = 0 : i64, tpu.core_type = #tpu.core_type<tc>, window_params = [{transform_indices = @transform_0, window_bounds = array<i64: 1264, 128>}, {pipeline_mode = #tpu.pipeline_mode<synchronous>, transform_indices = @transform_1, window_bounds = array<i64: 128, 128>}, {transform_indices = @transform_2, window_bounds = array<i64: 2, 1264, 16>}, {transform_indices = @transform_3, window_bounds = array<i64: 1264, 128>}, {transform_indices = @transform_4, window_bounds = array<i64: 2, 1264, 64>}]} {
    %get3A = arith.constant 0 : index
    %get3A_0 = arith.constant 0 : index
    %get3A_1 = vector.load %arg1[%get3A, %get3A_0] : memref<1264x128xf32, #tpu.memory_space<vmem>>, vector<1264x128xf32>
    %get3A_2 = arith.constant 0 : index
    %get3A_3 = arith.constant 0 : index
    %get3A_4 = vector.load %arg2[%get3A_2, %get3A_3] : memref<128x128xf32, #tpu.memory_space<vmem>>, vector<128x128xf32>
    %dot_general3A = arith.constant dense<0.000000e+00> : vector<1264x128xf32>
    %dot_general3A_5 = tpu.matmul %get3A_1, %get3A_4, %dot_general3A {dimension_numbers = #tpu.dot_dimension_numbers<[1], [0], [0], [1], [0, 0, 1, 1], [], []>, precision = #tpu.contract_precision<fp32>, transpose_lhs_hint = false} : vector<1264x128xf32>, vector<128x128xf32>, vector<1264x128xf32> -> vector<1264x128xf32>
    %get3A_6 = arith.constant 0 : index
    %get3A_7 = arith.constant 0 : index
    %get3A_8 = arith.constant 0 : index
    %get3A_9 = vector.load %arg3[%get3A_6, %get3A_7, %get3A_8] : memref<2x1264x16xf32, #tpu.memory_space<vmem>>, vector<1x1264x16xf32>
    %get3A_10 = vector.shape_cast %get3A_9 : vector<1x1264x16xf32> to vector<1264x16xf32>
    %slice3A = vector.extract_strided_slice %get3A_10 {offsets = [0, 0], sizes = [1264, 1], strides = [1, 1]} : vector<1264x16xf32> to vector<1264x1xf32>
    %get3A_11 = arith.constant 1 : index
    %get3A_12 = arith.constant 0 : index
    %get3A_13 = arith.constant 0 : index
    %get3A_14 = vector.load %arg3[%get3A_11, %get3A_12, %get3A_13] : memref<2x1264x16xf32, #tpu.memory_space<vmem>>, vector<1x1264x16xf32>
    %get3A_15 = vector.shape_cast %get3A_14 : vector<1x1264x16xf32> to vector<1264x16xf32>
    %slice3A_16 = vector.extract_strided_slice %get3A_15 {offsets = [0, 0], sizes = [1264, 1], strides = [1, 1]} : vector<1264x16xf32> to vector<1264x1xf32>
    %add3A = arith.addf %slice3A, %slice3A_16 : vector<1264x1xf32>
    %add3A_17 = arith.constant 1.000000e+00 : f32
    %add3A_18 = vector.broadcast %add3A_17 : f32 to vector<1264x1xf32>
    %add3A_19 = arith.addf %add3A, %add3A_18 : vector<1264x1xf32>
    %rsqrt3A = math.rsqrt %add3A_19 : vector<1264x1xf32>
    %mul3A = vector.broadcast %rsqrt3A : vector<1264x1xf32> to vector<1264x128xf32>
    %mul3A_20 = arith.mulf %dot_general3A_5, %mul3A : vector<1264x128xf32>
    %swap3A = arith.constant 0 : index
    %swap3A_21 = arith.constant 0 : index
    %swap3A_22 = vector.load %arg4[%swap3A, %swap3A_21] : memref<1264x128xf32, #tpu.memory_space<vmem>>, vector<1264x128xf32>
    tpu.vector_store %arg4[%swap3A, %swap3A_21], %mul3A_20 {strides = array<i32>} : memref<1264x128xf32, #tpu.memory_space<vmem>>, vector<1264x128xf32>,
    %slice3A_23 = vector.extract_strided_slice %mul3A_20 {offsets = [0, 0], sizes = [1264, 64], strides = [1, 1]} : vector<1264x128xf32> to vector<1264x64xf32>
    %swap3A_24 = arith.constant 0 : index
    %swap3A_25 = arith.constant 0 : index
    %swap3A_26 = arith.constant 0 : index
    %swap3A_27 = vector.load %arg5[%swap3A_24, %swap3A_25, %swap3A_26] : memref<2x1264x64xf32, #tpu.memory_space<vmem>>, vector<1x1264x64xf32>
    %swap3A_28 = vector.shape_cast %swap3A_27 : vector<1x1264x64xf32> to vector<1264x64xf32>
    %swap3A_29 = vector.shape_cast %slice3A_23 : vector<1264x64xf32> to vector<1x1264x64xf32>
    tpu.vector_store %arg5[%swap3A_24, %swap3A_25, %swap3A_26], %swap3A_29 {strides = array<i32>} : memref<2x1264x64xf32, #tpu.memory_space<vmem>>, vector<1x1264x64xf32>,
    %slice3A_30 = vector.extract_strided_slice %mul3A_20 {offsets = [0, 64], sizes = [1264, 64], strides = [1, 1]} : vector<1264x128xf32> to vector<1264x64xf32>
    %swap3A_31 = arith.constant 1 : index
    %swap3A_32 = arith.constant 0 : index
    %swap3A_33 = arith.constant 0 : index
    %swap3A_34 = vector.load %arg5[%swap3A_31, %swap3A_32, %swap3A_33] : memref<2x1264x64xf32, #tpu.memory_space<vmem>>, vector<1x1264x64xf32>
    %swap3A_35 = vector.shape_cast %swap3A_34 : vector<1x1264x64xf32> to vector<1264x64xf32>
    %swap3A_36 = vector.shape_cast %slice3A_30 : vector<1264x64xf32> to vector<1x1264x64xf32>
    tpu.vector_store %arg5[%swap3A_31, %swap3A_32, %swap3A_33], %swap3A_36 {strides = array<i32>} : memref<2x1264x64xf32, #tpu.memory_space<vmem>>, vector<1x1264x64xf32>,
    return
  }
  func.func @transform_0(%arg0: i32) -> (i32, i32) {
    %c0_i32 = arith.constant 0 : i32
    %c0_i32_0 = arith.constant 0 : i32
    return %arg0, %c0_i32 : i32, i32
  }
  func.func @transform_1(%arg0: i32) -> (i32, i32) {
    %c0_i32 = arith.constant 0 : i32
    %c0_i32_0 = arith.constant 0 : i32
    %c0_i32_1 = arith.constant 0 : i32
    return %c0_i32, %c0_i32_0 : i32, i32
  }
  func.func @transform_2(%arg0: i32) -> (i32, i32, i32) {
    %c0_i32 = arith.constant 0 : i32
    %c0_i32_0 = arith.constant 0 : i32
    %c0_i32_1 = arith.constant 0 : i32
    return %c0_i32, %arg0, %c0_i32_0 : i32, i32, i32
  }
  func.func @transform_3(%arg0: i32) -> (i32, i32) {
    %c0_i32 = arith.constant 0 : i32
    %c0_i32_0 = arith.constant 0 : i32
    return %arg0, %c0_i32 : i32, i32
  }
  func.func @transform_4(%arg0: i32) -> (i32, i32, i32) {
    %c0_i32 = arith.constant 0 : i32
    %c0_i32_0 = arith.constant 0 : i32
    %c0_i32_1 = arith.constant 0 : i32
    return %c0_i32, %arg0, %c0_i32_0 : i32, i32, i32
  }
}

module attributes {stable_mosaic.version = 14 : i64} {
  func.func @_tc2_body(%arg0: i32, %arg1: memref<2x1264x64xf32, #tpu.memory_space<vmem>>, %arg2: memref<1264x128xf32, #tpu.memory_space<vmem>>, %arg3: memref<2x1264x16xf32, #tpu.memory_space<vmem>>, %arg4: memref<1x128xf32, #tpu.memory_space<vmem>>, %arg5: memref<128x128xf32, #tpu.memory_space<vmem>>, %arg6: memref<1264x128xf32, #tpu.memory_space<vmem>>, %arg7: memref<2x1264x64xf32, #tpu.memory_space<vmem>>) attributes {dimension_semantics = [#tpu.dimension_semantics<arbitrary>], iteration_bounds = array<i64: 8>, scalar_prefetch = 0 : i64, scratch_operands = 0 : i64, tpu.core_type = #tpu.core_type<tc>, window_params = [{transform_indices = @transform_0, window_bounds = array<i64: 2, 1264, 64>}, {transform_indices = @transform_1, window_bounds = array<i64: 1264, 128>}, {transform_indices = @transform_2, window_bounds = array<i64: 2, 1264, 16>}, {pipeline_mode = #tpu.pipeline_mode<synchronous>, transform_indices = @transform_3, window_bounds = array<i64: 1, 128>}, {pipeline_mode = #tpu.pipeline_mode<synchronous>, transform_indices = @transform_4, window_bounds = array<i64: 128, 128>}, {transform_indices = @transform_5, window_bounds = array<i64: 1264, 128>}, {transform_indices = @transform_6, window_bounds = array<i64: 2, 1264, 64>}]} {
    %get3A = arith.constant 0 : index
    %get3A_0 = arith.constant 0 : index
    %get3A_1 = arith.constant 0 : index
    %get3A_2 = vector.load %arg3[%get3A, %get3A_0, %get3A_1] : memref<2x1264x16xf32, #tpu.memory_space<vmem>>, vector<1x1264x16xf32>
    %get3A_3 = vector.shape_cast %get3A_2 : vector<1x1264x16xf32> to vector<1264x16xf32>
    %slice3A = vector.extract_strided_slice %get3A_3 {offsets = [0, 0], sizes = [1264, 1], strides = [1, 1]} : vector<1264x16xf32> to vector<1264x1xf32>
    %get3A_4 = arith.constant 1 : index
    %get3A_5 = arith.constant 0 : index
    %get3A_6 = arith.constant 0 : index
    %get3A_7 = vector.load %arg3[%get3A_4, %get3A_5, %get3A_6] : memref<2x1264x16xf32, #tpu.memory_space<vmem>>, vector<1x1264x16xf32>
    %get3A_8 = vector.shape_cast %get3A_7 : vector<1x1264x16xf32> to vector<1264x16xf32>
    %slice3A_9 = vector.extract_strided_slice %get3A_8 {offsets = [0, 0], sizes = [1264, 1], strides = [1, 1]} : vector<1264x16xf32> to vector<1264x1xf32>
    %add3A = arith.addf %slice3A, %slice3A_9 : vector<1264x1xf32>
    %add3A_10 = arith.constant 1.000000e+00 : f32
    %add3A_11 = vector.broadcast %add3A_10 : f32 to vector<1264x1xf32>
    %add3A_12 = arith.addf %add3A, %add3A_11 : vector<1264x1xf32>
    %rsqrt3A = math.rsqrt %add3A_12 : vector<1264x1xf32>
    %get3A_13 = arith.constant 0 : index
    %get3A_14 = arith.constant 0 : index
    %get3A_15 = arith.constant 0 : index
    %get3A_16 = vector.load %arg1[%get3A_13, %get3A_14, %get3A_15] : memref<2x1264x64xf32, #tpu.memory_space<vmem>>, vector<1x1264x64xf32>
    %get3A_17 = vector.shape_cast %get3A_16 : vector<1x1264x64xf32> to vector<1264x64xf32>
    %get3A_18 = arith.constant 1 : index
    %get3A_19 = arith.constant 0 : index
    %get3A_20 = arith.constant 0 : index
    %get3A_21 = vector.load %arg1[%get3A_18, %get3A_19, %get3A_20] : memref<2x1264x64xf32, #tpu.memory_space<vmem>>, vector<1x1264x64xf32>
    %get3A_22 = vector.shape_cast %get3A_21 : vector<1x1264x64xf32> to vector<1264x64xf32>
    %concatenate3A = tpu.concatenate %get3A_17, %get3A_22 in 1 : vector<1264x64xf32>, vector<1264x64xf32> -> vector<1264x128xf32>
    %get3A_23 = arith.constant 0 : index
    %get3A_24 = arith.constant 0 : index
    %get3A_25 = vector.load %arg2[%get3A_23, %get3A_24] : memref<1264x128xf32, #tpu.memory_space<vmem>>, vector<1264x128xf32>
    %add3A_26 = arith.addf %concatenate3A, %get3A_25 : vector<1264x128xf32>
    %mul3A = vector.broadcast %rsqrt3A : vector<1264x1xf32> to vector<1264x128xf32>
    %mul3A_27 = arith.mulf %add3A_26, %mul3A : vector<1264x128xf32>
    %get3A_28 = arith.constant 0 : index
    %get3A_29 = arith.constant 0 : index
    %get3A_30 = vector.load %arg4[%get3A_28, %get3A_29] : memref<1x128xf32, #tpu.memory_space<vmem>>, vector<1x128xf32>
    %add3A_31 = vector.broadcast %get3A_30 : vector<1x128xf32> to vector<1264x128xf32>
    %add3A_32 = arith.addf %mul3A_27, %add3A_31 : vector<1264x128xf32>
    %max3A = arith.constant 0.000000e+00 : f32
    %max3A_33 = vector.broadcast %max3A : f32 to vector<1264x128xf32>
    %max3A_34 = arith.maximumf %add3A_32, %max3A_33 : vector<1264x128xf32>
    %get3A_35 = arith.constant 0 : index
    %get3A_36 = arith.constant 0 : index
    %get3A_37 = vector.load %arg5[%get3A_35, %get3A_36] : memref<128x128xf32, #tpu.memory_space<vmem>>, vector<128x128xf32>
    %dot_general3A = arith.constant dense<0.000000e+00> : vector<1264x128xf32>
    %dot_general3A_38 = tpu.matmul %max3A_34, %get3A_37, %dot_general3A {dimension_numbers = #tpu.dot_dimension_numbers<[1], [0], [0], [1], [0, 0, 1, 1], [], []>, precision = #tpu.contract_precision<fp32>, transpose_lhs_hint = false} : vector<1264x128xf32>, vector<128x128xf32>, vector<1264x128xf32> -> vector<1264x128xf32>
    %mul3A_39 = vector.broadcast %rsqrt3A : vector<1264x1xf32> to vector<1264x128xf32>
    %mul3A_40 = arith.mulf %dot_general3A_38, %mul3A_39 : vector<1264x128xf32>
    %swap3A = arith.constant 0 : index
    %swap3A_41 = arith.constant 0 : index
    %swap3A_42 = vector.load %arg6[%swap3A, %swap3A_41] : memref<1264x128xf32, #tpu.memory_space<vmem>>, vector<1264x128xf32>
    tpu.vector_store %arg6[%swap3A, %swap3A_41], %mul3A_40 {strides = array<i32>} : memref<1264x128xf32, #tpu.memory_space<vmem>>, vector<1264x128xf32>,
    %slice3A_43 = vector.extract_strided_slice %mul3A_40 {offsets = [0, 0], sizes = [1264, 64], strides = [1, 1]} : vector<1264x128xf32> to vector<1264x64xf32>
    %swap3A_44 = arith.constant 0 : index
    %swap3A_45 = arith.constant 0 : index
    %swap3A_46 = arith.constant 0 : index
    %swap3A_47 = vector.load %arg7[%swap3A_44, %swap3A_45, %swap3A_46] : memref<2x1264x64xf32, #tpu.memory_space<vmem>>, vector<1x1264x64xf32>
    %swap3A_48 = vector.shape_cast %swap3A_47 : vector<1x1264x64xf32> to vector<1264x64xf32>
    %swap3A_49 = vector.shape_cast %slice3A_43 : vector<1264x64xf32> to vector<1x1264x64xf32>
    tpu.vector_store %arg7[%swap3A_44, %swap3A_45, %swap3A_46], %swap3A_49 {strides = array<i32>} : memref<2x1264x64xf32, #tpu.memory_space<vmem>>, vector<1x1264x64xf32>,
    %slice3A_50 = vector.extract_strided_slice %mul3A_40 {offsets = [0, 64], sizes = [1264, 64], strides = [1, 1]} : vector<1264x128xf32> to vector<1264x64xf32>
    %swap3A_51 = arith.constant 1 : index
    %swap3A_52 = arith.constant 0 : index
    %swap3A_53 = arith.constant 0 : index
    %swap3A_54 = vector.load %arg7[%swap3A_51, %swap3A_52, %swap3A_53] : memref<2x1264x64xf32, #tpu.memory_space<vmem>>, vector<1x1264x64xf32>
    %swap3A_55 = vector.shape_cast %swap3A_54 : vector<1x1264x64xf32> to vector<1264x64xf32>
    %swap3A_56 = vector.shape_cast %slice3A_50 : vector<1264x64xf32> to vector<1x1264x64xf32>
    tpu.vector_store %arg7[%swap3A_51, %swap3A_52, %swap3A_53], %swap3A_56 {strides = array<i32>} : memref<2x1264x64xf32, #tpu.memory_space<vmem>>, vector<1x1264x64xf32>,
    return
  }
  func.func @transform_0(%arg0: i32) -> (i32, i32, i32) {
    %c0_i32 = arith.constant 0 : i32
    %c0_i32_0 = arith.constant 0 : i32
    %c0_i32_1 = arith.constant 0 : i32
    return %c0_i32, %arg0, %c0_i32_0 : i32, i32, i32
  }
  func.func @transform_1(%arg0: i32) -> (i32, i32) {
    %c0_i32 = arith.constant 0 : i32
    %c0_i32_0 = arith.constant 0 : i32
    return %arg0, %c0_i32 : i32, i32
  }
  func.func @transform_2(%arg0: i32) -> (i32, i32, i32) {
    %c0_i32 = arith.constant 0 : i32
    %c0_i32_0 = arith.constant 0 : i32
    %c0_i32_1 = arith.constant 0 : i32
    return %c0_i32, %arg0, %c0_i32_0 : i32, i32, i32
  }
  func.func @transform_3(%arg0: i32) -> (i32, i32) {
    %c0_i32 = arith.constant 0 : i32
    %c0_i32_0 = arith.constant 0 : i32
    %c0_i32_1 = arith.constant 0 : i32
    return %c0_i32, %c0_i32_0 : i32, i32
  }
  func.func @transform_4(%arg0: i32) -> (i32, i32) {
    %c0_i32 = arith.constant 0 : i32
    %c0_i32_0 = arith.constant 0 : i32
    %c0_i32_1 = arith.constant 0 : i32
    return %c0_i32, %c0_i32_0 : i32, i32
  }
  func.func @transform_5(%arg0: i32) -> (i32, i32) {
    %c0_i32 = arith.constant 0 : i32
    %c0_i32_0 = arith.constant 0 : i32
    return %arg0, %c0_i32 : i32, i32
  }
  func.func @transform_6(%arg0: i32) -> (i32, i32, i32) {
    %c0_i32 = arith.constant 0 : i32
    %c0_i32_0 = arith.constant 0 : i32
    %c0_i32_1 = arith.constant 0 : i32
    return %c0_i32, %arg0, %c0_i32_0 : i32, i32, i32
  }
}

module attributes {stable_mosaic.version = 14 : i64} {
  func.func @_tc3_body(%arg0: i32, %arg1: memref<2x1264x64xf32, #tpu.memory_space<vmem>>, %arg2: memref<1264x128xf32, #tpu.memory_space<vmem>>, %arg3: memref<2x1264x16xf32, #tpu.memory_space<vmem>>, %arg4: memref<1x128xf32, #tpu.memory_space<vmem>>, %arg5: memref<1264x128xf32, #tpu.memory_space<vmem>>) attributes {dimension_semantics = [#tpu.dimension_semantics<arbitrary>], iteration_bounds = array<i64: 8>, scalar_prefetch = 0 : i64, scratch_operands = 0 : i64, tpu.core_type = #tpu.core_type<tc>, window_params = [{transform_indices = @transform_0, window_bounds = array<i64: 2, 1264, 64>}, {transform_indices = @transform_1, window_bounds = array<i64: 1264, 128>}, {transform_indices = @transform_2, window_bounds = array<i64: 2, 1264, 16>}, {pipeline_mode = #tpu.pipeline_mode<synchronous>, transform_indices = @transform_3, window_bounds = array<i64: 1, 128>}, {transform_indices = @transform_4, window_bounds = array<i64: 1264, 128>}]} {
    %get3A = arith.constant 0 : index
    %get3A_0 = arith.constant 0 : index
    %get3A_1 = arith.constant 0 : index
    %get3A_2 = vector.load %arg3[%get3A, %get3A_0, %get3A_1] : memref<2x1264x16xf32, #tpu.memory_space<vmem>>, vector<1x1264x16xf32>
    %get3A_3 = vector.shape_cast %get3A_2 : vector<1x1264x16xf32> to vector<1264x16xf32>
    %slice3A = vector.extract_strided_slice %get3A_3 {offsets = [0, 0], sizes = [1264, 1], strides = [1, 1]} : vector<1264x16xf32> to vector<1264x1xf32>
    %get3A_4 = arith.constant 1 : index
    %get3A_5 = arith.constant 0 : index
    %get3A_6 = arith.constant 0 : index
    %get3A_7 = vector.load %arg3[%get3A_4, %get3A_5, %get3A_6] : memref<2x1264x16xf32, #tpu.memory_space<vmem>>, vector<1x1264x16xf32>
    %get3A_8 = vector.shape_cast %get3A_7 : vector<1x1264x16xf32> to vector<1264x16xf32>
    %slice3A_9 = vector.extract_strided_slice %get3A_8 {offsets = [0, 0], sizes = [1264, 1], strides = [1, 1]} : vector<1264x16xf32> to vector<1264x1xf32>
    %add3A = arith.addf %slice3A, %slice3A_9 : vector<1264x1xf32>
    %add3A_10 = arith.constant 1.000000e+00 : f32
    %add3A_11 = vector.broadcast %add3A_10 : f32 to vector<1264x1xf32>
    %add3A_12 = arith.addf %add3A, %add3A_11 : vector<1264x1xf32>
    %rsqrt3A = math.rsqrt %add3A_12 : vector<1264x1xf32>
    %get3A_13 = arith.constant 0 : index
    %get3A_14 = arith.constant 0 : index
    %get3A_15 = arith.constant 0 : index
    %get3A_16 = vector.load %arg1[%get3A_13, %get3A_14, %get3A_15] : memref<2x1264x64xf32, #tpu.memory_space<vmem>>, vector<1x1264x64xf32>
    %get3A_17 = vector.shape_cast %get3A_16 : vector<1x1264x64xf32> to vector<1264x64xf32>
    %get3A_18 = arith.constant 1 : index
    %get3A_19 = arith.constant 0 : index
    %get3A_20 = arith.constant 0 : index
    %get3A_21 = vector.load %arg1[%get3A_18, %get3A_19, %get3A_20] : memref<2x1264x64xf32, #tpu.memory_space<vmem>>, vector<1x1264x64xf32>
    %get3A_22 = vector.shape_cast %get3A_21 : vector<1x1264x64xf32> to vector<1264x64xf32>
    %concatenate3A = tpu.concatenate %get3A_17, %get3A_22 in 1 : vector<1264x64xf32>, vector<1264x64xf32> -> vector<1264x128xf32>
    %get3A_23 = arith.constant 0 : index
    %get3A_24 = arith.constant 0 : index
    %get3A_25 = vector.load %arg2[%get3A_23, %get3A_24] : memref<1264x128xf32, #tpu.memory_space<vmem>>, vector<1264x128xf32>
    %add3A_26 = arith.addf %concatenate3A, %get3A_25 : vector<1264x128xf32>
    %mul3A = vector.broadcast %rsqrt3A : vector<1264x1xf32> to vector<1264x128xf32>
    %mul3A_27 = arith.mulf %add3A_26, %mul3A : vector<1264x128xf32>
    %get3A_28 = arith.constant 0 : index
    %get3A_29 = arith.constant 0 : index
    %get3A_30 = vector.load %arg4[%get3A_28, %get3A_29] : memref<1x128xf32, #tpu.memory_space<vmem>>, vector<1x128xf32>
    %add3A_31 = vector.broadcast %get3A_30 : vector<1x128xf32> to vector<1264x128xf32>
    %add3A_32 = arith.addf %mul3A_27, %add3A_31 : vector<1264x128xf32>
    %iota3A = tpu.iota {dimensions = array<i32: 1>} : vector<1264x128xi32>
    %lt3A = arith.constant 125 : i32
    %lt3A_33 = vector.broadcast %lt3A : i32 to vector<1264x128xi32>
    %lt3A_34 = arith.cmpi slt, %iota3A, %lt3A_33 : vector<1264x128xi32>
    %jit3A = arith.constant 0xFF800000 : f32
    %broadcast_in_dim3A = vector.broadcast %jit3A : f32 to vector<1264x128xf32>
    %select_n3A = arith.select %lt3A_34, %add3A_32, %broadcast_in_dim3A : vector<1264x128xi1>, vector<1264x128xf32>
    %reduce_max3A = arith.constant dense<0xFF800000> : vector<1264xf32>
    %reduce_max3A_35 = vector.multi_reduction <maximumf>, %select_n3A, %reduce_max3A [1] : vector<1264x128xf32> to vector<1264xf32>
    %broadcast_in_dim3A_36 = vector.shape_cast %reduce_max3A_35 : vector<1264xf32> to vector<1264x1xf32>
    %sub3A = vector.broadcast %broadcast_in_dim3A_36 : vector<1264x1xf32> to vector<1264x128xf32>
    %sub3A_37 = arith.subf %select_n3A, %sub3A : vector<1264x128xf32>
    %exp3A = math.exp %sub3A_37 : vector<1264x128xf32>
    %reduce_sum3A = arith.constant dense<0.000000e+00> : vector<1264xf32>
    %reduce_sum3A_38 = vector.multi_reduction <add>, %exp3A, %reduce_sum3A [1] : vector<1264x128xf32> to vector<1264xf32>
    %broadcast_in_dim3A_39 = vector.shape_cast %reduce_sum3A_38 : vector<1264xf32> to vector<1264x1xf32>
    %log3A = math.log %broadcast_in_dim3A_39 : vector<1264x1xf32>
    %add3A_40 = arith.addf %log3A, %broadcast_in_dim3A_36 : vector<1264x1xf32>
    %sub3A_41 = vector.broadcast %add3A_40 : vector<1264x1xf32> to vector<1264x128xf32>
    %sub3A_42 = arith.subf %add3A_32, %sub3A_41 : vector<1264x128xf32>
    %swap3A = arith.constant 0 : index
    %swap3A_43 = arith.constant 0 : index
    %swap3A_44 = vector.load %arg5[%swap3A, %swap3A_43] : memref<1264x128xf32, #tpu.memory_space<vmem>>, vector<1264x128xf32>
    tpu.vector_store %arg5[%swap3A, %swap3A_43], %sub3A_42 {strides = array<i32>} : memref<1264x128xf32, #tpu.memory_space<vmem>>, vector<1264x128xf32>,
    return
  }
  func.func @transform_0(%arg0: i32) -> (i32, i32, i32) {
    %c0_i32 = arith.constant 0 : i32
    %c0_i32_0 = arith.constant 0 : i32
    %c0_i32_1 = arith.constant 0 : i32
    return %c0_i32, %arg0, %c0_i32_0 : i32, i32, i32
  }
  func.func @transform_1(%arg0: i32) -> (i32, i32) {
    %c0_i32 = arith.constant 0 : i32
    %c0_i32_0 = arith.constant 0 : i32
    return %arg0, %c0_i32 : i32, i32
  }
  func.func @transform_2(%arg0: i32) -> (i32, i32, i32) {
    %c0_i32 = arith.constant 0 : i32
    %c0_i32_0 = arith.constant 0 : i32
    %c0_i32_1 = arith.constant 0 : i32
    return %c0_i32, %arg0, %c0_i32_0 : i32, i32, i32
  }
  func.func @transform_3(%arg0: i32) -> (i32, i32) {
    %c0_i32 = arith.constant 0 : i32
    %c0_i32_0 = arith.constant 0 : i32
    %c0_i32_1 = arith.constant 0 : i32
    return %c0_i32, %c0_i32_0 : i32, i32
  }
  func.func @transform_4(%arg0: i32) -> (i32, i32) {
    %c0_i32 = arith.constant 0 : i32
    %c0_i32_0 = arith.constant 0 : i32
    return %arg0, %c0_i32 : i32, i32
  }
}

</mosaic_0001>

<sc_bundles>
// kernel: run.11.cloned.1.call-start
scs
__scs_entry_jumppad:
0x0: {  	(pc) =	sbr.rel $0x88, $3  }
0x1: {  	(tag) =	ssettag $0x0;
	lr =	simm.s32 $0x1  }
0x2: {  	[smem:$0x3F9B] =	sst lr;
	_ =	strace $0xD0000000  }
0x3: {  	_ = 	snop  }
0x4: {  	_ = 	snop  }
0x5: {  	_ = 	snop  }
0x6: {  	_ = 	snop  }
0x7: {  	_ = 	snop  }
__scs_overlays_trampoline_lowered:
0x8: {  	[smem:$0x3FAA] =	sst s0  }
0x9: {  	[smem:$0x3FAB] =	sst s1  }
0xa: {  	[smem:$0x3FAC] =	sst s2  }
0xb: {  	[smem:$0x3FAD] =	sst s3  }
0xc: {  	[smem:$0x3FAE] =	sst s4  }
0xd: {  	[smem:$0x3FAF] =	sst s5  }
0xe: {  	[smem:$0x3FB0] =	sst s6  }
0xf: {  	[smem:$0x3FB1] =	sst s7  }
0x10: {  	[smem:$0x3FB2] =	sst s8  }
0x11: {  	[smem:$0x3FB3] =	sst s9;
	s0 =	simm.s32 @!p0 $0x0  }
0x12: {  	s1 =	sld [smem:$0x3F99];
	s0 =	simm.s32 @p0 $0x1  }
0x13: {  	[smem:$0x3FB4] =	sst s0;
	s0 =	simm.s32 @!p1 $0x0  }
0x14: {  	s2 =	sld [smem:$0x3F98];
	s0 =	simm.s32 @p1 $0x1  }
0x15: {  	[smem:$0x3FB5] =	sst s0;
	s0 =	simm.s32 @!p2 $0x0  }
0x16: {  	s3 =	sld [smem:$0x3FDB];
	s0 =	simm.s32 @p2 $0x1  }
0x17: {  	s4 =	simm.s32 $0x1BF5;
	[smem:$0x3FB7] =	sst s0  }
0x18: {  	s0 =	sld [smem:$0x3F9A];
	_ =	swait.ge [sflag:s4], $0x0  }
0x19: {  	s7 =	sld [smem:$0x3F9B]  }
0x1a: {  	s8 =	sadd.s32 $0xFFFFE003, lr  }
0x1b: {  	s9 =	sadd.s32 $0xFFFFFEF7, lr;
	s5 =	simm.s32 $0xFFFFFFFF;
	p2 =	slt.u32 s8, $0xFFFFF086  }
0x1c: {  	p1 =	slt.u32 s9, $0xF7A;
	s5 =	simm.s32 @!p2 $0x0  }
0x1d: {  	s5 =	simm.s32 @p1 $0x1;
	p0 =	seq.s32 s7, s2  }
0x1e: {  	s7 =	smul.u32 @!p0 $0xF7A, s2;
	p2 =	seq.s32 @!p0 s5, $0x0  }
0x1f: {  	s9 =	smul.u32 $0xF7A, s1;
	s8 =	simm.s32 @!p0 $0x1BF5;
	p2 =	por !p2, p0  }
0x20: {  	[sflag:s8] =	ssyncset.s32 @!p0 $0xFFFFF086;
	s6 =	sadd.s32 @!p0 s3, s7;
	s7 =	simm.s32 @!p0 $0x108  }
0x21: {  	s3 =	sadd.s32 s3, s9;
	s6 =	sadd.s32 @!p0 $0x88, s6;
	s7 =	simm.s32 @p2 $0x1082  }
0x22: {  	[simem:s7], [sflag:s8] =	dma.local @!p0 [hbm:s6], $0xF7A  }
0x23: {  	s9 =	sor.u32 $0xD0000000, s2;
	s6 =	simm.s32 $0x108;
	_ =	swait.ge @!p0 [sflag:s8], $0x0  }
0x24: {  	s3 =	sadd.s32 $0x88, s3;
	s6 =	simm.s32 @!p1 $0x1082;
	[sflag:s4] =	ssyncset.s32 $0xFFFFF086  }
0x25: {  	[simem:s6], [sflag:s4] =	dma.local [hbm:s3], $0xF7A  }
0x26: {  	[smem:$0x3F9B] =	sst s1;
	(tag) =	ssettag s2;
	_ =	strace s9  }
0x27: {  	s1 =	sld [smem:$0x3FAB]  }
0x28: {  	s2 =	sld [smem:$0x3FAC]  }
0x29: {  	s4 =	sld [smem:$0x3FAE]  }
0x2a: {  	p0 =	seq.s32 s5, $0x0;
	s5 =	sld [smem:$0x3FAF]  }
0x2b: {  	s6 =	sld [smem:$0x3FB0]  }
0x2c: {  	s7 =	sld [smem:$0x3FB1]  }
0x2d: {  	s3 =	simm.s32 $0x108;
	s8 =	sld [smem:$0x3FB2]  }
0x2e: {  	s3 =	simm.s32 @!p0 $0x1082;
	s9 =	sld [smem:$0x3FB3]  }
0x2f: {  	lr =	sadd.s32 s0, s3;
	s0 =	sld [smem:$0x3FAA]  }
0x30: {  	s3 =	sld [smem:$0x3FAD]  }
0x31: {  	[smem:$0x3FB6] =	sst s10  }
0x32: {  	s10 =	sld [smem:$0x3FB4];
	_ =	sdelay $0x3  }
0x33: {  	p0 =	seq.s32 s10, $0x1;
	s10 =	sld [smem:$0x3FB6];
	_ =	sdelay $0x3  }
0x34: {  	[smem:$0x3FB6] =	sst s10  }
0x35: {  	s10 =	sld [smem:$0x3FB5];
	_ =	sdelay $0x3  }
0x36: {  	p1 =	seq.s32 s10, $0x1;
	s10 =	sld [smem:$0x3FB6];
	_ =	sdelay $0x3  }
0x37: {  	[smem:$0x3FB6] =	sst s10  }
0x38: {  	s10 =	sld [smem:$0x3FB7]  }
0x39: {  	_ = 	snop;
	(pc) =	sbr.ind lr, $3  }
0x3a: {  	_ = 	snop  }
0x3b: {  	_ = 	snop  }
0x3c: {  	p2 =	seq.s32 s10, $0x1;
	s10 =	sld [smem:$0x3FB6]  }
0x3d: {  	_ =	shalt  }
0x3e: {  	_ =	shalt  }
0x3f: {  	_ =	shalt  }
0x40: {  	_ =	shalt  }
0x41: {  	_ =	shalt  }
0x42: {  	_ =	shalt  }
0x43: {  	_ =	shalt  }
0x44: {  	_ =	shalt  }
0x45: {  	_ =	shalt  }
0x46: {  	_ =	shalt  }
0x47: {  	_ =	shalt  }
0x48: {  	_ =	shalt  }
0x49: {  	_ =	shalt  }
0x4a: {  	_ =	shalt  }
0x4b: {  	_ =	shalt  }
0x4c: {  	_ =	shalt  }
0x4d: {  	_ =	shalt  }
0x4e: {  	_ =	shalt  }
0x4f: {  	_ =	shalt  }
0x50: {  	_ =	shalt  }
0x51: {  	_ =	shalt  }
0x52: {  	_ =	shalt  }
0x53: {  	_ =	shalt  }
0x54: {  	_ =	shalt  }
0x55: {  	_ =	shalt  }
0x56: {  	_ =	shalt  }
0x57: {  	_ =	shalt  }
0x58: {  	_ =	shalt  }
0x59: {  	_ =	shalt  }
0x5a: {  	_ =	shalt  }
0x5b: {  	_ =	shalt  }
0x5c: {  	_ =	shalt  }
0x5d: {  	_ =	shalt  }
0x5e: {  	_ =	shalt  }
0x5f: {  	_ =	shalt  }
0x60: {  	_ =	shalt  }
0x61: {  	_ =	shalt  }
0x62: {  	_ =	shalt  }
0x63: {  	_ =	shalt  }
0x64: {  	_ =	shalt  }
0x65: {  	_ =	shalt  }
0x66: {  	_ =	shalt  }
0x67: {  	_ =	shalt  }
0x68: {  	_ =	shalt  }
0x69: {  	_ =	shalt  }
0x6a: {  	_ =	shalt  }
0x6b: {  	_ =	shalt  }
0x6c: {  	_ =	shalt  }
0x6d: {  	_ =	shalt  }
0x6e: {  	_ =	shalt  }
0x6f: {  	_ =	shalt  }
0x70: {  	_ =	shalt  }
0x71: {  	_ =	shalt  }
0x72: {  	_ =	shalt  }
0x73: {  	_ =	shalt  }
0x74: {  	_ =	shalt  }
0x75: {  	_ =	shalt  }
0x76: {  	_ =	shalt  }
0x77: {  	_ =	shalt  }
0x78: {  	_ =	shalt  }
0x79: {  	_ =	shalt  }
0x7a: {  	_ =	shalt  }
0x7b: {  	_ =	shalt  }
0x7c: {  	_ =	shalt  }
0x7d: {  	_ =	shalt  }
0x7e: {  	_ =	shalt  }
0x7f: {  	_ =	shalt  }
0x80: {  	_ =	shalt  }
0x81: {  	_ =	shalt  }
0x82: {  	_ =	shalt  }
0x83: {  	_ =	shalt  }
0x84: {  	_ =	shalt  }
0x85: {  	_ =	shalt  }
0x86: {  	_ =	shalt  }
0x87: {  	_ =	shalt  }
.Lfunc_end0:
.L_simem_size_0:
called_computation.1_lowered:
.L_overlay_start_0:
0x88: {  	s2 =	sld [smem:$0x3FD9]  }
0x89: {  	s3 =	sld [smem:$0x3FFE];
	_ =	sdelay $0x1  }
0x8a: {  	s1 =	srdreg.scid  }
0x8b: {  	s0 =	sand.u32 $0x1, s1  }
0x8c: {  	s17 =	sshll.u32 s0, $0xA;
	s2 =	sadd.s32 s3, s2  }
0x8d: {  	s2 =	sadd.s32 s2, s17  }
0x8e: {  	[smem:$0x3FC2] =	sst s2  }
0x8f: {  	_ = 	snop  }
0x90: {  	s2 =	sld [smem:$0x3FD0];
	(tm) =	ssettm $0x1  }
0x91: {  	s18 =	sld [smem:$0x3FFB];
	_ =	sdelay $0x3  }
0x92: {  	_ =	strace s18  }
0x93: {  	s3 =	sld [smem:$0x3FFC];
	_ =	sdelay $0x3  }
0x94: {  	_ =	strace s3  }
0x95: {  	s3 =	sld [smem:$0x3FFD];
	_ =	sdelay $0x3  }
0x96: {  	_ =	strace s3  }
0x97: {  	_ =	strace $0x8FFFFFFF  }
0x98: {  	s19 =	sld [smem:$0x3FDB];
	_ =	sdelay $0x1  }
0x99: {  	s4 =	simm.s32 $_scs_section_size  }
0x9a: {  	s5 =	simm.s32 $_size__tile_overlayer_lowered;
	s6 =	simm.s32 $_tile_overlayer_lowered  }
0x9b: {  	s22 =	simm.s32 $0x1BFF;
	s21 =	sshll.u32 s6, $0x1;
	s3 =	sadd.s32 s4, s19  }
0x9c: {  	s7 =	simm.s32 $0x0;
	s20 =	sshll.u32 s5, $0x1;
	s5 =	sadd.s32 s21, s3  }
0x9d: {  	[timem:s7], [sflag:s22] =	dma.local [hbm:s5], s20  }
0x9e: {  	_ =	swait.ge [sflag:s22], s20  }
0x9f: {  	s4 =	ssub.s32 $0x0, s20;
	[sflag:s22] =	ssyncset.done $0x0  }
0xa0: {  	[sflag:s22] =	ssyncadd.s32 s4;
	_ =	sdelay $0x1  }
0xa1: {  	s23 =	simm.s32 $0x1B8B  }
0xa2: {  	_ =	swait.ge [sflag:s23], $0x1  }
0xa3: {  	[sflag:s23] =	ssyncset.done $0x0  }
0xa4: {  	s25 =	simm.s32 $0x1B8E;
	s24 =	sld [smem:$0x3FFE];
	[sflag:s23] =	ssyncadd.s32 $0xFFFFFFFF  }
0xa5: {  	s26 =	simm.s32 $execute0_lowered;
	[smem:$0x3FD2] =	sst s25  }
0xa6: {  	s5 =	sshll.u32 s26, $0x1;
	_ =	strace $0x80000049;
	[dreg:$0x1] =	wrdreg $0xFFFFFFFF  }
0xa7: {  	s28 =	simm.s32 $_size_execute0_lowered;
	s3 =	sadd.s32 s3, s5;
	[dreg:$0x0] =	wrdreg $0x0  }
0xa8: {  	s5 =	sshll.u32 s28, $0x1;
	[dreg:$0x2] =	wrdreg s3  }
0xa9: {  	[dreg:$0x3] =	wrdreg s5  }
0xaa: {  	[dreg:$0x4] =	wrdreg $0xC0  }
0xab: {  	_ =	task [dreg:s7], $0x5FFFF  }
0xac: {  	[dreg:$0x1] =	wrdreg $0xFFFFFFFF  }
0xad: {  	[dreg:$0x0] =	wrdreg $0x60  }
0xae: {  	[dreg:$0x2] =	wrdreg s24  }
0xaf: {  	[dreg:$0x3] =	wrdreg s2  }
0xb0: {  	[dreg:$0x4] =	wrdreg $0x12E000  }
0xb1: {  	[dreg:$0x5] =	wrdreg $0x90000  }
0xb2: {  	[dreg:$0x6] =	wrdreg $0x9  }
0xb3: {  	_ =	task.clear_ibuf [dreg:s7], $0x7FFFF;
	_ =	strace $0x90000049  }
0xb4: {  	s29 =	simm.s32 $0x9;
	_ =	strace $0x8000004B  }
0xb5: {  	_ =	swait.ge [sflag:s29], $0x1  }
0xb6: {  	[sflag:s29] =	ssyncadd.s32 $0xFFFFFFFF  }
0xb7: {  	_ =	strace $0x9000004B  }
0xb8: {  	_ =	sfence  }
0xb9: {  	s30 =	sld [smem:$0x0];
	_ =	sdelay $0x2  }
0xba: {  	s31 =	sshll.u32 s1, $0xD;
	s1 =	sshrl.u32 s1, $0x2  }
0xbb: {  	s3 =	sand.u32 $0x4000, s31;
	s1 =	sadd.s32 s1, s30  }
0xbc: {  	s0 =	sor.u32 s3, s0;
	s1 =	sshll.u32 s1, $0x11  }
0xbd: {  	s0 =	sor.u32 s1, s0  }
0xbe: {  	s0 =	sadd.s32 $0x8F2B, s0  }
0xbf: {  	[sflag:s0] =	ssyncadd.remote.s32 $0x1  }
0xc0: {  	_ =	sfence.sel $0xFFFF  }
0xc1: {  	[dreg:$0x0] =	wrdreg $0xFFFFFFFF;
	(pc) =	sbr.abs _section_cstart, $3  }
0xc2: {  	[dreg:$0x1] =	wrdreg $0xFFFFFFFF  }
0xc3: {  	_ =	task.clear_ibuf [dreg:s7], $0x2FFFF;
	_ =	strace $0x9FFFFFFF  }
0xc4: {  	(tm) =	ssettm $0x7FFFFFFF  }
0xc5: {  	_ =	shalt  }
tec
execute0_lowered:
.L_overlay_start_1:
0x0: {  	(tag) =	ssettag $0x1  }
0x1: {  	s0 =	rddreg [dreg:$0x0]  }
0x2: {  	s1 =	rddreg [dreg:$0x1]  }
0x3: {  	s2 =	rddreg [dreg:$0x2];
	s12 =	stileid.u32  }
0x4: {  	s4 =	srdreg.scid;
	s3 =	rddreg [dreg:$0x3];
	s16 =	simm.s32 $0x6  }
0x5: {  	s17 =	simm.s32 $0x800;
	s28 =	simm.s32 $0x200;
	s29 =	simm.s32 $0xA00  }
0x6: {  	s30 =	simm.s32 $0x4;
	s31 =	simm.s32 $0x300;
	s5 =	smul.u32 $0x9E00, s12  }
0x7: {  	s6 =	sand.u32 $0x1, s4;
	s4 =	simm.s32 $0x0;
	s10 =	smul.u32 $0xA000, s12  }
0x8: {  	s8 =	sadd.s32 $0x11200, s0;
	s19 =	sshll.u32 s12, $0x6;
	s21 =	smul.u32 $0x1400, s12  }
0x9: {  	s7 =	smul.u32 $0x9E000, s6;
	[smem:$0x7FF] =	sst s4;
	s6 =	ssub.s32 $0x2, s6  }
0xa: {  	s14 =	sor.u32 $0x1C06, s19;
	s19 =	simm.s32 $0x1000;
	_ =	strace $0x8000004A  }
0xb: {  	s9 =	sshrl.u32 s5, $0x3;
	s18 =	sshrl.u32 s6, $0x1;
	s11 =	sadd.s32 s5, s2  }
0xc: {  	s20 =	sshrl.u32 s10, $0x3;
	s12 =	sadd.s32 s21, s1;
	s13 =	sadd.s32 s21, s8  }
0xd: {  	s21 =	simm.s32 $0xC00;
	s10 =	simm.s32 $0x700;
	[dreg:$0x6] =	wrdreg s14  }
0xe: {  	s7 =	sadd.s32 s5, s7;
	s9 =	sadd.s32 s9, s0;
	s5 =	sadd.s32 s5, s3  }
0xf: {  	s23 =	sadd.s32 s8, s20;
	s24 =	sadd.s32 s1, s20;
	s15 =	sshrl.u32 s11, $0x3  }
0x10: {  	s20 =	simm.s32 $0x400;
	s1 =	simm.s32 $0xB00;
	s8 =	simm.s32 $0x600  }
0x11: {  	s11 =	simm.s32 $0xF00;
	s7 =	sshrl.u32 s7, $0x3;
	[dreg:$0x8] =	wrdreg s23  }
0x12: {  	s9 =	sadd.s32 $0x9BA00, s9;
	[dreg:$0x9] =	wrdreg s24;
	s26 =	sshrl.u32 s5, $0x3  }
0x13: {  	s23 =	simm.s32 $0x5000;
	s24 =	simm.s32 $0x2;
	[dreg:$0xc] =	wrdreg s15  }
0x14: {  	s5 =	simm.s32 $0x500;
	s0 =	sadd.s32 s7, s0;
	[dreg:$0x5] =	wrdreg s9  }
0x15: {  	s7 =	ssub.s32 s6, s18;
	[dreg:$0xd] =	wrdreg s26;
	s6 =	simm.s32 $0x0  }
.Ltmp0:
0x16: {  	s22 =	sadd.s32 $0x74200, s0;
	[dreg:$0xe] =	wrdreg s6;
	(pc) =	sbr.rel .LBB2_1-.Ltmp0, $4  }
0x17: {  	s18 =	simm.s32 $0x100;
	s0 =	sadd.s32 $0xAF600, s0;
	[dreg:$0x7] =	wrdreg s22  }
0x18: {  	s26 =	simm.s32 $0x3;
	s25 =	smax.u32 s7, $0x1;
	[dreg:$0xa] =	wrdreg s0  }
0x19: {  	s9 =	simm.s32 $0xE00;
	s7 =	simm.s32 $0xD00;
	[dreg:$0xb] =	wrdreg s25  }
0x1a: {  	s22 =	simm.s32 $0x1;
	s25 =	simm.s32 $0x900;
	s0 =	simm.s32 $0x5  }
.LBB2_4:
0x1b: {  	_ =	swait.ge [sflag:s26], $0x4000  }
0x1c: {  	[sflag:s26] =	ssyncset.done $0x0  }
0x1d: {  	[sflag:s26] =	ssyncadd.s32 $0xFFFFC000  }
0x1e: {  	_ =	swait.ge [sflag:s30], $0x4000  }
0x1f: {  	[sflag:s30] =	ssyncset.done $0x0  }
0x20: {  	[sflag:s30] =	ssyncadd.s32 $0xFFFFC000  }
0x21: {  	[bflag:$0x0] =	sbarrier.arrive $0xFFFF  }
0x22: {  	s14 =	rddreg [dreg:$0x6]  }
0x23: {  	s6 =	rddreg [dreg:$0xa]  }
0x24: {  	s16 =	simm.s32 $0x6;
	s15 =	rddreg [dreg:$0xc]  }
0x25: {  	[hbm:s6], [sflag:s14] =	dma.local [spmem:s15], $0x13C0  }
0x26: {  	_ =	swait.ge [sflag:s16], $0x13C0  }
0x27: {  	s17 =	rddreg [dreg:$0xe]  }
0x28: {  	s6 =	rddreg [dreg:$0xb];
	s17 =	sadd.s32 $0x1, s17  }
0x29: {  	p0 =	sne.s32 s17, s6  }
.Ltmp1:
0x2a: {  	_ = 	snop;
	(pc) =	sbr.rel @!p0 .LBB2_5-.Ltmp1, $3  }
0x2b: {  	_ =	sdelay $0x1  }
0x2c: {  	[sflag:s16] =	ssyncset.done $0x0  }
0x2d: {  	[sflag:s16] =	ssyncadd.s32 $0xFFFFEC40;
	[dreg:$0xe] =	wrdreg s17;
	s17 =	simm.s32 $0x800  }
.LBB2_1:
0x2e: {  	s6 =	rddreg [dreg:$0x5]  }
0x2f: {  	[spmem:s15], [sflag:s14] =	dma.local [hbm:s6], $0x13C0  }
0x30: {  	_ =	swait.ge [sflag:s16], $0x13C0  }
0x31: {  	[sflag:s16] =	ssyncset.done $0x0;
	s6 =	rddreg [dreg:$0x7]  }
0x32: {  	s15 =	rddreg [dreg:$0xd];
	[sflag:s16] =	ssyncadd.s32 $0xFFFFEC40  }
0x33: {  	[spmem:s15], [sflag:s14] =	dma.local [hbm:s6], $0x13C0  }
0x34: {  	_ =	swait.ge [sflag:s16], $0x13C0  }
0x35: {  	[sflag:s16] =	ssyncset.done $0x0  }
0x36: {  	[sflag:s16] =	ssyncadd.s32 $0xFFFFEC40  }
0x37: {  	[bflag:$0x0] =	sbarrier.arrive $0xFFFF  }
0x38: {  	s14 =	rddreg [dreg:$0x8]  }
0x39: {  	[tilespmem:s4], [sflag:$0x6] =	stream.linear.gather [hbm4b:s14+s4], $0x400, $0x38;
	[tilespmem:$0x1CC00] =	vst v63  }
0x3a: {  	_ =	swait.ge [sflag:s16], $0x400  }
0x3b: {  	[sflag:s16] =	ssyncset.done $0x0  }
0x3c: {  	s15 =	rddreg [dreg:$0x9];
	[sflag:s16] =	ssyncadd.s32 $0xFFFFFC00  }
0x3d: {  	[tilespmem:s17], [sflag:$0x6] =	stream.linear.gather [hbm4b:s15+s4], $0x400, $0x38;
	[tilespmem:$0x1CC00] =	vst v63  }
0x3e: {  	_ =	swait.ge [sflag:s16], $0x400  }
0x3f: {  	[sflag:s16] =	ssyncset.done $0x0  }
0x40: {  	s14 =	simm.s32 $0x0;
	[sflag:s16] =	ssyncadd.s32 $0xFFFFFC00  }
0x41: {  	[tilespmem:s19], [sflag:$0x1] =	stream.indirect.gather [spmem:s3], $0x40, s4, s18, $0xb8;
	[tilespmem:$0x1CC00] =	vst v63  }
.LBB2_2:
0x42: {  	s6 =	sadd.s32 s14, s13  }
0x43: {  	s16 =	sadd.s32 s14, s12;
	s6 =	sadd.s32 $0x80, s6  }
0x44: {  	[tilespmem:s20], [sflag:$0x5] =	stream.linear.gather [hbm4b:s6+s4], $0x400, $0x38;
	[tilespmem:$0x1CC00] =	vst v63  }
0x45: {  	s6 =	sadd.s32 $0x80, s16  }
0x46: {  	[tilespmem:s21], [sflag:$0x5] =	stream.linear.gather [hbm4b:s6+s4], $0x400, $0x38;
	[tilespmem:$0x1CC00] =	vst v63  }
0x47: {  	_ =	swait.ge [sflag:s22], $0x4000  }
0x48: {  	p0 =	seq.s32 s14, $0x0;
	[sflag:s22] =	ssyncset.done $0x0  }
0x49: {  	s6 =	simm.s32 @!p0 $0x4;
	[sflag:s22] =	ssyncadd.s32 $0xFFFFC000  }
0x4a: {  	[spmem:s2] =	stream.indirect.scatter.add.f32 [tilespmem:s19], [sflag:$0x3], $0x40, s17, s18, $0xb8;
	[tilespmem:$0x1CC00] =	vst v63  }
0x4b: {  	_ =	swait.ge @!p0 [sflag:s6], $0x4000  }
0x4c: {  	[sflag:s6] =	ssyncset.done @!p0 $0x0  }
0x4d: {  	[sflag:s6] =	ssyncadd.s32 @!p0 $0xFFFFC000  }
0x4e: {  	[tilespmem:s23], [sflag:$0x2] =	stream.indirect.gather [spmem:s3], $0x40, s18, s18, $0xb8;
	[tilespmem:$0x1CC00] =	vst v63  }
0x4f: {  	_ =	swait.ge [sflag:s24], $0x4000  }
0x50: {  	[sflag:s24] =	ssyncset.done $0x0  }
0x51: {  	[sflag:s24] =	ssyncadd.s32 $0xFFFFC000  }
0x52: {  	[spmem:s2] =	stream.indirect.scatter.add.f32 [tilespmem:s23], [sflag:$0x4], $0x40, s25, s18, $0xb8;
	[tilespmem:$0x1CC00] =	vst v63  }
0x53: {  	_ =	swait.ge [sflag:s26], $0x4000  }
0x54: {  	[sflag:s26] =	ssyncset.done $0x0  }
0x55: {  	[sflag:s26] =	ssyncadd.s32 $0xFFFFC000  }
0x56: {  	[tilespmem:s19], [sflag:$0x1] =	stream.indirect.gather [spmem:s3], $0x40, s28, s18, $0xb8;
	[tilespmem:$0x1CC00] =	vst v63  }
0x57: {  	_ =	swait.ge [sflag:s22], $0x4000  }
0x58: {  	[sflag:s22] =	ssyncset.done $0x0  }
0x59: {  	[sflag:s22] =	ssyncadd.s32 $0xFFFFC000  }
0x5a: {  	[spmem:s2] =	stream.indirect.scatter.add.f32 [tilespmem:s19], [sflag:$0x3], $0x40, s29, s18, $0xb8;
	[tilespmem:$0x1CC00] =	vst v63  }
0x5b: {  	_ =	swait.ge [sflag:s30], $0x4000  }
0x5c: {  	[sflag:s30] =	ssyncset.done $0x0  }
0x5d: {  	[sflag:s30] =	ssyncadd.s32 $0xFFFFC000  }
0x5e: {  	[tilespmem:s23], [sflag:$0x2] =	stream.indirect.gather [spmem:s3], $0x40, s31, s18, $0xb8;
	[tilespmem:$0x1CC00] =	vst v63  }
0x5f: {  	_ =	swait.ge [sflag:s24], $0x4000  }
0x60: {  	[sflag:s24] =	ssyncset.done $0x0  }
0x61: {  	[sflag:s24] =	ssyncadd.s32 $0xFFFFC000  }
0x62: {  	[spmem:s2] =	stream.indirect.scatter.add.f32 [tilespmem:s23], [sflag:$0x4], $0x40, s1, s18, $0xb8;
	[tilespmem:$0x1CC00] =	vst v63  }
0x63: {  	_ =	swait.ge [sflag:s0], $0x400  }
0x64: {  	[sflag:s0] =	ssyncset.done $0x0  }
0x65: {  	[sflag:s0] =	ssyncadd.s32 $0xFFFFFC00  }
0x66: {  	_ =	swait.ge [sflag:s0], $0x400  }
0x67: {  	[sflag:s0] =	ssyncset.done $0x0  }
0x68: {  	[sflag:s0] =	ssyncadd.s32 $0xFFFFFC00  }
0x69: {  	_ =	swait.ge [sflag:s26], $0x4000  }
0x6a: {  	p0 =	seq.s32 s14, $0x1300;
	[sflag:s26] =	ssyncset.done $0x0  }
0x6b: {  	s6 =	sadd.s32 @!p0 s14, s13;
	[sflag:s26] =	ssyncadd.s32 $0xFFFFC000  }
0x6c: {  	[tilespmem:s19], [sflag:$0x1] =	stream.indirect.gather [spmem:s3], $0x40, s20, s18, $0xb8;
	[tilespmem:$0x1CC00] =	vst v63  }
0x6d: {  	s15 =	simm.s32 @!p0 $0x0;
	s6 =	sadd.s32 @!p0 $0x100, s6  }
0x6e: {  	[tilespmem:s15], [sflag:$0x5] =	stream.linear.gather @!p0 [hbm4b:s6+s15], $0x400, $0x38;
	[tilespmem:$0x1CC00] =	vst v63  }
0x6f: {  	s6 =	sadd.s32 @!p0 s14, s12  }
0x70: {  	s16 =	simm.s32 @!p0 $0x800;
	s6 =	sadd.s32 @!p0 $0x100, s6  }
0x71: {  	[tilespmem:s16], [sflag:$0x5] =	stream.linear.gather @!p0 [hbm4b:s6+s15], $0x400, $0x38;
	[tilespmem:$0x1CC00] =	vst v63  }
0x72: {  	_ =	swait.ge [sflag:s22], $0x4000  }
0x73: {  	[sflag:s22] =	ssyncset.done $0x0  }
0x74: {  	[sflag:s22] =	ssyncadd.s32 $0xFFFFC000  }
0x75: {  	[spmem:s2] =	stream.indirect.scatter.add.f32 [tilespmem:s19], [sflag:$0x3], $0x40, s21, s18, $0xb8;
	[tilespmem:$0x1CC00] =	vst v63  }
0x76: {  	_ =	swait.ge [sflag:s30], $0x4000  }
0x77: {  	[sflag:s30] =	ssyncset.done $0x0  }
0x78: {  	[sflag:s30] =	ssyncadd.s32 $0xFFFFC000  }
0x79: {  	[tilespmem:s23], [sflag:$0x2] =	stream.indirect.gather [spmem:s3], $0x40, s5, s18, $0xb8;
	[tilespmem:$0x1CC00] =	vst v63  }
0x7a: {  	_ =	swait.ge [sflag:s24], $0x4000  }
0x7b: {  	[sflag:s24] =	ssyncset.done $0x0  }
0x7c: {  	[sflag:s24] =	ssyncadd.s32 $0xFFFFC000  }
0x7d: {  	[spmem:s2] =	stream.indirect.scatter.add.f32 [tilespmem:s23], [sflag:$0x4], $0x40, s7, s18, $0xb8;
	[tilespmem:$0x1CC00] =	vst v63  }
0x7e: {  	_ =	swait.ge [sflag:s26], $0x4000  }
0x7f: {  	[sflag:s26] =	ssyncset.done $0x0  }
0x80: {  	[sflag:s26] =	ssyncadd.s32 $0xFFFFC000  }
0x81: {  	[tilespmem:s19], [sflag:$0x1] =	stream.indirect.gather [spmem:s3], $0x40, s8, s18, $0xb8;
	[tilespmem:$0x1CC00] =	vst v63  }
0x82: {  	_ =	swait.ge [sflag:s22], $0x4000  }
0x83: {  	[sflag:s22] =	ssyncset.done $0x0  }
0x84: {  	[sflag:s22] =	ssyncadd.s32 $0xFFFFC000  }
0x85: {  	[spmem:s2] =	stream.indirect.scatter.add.f32 [tilespmem:s19], [sflag:$0x3], $0x40, s9, s18, $0xb8;
	[tilespmem:$0x1CC00] =	vst v63  }
0x86: {  	_ =	swait.ge [sflag:s30], $0x4000  }
0x87: {  	[sflag:s30] =	ssyncset.done $0x0  }
0x88: {  	[sflag:s30] =	ssyncadd.s32 $0xFFFFC000  }
0x89: {  	[tilespmem:s23], [sflag:$0x2] =	stream.indirect.gather [spmem:s3], $0x40, s10, s18, $0xb8;
	[tilespmem:$0x1CC00] =	vst v63  }
.Ltmp2:
0x8a: {  	_ = 	snop;
	(pc) =	sbr.rel @p0 .LBB2_4-.Ltmp2, $4  }
0x8b: {  	_ =	swait.ge [sflag:s24], $0x4000  }
0x8c: {  	[sflag:s24] =	ssyncset.done $0x0  }
0x8d: {  	[sflag:s24] =	ssyncadd.s32 $0xFFFFC000  }
0x8e: {  	[spmem:s2] =	stream.indirect.scatter.add.f32 [tilespmem:s23], [sflag:$0x4], $0x40, s11, s18, $0xb8;
	[tilespmem:$0x1CC00] =	vst v63  }
0x8f: {  	_ =	swait.ge [sflag:s0], $0x400  }
0x90: {  	[sflag:s0] =	ssyncset.done $0x0  }
0x91: {  	[sflag:s0] =	ssyncadd.s32 $0xFFFFFC00  }
0x92: {  	_ =	swait.ge [sflag:s0], $0x400  }
0x93: {  	[sflag:s0] =	ssyncset.done $0x0  }
.Ltmp3:
0x94: {  	[sflag:s0] =	ssyncadd.s32 $0xFFFFFC00;
	(pc) =	sbr.rel .LBB2_2-.Ltmp3, $4  }
0x95: {  	_ =	swait.ge [sflag:s26], $0x4000  }
0x96: {  	[sflag:s26] =	ssyncset.done $0x0  }
0x97: {  	s14 =	sadd.s32 $0x100, s14;
	[sflag:s26] =	ssyncadd.s32 $0xFFFFC000  }
0x98: {  	[tilespmem:s19], [sflag:$0x1] =	stream.indirect.gather [spmem:s3], $0x40, s4, s18, $0xb8;
	[tilespmem:$0x1CC00] =	vst v63  }
.LBB2_5:
0x99: {  	_ =	sfence.sel $0x180000  }
0x9a: {  	[bflag:$0x0] =	sbarrier.arrive $0xFFFF  }
0x9b: {  	_ =	strace $0x9000004A  }
0x9c: {  	s0 =	stileid.u32;
	[bflag:$0x2] =	sbarrier.arrive $0xFFFF  }
0x9d: {  	p0 =	sne.s32 s0, $0x0;
	s0 =	rddreg [dreg:$0x4]  }
0x9e: {  	s0 =	sadd.s32 @!p0 $0x100000, s0  }
0x9f: {  	[sflag:s0] =	ssyncadd.tile.s32 @!p0 $0x1;
	_ =	shalt  }
.Lfunc_end2:
_tile_overlayer_lowered:
.L_overlay_start_2:
0xa0: {  	(tag) =	ssettag $0x2  }
0xa1: {  	s0 =	rddreg [dreg:$0x0];
	s2 =	stileid.u32  }
0xa2: {  	s1 =	rddreg [dreg:$0x1];
	p0 =	sne.s32 s2, $0x0  }
0xa3: {  	s3 =	rddreg [dreg:$0x2];
	[bflag:$0x3] =	sbarrier.arrive $0xFFFF;
	s2 =	simm.s32 @!p0 $0x1C06  }
0xa4: {  	[timem:s3], [sflag:s2] =	dma.local @!p0 [hbm:s0], s1  }
0xa5: {  	s0 =	simm.s32 @!p0 $0x6  }
0xa6: {  	_ =	swait.ge @!p0 [sflag:s0], s1  }
0xa7: {  	s1 =	ssub.s32 @!p0 $0x0, s1;
	[sflag:s0] =	ssyncset.done @!p0 $0x0  }
0xa8: {  	[sflag:s0] =	ssyncadd.s32 @!p0 s1  }
0xa9: {  	[bflag:$0x3] =	sbarrier.arrive $0xFFFF  }
0xaa: {  	_ =	shalt  }

// kernel: run.14.cloned.1.call-start
scs
__scs_entry_jumppad:
0x0: {  	(pc) =	sbr.rel $0x88, $3  }
0x1: {  	(tag) =	ssettag $0x0;
	lr =	simm.s32 $0x1  }
0x2: {  	[smem:$0x3F9B] =	sst lr;
	_ =	strace $0xD0000000  }
0x3: {  	_ = 	snop  }
0x4: {  	_ = 	snop  }
0x5: {  	_ = 	snop  }
0x6: {  	_ = 	snop  }
0x7: {  	_ = 	snop  }
__scs_overlays_trampoline_lowered:
0x8: {  	[smem:$0x3FAA] =	sst s0  }
0x9: {  	[smem:$0x3FAB] =	sst s1  }
0xa: {  	[smem:$0x3FAC] =	sst s2  }
0xb: {  	[smem:$0x3FAD] =	sst s3  }
0xc: {  	[smem:$0x3FAE] =	sst s4  }
0xd: {  	[smem:$0x3FAF] =	sst s5  }
0xe: {  	[smem:$0x3FB0] =	sst s6  }
0xf: {  	[smem:$0x3FB1] =	sst s7  }
0x10: {  	[smem:$0x3FB2] =	sst s8  }
0x11: {  	[smem:$0x3FB3] =	sst s9;
	s0 =	simm.s32 @!p0 $0x0  }
0x12: {  	s1 =	sld [smem:$0x3F99];
	s0 =	simm.s32 @p0 $0x1  }
0x13: {  	[smem:$0x3FB4] =	sst s0;
	s0 =	simm.s32 @!p1 $0x0  }
0x14: {  	s2 =	sld [smem:$0x3F98];
	s0 =	simm.s32 @p1 $0x1  }
0x15: {  	[smem:$0x3FB5] =	sst s0;
	s0 =	simm.s32 @!p2 $0x0  }
0x16: {  	s3 =	sld [smem:$0x3FDB];
	s0 =	simm.s32 @p2 $0x1  }
0x17: {  	s4 =	simm.s32 $0x1BF5;
	[smem:$0x3FB7] =	sst s0  }
0x18: {  	s0 =	sld [smem:$0x3F9A];
	_ =	swait.ge [sflag:s4], $0x0  }
0x19: {  	s7 =	sld [smem:$0x3F9B]  }
0x1a: {  	s8 =	sadd.s32 $0xFFFFE003, lr  }
0x1b: {  	s9 =	sadd.s32 $0xFFFFFEF7, lr;
	s5 =	simm.s32 $0xFFFFFFFF;
	p2 =	slt.u32 s8, $0xFFFFF086  }
0x1c: {  	p1 =	slt.u32 s9, $0xF7A;
	s5 =	simm.s32 @!p2 $0x0  }
0x1d: {  	s5 =	simm.s32 @p1 $0x1;
	p0 =	seq.s32 s7, s2  }
0x1e: {  	s7 =	smul.u32 @!p0 $0xF7A, s2;
	p2 =	seq.s32 @!p0 s5, $0x0  }
0x1f: {  	s9 =	smul.u32 $0xF7A, s1;
	s8 =	simm.s32 @!p0 $0x1BF5;
	p2 =	por !p2, p0  }
0x20: {  	[sflag:s8] =	ssyncset.s32 @!p0 $0xFFFFF086;
	s6 =	sadd.s32 @!p0 s3, s7;
	s7 =	simm.s32 @!p0 $0x108  }
0x21: {  	s3 =	sadd.s32 s3, s9;
	s6 =	sadd.s32 @!p0 $0x88, s6;
	s7 =	simm.s32 @p2 $0x1082  }
0x22: {  	[simem:s7], [sflag:s8] =	dma.local @!p0 [hbm:s6], $0xF7A  }
0x23: {  	s9 =	sor.u32 $0xD0000000, s2;
	s6 =	simm.s32 $0x108;
	_ =	swait.ge @!p0 [sflag:s8], $0x0  }
0x24: {  	s3 =	sadd.s32 $0x88, s3;
	s6 =	simm.s32 @!p1 $0x1082;
	[sflag:s4] =	ssyncset.s32 $0xFFFFF086  }
0x25: {  	[simem:s6], [sflag:s4] =	dma.local [hbm:s3], $0xF7A  }
0x26: {  	[smem:$0x3F9B] =	sst s1;
	(tag) =	ssettag s2;
	_ =	strace s9  }
0x27: {  	s1 =	sld [smem:$0x3FAB]  }
0x28: {  	s2 =	sld [smem:$0x3FAC]  }
0x29: {  	s4 =	sld [smem:$0x3FAE]  }
0x2a: {  	p0 =	seq.s32 s5, $0x0;
	s5 =	sld [smem:$0x3FAF]  }
0x2b: {  	s6 =	sld [smem:$0x3FB0]  }
0x2c: {  	s7 =	sld [smem:$0x3FB1]  }
0x2d: {  	s3 =	simm.s32 $0x108;
	s8 =	sld [smem:$0x3FB2]  }
0x2e: {  	s3 =	simm.s32 @!p0 $0x1082;
	s9 =	sld [smem:$0x3FB3]  }
0x2f: {  	lr =	sadd.s32 s0, s3;
	s0 =	sld [smem:$0x3FAA]  }
0x30: {  	s3 =	sld [smem:$0x3FAD]  }
0x31: {  	[smem:$0x3FB6] =	sst s10  }
0x32: {  	s10 =	sld [smem:$0x3FB4];
	_ =	sdelay $0x3  }
0x33: {  	p0 =	seq.s32 s10, $0x1;
	s10 =	sld [smem:$0x3FB6];
	_ =	sdelay $0x3  }
0x34: {  	[smem:$0x3FB6] =	sst s10  }
0x35: {  	s10 =	sld [smem:$0x3FB5];
	_ =	sdelay $0x3  }
0x36: {  	p1 =	seq.s32 s10, $0x1;
	s10 =	sld [smem:$0x3FB6];
	_ =	sdelay $0x3  }
0x37: {  	[smem:$0x3FB6] =	sst s10  }
0x38: {  	s10 =	sld [smem:$0x3FB7]  }
0x39: {  	_ = 	snop;
	(pc) =	sbr.ind lr, $3  }
0x3a: {  	_ = 	snop  }
0x3b: {  	_ = 	snop  }
0x3c: {  	p2 =	seq.s32 s10, $0x1;
	s10 =	sld [smem:$0x3FB6]  }
0x3d: {  	_ =	shalt  }
0x3e: {  	_ =	shalt  }
0x3f: {  	_ =	shalt  }
0x40: {  	_ =	shalt  }
0x41: {  	_ =	shalt  }
0x42: {  	_ =	shalt  }
0x43: {  	_ =	shalt  }
0x44: {  	_ =	shalt  }
0x45: {  	_ =	shalt  }
0x46: {  	_ =	shalt  }
0x47: {  	_ =	shalt  }
0x48: {  	_ =	shalt  }
0x49: {  	_ =	shalt  }
0x4a: {  	_ =	shalt  }
0x4b: {  	_ =	shalt  }
0x4c: {  	_ =	shalt  }
0x4d: {  	_ =	shalt  }
0x4e: {  	_ =	shalt  }
0x4f: {  	_ =	shalt  }
0x50: {  	_ =	shalt  }
0x51: {  	_ =	shalt  }
0x52: {  	_ =	shalt  }
0x53: {  	_ =	shalt  }
0x54: {  	_ =	shalt  }
0x55: {  	_ =	shalt  }
0x56: {  	_ =	shalt  }
0x57: {  	_ =	shalt  }
0x58: {  	_ =	shalt  }
0x59: {  	_ =	shalt  }
0x5a: {  	_ =	shalt  }
0x5b: {  	_ =	shalt  }
0x5c: {  	_ =	shalt  }
0x5d: {  	_ =	shalt  }
0x5e: {  	_ =	shalt  }
0x5f: {  	_ =	shalt  }
0x60: {  	_ =	shalt  }
0x61: {  	_ =	shalt  }
0x62: {  	_ =	shalt  }
0x63: {  	_ =	shalt  }
0x64: {  	_ =	shalt  }
0x65: {  	_ =	shalt  }
0x66: {  	_ =	shalt  }
0x67: {  	_ =	shalt  }
0x68: {  	_ =	shalt  }
0x69: {  	_ =	shalt  }
0x6a: {  	_ =	shalt  }
0x6b: {  	_ =	shalt  }
0x6c: {  	_ =	shalt  }
0x6d: {  	_ =	shalt  }
0x6e: {  	_ =	shalt  }
0x6f: {  	_ =	shalt  }
0x70: {  	_ =	shalt  }
0x71: {  	_ =	shalt  }
0x72: {  	_ =	shalt  }
0x73: {  	_ =	shalt  }
0x74: {  	_ =	shalt  }
0x75: {  	_ =	shalt  }
0x76: {  	_ =	shalt  }
0x77: {  	_ =	shalt  }
0x78: {  	_ =	shalt  }
0x79: {  	_ =	shalt  }
0x7a: {  	_ =	shalt  }
0x7b: {  	_ =	shalt  }
0x7c: {  	_ =	shalt  }
0x7d: {  	_ =	shalt  }
0x7e: {  	_ =	shalt  }
0x7f: {  	_ =	shalt  }
0x80: {  	_ =	shalt  }
0x81: {  	_ =	shalt  }
0x82: {  	_ =	shalt  }
0x83: {  	_ =	shalt  }
0x84: {  	_ =	shalt  }
0x85: {  	_ =	shalt  }
0x86: {  	_ =	shalt  }
0x87: {  	_ =	shalt  }
.Lfunc_end0:
.L_simem_size_0:
called_computation.2_lowered:
.L_overlay_start_0:
0x88: {  	s2 =	sld [smem:$0x3FD9]  }
0x89: {  	s3 =	sld [smem:$0x3FFE];
	_ =	sdelay $0x1  }
0x8a: {  	s1 =	srdreg.scid  }
0x8b: {  	s0 =	sand.u32 $0x1, s1  }
0x8c: {  	s17 =	sshll.u32 s0, $0xA;
	s2 =	sadd.s32 s3, s2  }
0x8d: {  	s2 =	sadd.s32 s2, s17  }
0x8e: {  	[smem:$0x3FC2] =	sst s2  }
0x8f: {  	_ = 	snop  }
0x90: {  	s2 =	sld [smem:$0x3FD0];
	(tm) =	ssettm $0x1  }
0x91: {  	s18 =	sld [smem:$0x3FFB];
	_ =	sdelay $0x3  }
0x92: {  	_ =	strace s18  }
0x93: {  	s3 =	sld [smem:$0x3FFC];
	_ =	sdelay $0x3  }
0x94: {  	_ =	strace s3  }
0x95: {  	s3 =	sld [smem:$0x3FFD];
	_ =	sdelay $0x3  }
0x96: {  	_ =	strace s3  }
0x97: {  	_ =	strace $0x8FFFFFFF  }
0x98: {  	s19 =	sld [smem:$0x3FDB];
	_ =	sdelay $0x1  }
0x99: {  	s4 =	simm.s32 $_scs_section_size  }
0x9a: {  	s5 =	simm.s32 $_size__tile_overlayer_lowered;
	s6 =	simm.s32 $_tile_overlayer_lowered  }
0x9b: {  	s22 =	simm.s32 $0x1BFF;
	s21 =	sshll.u32 s6, $0x1;
	s3 =	sadd.s32 s4, s19  }
0x9c: {  	s7 =	simm.s32 $0x0;
	s20 =	sshll.u32 s5, $0x1;
	s5 =	sadd.s32 s21, s3  }
0x9d: {  	[timem:s7], [sflag:s22] =	dma.local [hbm:s5], s20  }
0x9e: {  	_ =	swait.ge [sflag:s22], s20  }
0x9f: {  	s4 =	ssub.s32 $0x0, s20;
	[sflag:s22] =	ssyncset.done $0x0  }
0xa0: {  	[sflag:s22] =	ssyncadd.s32 s4;
	_ =	sdelay $0x1  }
0xa1: {  	s23 =	simm.s32 $0x1B8B  }
0xa2: {  	_ =	swait.ge [sflag:s23], $0x1  }
0xa3: {  	[sflag:s23] =	ssyncset.done $0x0  }
0xa4: {  	s25 =	simm.s32 $0x1B8E;
	s24 =	sld [smem:$0x3FFE];
	[sflag:s23] =	ssyncadd.s32 $0xFFFFFFFF  }
0xa5: {  	s26 =	simm.s32 $execute0_lowered;
	[smem:$0x3FD2] =	sst s25  }
0xa6: {  	s5 =	sshll.u32 s26, $0x1;
	_ =	strace $0x8000004C;
	[dreg:$0x1] =	wrdreg $0xFFFFFFFF  }
0xa7: {  	s28 =	simm.s32 $_size_execute0_lowered;
	s3 =	sadd.s32 s3, s5;
	[dreg:$0x0] =	wrdreg $0x0  }
0xa8: {  	s5 =	sshll.u32 s28, $0x1;
	[dreg:$0x2] =	wrdreg s3  }
0xa9: {  	[dreg:$0x3] =	wrdreg s5  }
0xaa: {  	[dreg:$0x4] =	wrdreg $0xC0  }
0xab: {  	_ =	task [dreg:s7], $0x5FFFF  }
0xac: {  	[dreg:$0x1] =	wrdreg $0xFFFFFFFF  }
0xad: {  	[dreg:$0x0] =	wrdreg $0x60  }
0xae: {  	[dreg:$0x2] =	wrdreg s24  }
0xaf: {  	[dreg:$0x3] =	wrdreg s2  }
0xb0: {  	[dreg:$0x4] =	wrdreg $0x12E000  }
0xb1: {  	[dreg:$0x5] =	wrdreg $0x90000  }
0xb2: {  	[dreg:$0x6] =	wrdreg $0x9  }
0xb3: {  	_ =	task.clear_ibuf [dreg:s7], $0x7FFFF;
	_ =	strace $0x9000004C  }
0xb4: {  	s29 =	simm.s32 $0x9;
	_ =	strace $0x8000004E  }
0xb5: {  	_ =	swait.ge [sflag:s29], $0x1  }
0xb6: {  	[sflag:s29] =	ssyncadd.s32 $0xFFFFFFFF  }
0xb7: {  	_ =	strace $0x9000004E  }
0xb8: {  	_ =	sfence  }
0xb9: {  	s30 =	sld [smem:$0x0];
	_ =	sdelay $0x2  }
0xba: {  	s31 =	sshll.u32 s1, $0xD;
	s1 =	sshrl.u32 s1, $0x2  }
0xbb: {  	s3 =	sand.u32 $0x4000, s31;
	s1 =	sadd.s32 s1, s30  }
0xbc: {  	s0 =	sor.u32 s3, s0;
	s1 =	sshll.u32 s1, $0x11  }
0xbd: {  	s0 =	sor.u32 s1, s0  }
0xbe: {  	s0 =	sadd.s32 $0x8F2B, s0  }
0xbf: {  	[sflag:s0] =	ssyncadd.remote.s32 $0x1  }
0xc0: {  	_ =	sfence.sel $0xFFFF  }
0xc1: {  	[dreg:$0x0] =	wrdreg $0xFFFFFFFF;
	(pc) =	sbr.abs _section_cstart, $3  }
0xc2: {  	[dreg:$0x1] =	wrdreg $0xFFFFFFFF  }
0xc3: {  	_ =	task.clear_ibuf [dreg:s7], $0x2FFFF;
	_ =	strace $0x9FFFFFFF  }
0xc4: {  	(tm) =	ssettm $0x7FFFFFFF  }
0xc5: {  	_ =	shalt  }
tec
execute0_lowered:
.L_overlay_start_1:
0x0: {  	(tag) =	ssettag $0x1  }
0x1: {  	s0 =	rddreg [dreg:$0x0]  }
0x2: {  	s1 =	rddreg [dreg:$0x1]  }
0x3: {  	s2 =	rddreg [dreg:$0x2];
	s12 =	stileid.u32  }
0x4: {  	s4 =	srdreg.scid;
	s3 =	rddreg [dreg:$0x3];
	s16 =	simm.s32 $0x6  }
0x5: {  	s17 =	simm.s32 $0x800;
	s28 =	simm.s32 $0x200;
	s29 =	simm.s32 $0xA00  }
0x6: {  	s30 =	simm.s32 $0x4;
	s31 =	simm.s32 $0x300;
	s5 =	smul.u32 $0x9E00, s12  }
0x7: {  	s6 =	sand.u32 $0x1, s4;
	s4 =	simm.s32 $0x0;
	s10 =	smul.u32 $0xA000, s12  }
0x8: {  	s8 =	sadd.s32 $0x11200, s0;
	s19 =	sshll.u32 s12, $0x6;
	s21 =	smul.u32 $0x1400, s12  }
0x9: {  	s7 =	smul.u32 $0x9E000, s6;
	[smem:$0x7FF] =	sst s4;
	s6 =	ssub.s32 $0x2, s6  }
0xa: {  	s14 =	sor.u32 $0x1C06, s19;
	s19 =	simm.s32 $0x1000;
	_ =	strace $0x8000004D  }
0xb: {  	s9 =	sshrl.u32 s5, $0x3;
	s18 =	sshrl.u32 s6, $0x1;
	s11 =	sadd.s32 s5, s2  }
0xc: {  	s20 =	sshrl.u32 s10, $0x3;
	s12 =	sadd.s32 s21, s1;
	s13 =	sadd.s32 s21, s8  }
0xd: {  	s21 =	simm.s32 $0xC00;
	s10 =	simm.s32 $0x700;
	[dreg:$0x6] =	wrdreg s14  }
0xe: {  	s7 =	sadd.s32 s5, s7;
	s9 =	sadd.s32 s9, s0;
	s5 =	sadd.s32 s5, s3  }
0xf: {  	s23 =	sadd.s32 s8, s20;
	s24 =	sadd.s32 s1, s20;
	s15 =	sshrl.u32 s11, $0x3  }
0x10: {  	s20 =	simm.s32 $0x400;
	s1 =	simm.s32 $0xB00;
	s8 =	simm.s32 $0x600  }
0x11: {  	s11 =	simm.s32 $0xF00;
	s7 =	sshrl.u32 s7, $0x3;
	[dreg:$0x8] =	wrdreg s23  }
0x12: {  	s9 =	sadd.s32 $0x9BA00, s9;
	[dreg:$0x9] =	wrdreg s24;
	s26 =	sshrl.u32 s5, $0x3  }
0x13: {  	s23 =	simm.s32 $0x5000;
	s24 =	simm.s32 $0x2;
	[dreg:$0xc] =	wrdreg s15  }
0x14: {  	s5 =	simm.s32 $0x500;
	s0 =	sadd.s32 s7, s0;
	[dreg:$0x5] =	wrdreg s9  }
0x15: {  	s7 =	ssub.s32 s6, s18;
	[dreg:$0xd] =	wrdreg s26;
	s6 =	simm.s32 $0x0  }
.Ltmp0:
0x16: {  	s22 =	sadd.s32 $0x74200, s0;
	[dreg:$0xe] =	wrdreg s6;
	(pc) =	sbr.rel .LBB2_1-.Ltmp0, $4  }
0x17: {  	s18 =	simm.s32 $0x100;
	s0 =	sadd.s32 $0xAF600, s0;
	[dreg:$0x7] =	wrdreg s22  }
0x18: {  	s26 =	simm.s32 $0x3;
	s25 =	smax.u32 s7, $0x1;
	[dreg:$0xa] =	wrdreg s0  }
0x19: {  	s9 =	simm.s32 $0xE00;
	s7 =	simm.s32 $0xD00;
	[dreg:$0xb] =	wrdreg s25  }
0x1a: {  	s22 =	simm.s32 $0x1;
	s25 =	simm.s32 $0x900;
	s0 =	simm.s32 $0x5  }
.LBB2_4:
0x1b: {  	_ =	swait.ge [sflag:s26], $0x4000  }
0x1c: {  	[sflag:s26] =	ssyncset.done $0x0  }
0x1d: {  	[sflag:s26] =	ssyncadd.s32 $0xFFFFC000  }
0x1e: {  	_ =	swait.ge [sflag:s30], $0x4000  }
0x1f: {  	[sflag:s30] =	ssyncset.done $0x0  }
0x20: {  	[sflag:s30] =	ssyncadd.s32 $0xFFFFC000  }
0x21: {  	[bflag:$0x0] =	sbarrier.arrive $0xFFFF  }
0x22: {  	s14 =	rddreg [dreg:$0x6]  }
0x23: {  	s6 =	rddreg [dreg:$0xa]  }
0x24: {  	s16 =	simm.s32 $0x6;
	s15 =	rddreg [dreg:$0xc]  }
0x25: {  	[hbm:s6], [sflag:s14] =	dma.local [spmem:s15], $0x13C0  }
0x26: {  	_ =	swait.ge [sflag:s16], $0x13C0  }
0x27: {  	s17 =	rddreg [dreg:$0xe]  }
0x28: {  	s6 =	rddreg [dreg:$0xb];
	s17 =	sadd.s32 $0x1, s17  }
0x29: {  	p0 =	sne.s32 s17, s6  }
.Ltmp1:
0x2a: {  	_ = 	snop;
	(pc) =	sbr.rel @!p0 .LBB2_5-.Ltmp1, $3  }
0x2b: {  	_ =	sdelay $0x1  }
0x2c: {  	[sflag:s16] =	ssyncset.done $0x0  }
0x2d: {  	[sflag:s16] =	ssyncadd.s32 $0xFFFFEC40;
	[dreg:$0xe] =	wrdreg s17;
	s17 =	simm.s32 $0x800  }
.LBB2_1:
0x2e: {  	s6 =	rddreg [dreg:$0x5]  }
0x2f: {  	[spmem:s15], [sflag:s14] =	dma.local [hbm:s6], $0x13C0  }
0x30: {  	_ =	swait.ge [sflag:s16], $0x13C0  }
0x31: {  	[sflag:s16] =	ssyncset.done $0x0;
	s6 =	rddreg [dreg:$0x7]  }
0x32: {  	s15 =	rddreg [dreg:$0xd];
	[sflag:s16] =	ssyncadd.s32 $0xFFFFEC40  }
0x33: {  	[spmem:s15], [sflag:s14] =	dma.local [hbm:s6], $0x13C0  }
0x34: {  	_ =	swait.ge [sflag:s16], $0x13C0  }
0x35: {  	[sflag:s16] =	ssyncset.done $0x0  }
0x36: {  	[sflag:s16] =	ssyncadd.s32 $0xFFFFEC40  }
0x37: {  	[bflag:$0x0] =	sbarrier.arrive $0xFFFF  }
0x38: {  	s14 =	rddreg [dreg:$0x8]  }
0x39: {  	[tilespmem:s4], [sflag:$0x6] =	stream.linear.gather [hbm4b:s14+s4], $0x400, $0x38;
	[tilespmem:$0x1CC00] =	vst v63  }
0x3a: {  	_ =	swait.ge [sflag:s16], $0x400  }
0x3b: {  	[sflag:s16] =	ssyncset.done $0x0  }
0x3c: {  	s15 =	rddreg [dreg:$0x9];
	[sflag:s16] =	ssyncadd.s32 $0xFFFFFC00  }
0x3d: {  	[tilespmem:s17], [sflag:$0x6] =	stream.linear.gather [hbm4b:s15+s4], $0x400, $0x38;
	[tilespmem:$0x1CC00] =	vst v63  }
0x3e: {  	_ =	swait.ge [sflag:s16], $0x400  }
0x3f: {  	[sflag:s16] =	ssyncset.done $0x0  }
0x40: {  	s14 =	simm.s32 $0x0;
	[sflag:s16] =	ssyncadd.s32 $0xFFFFFC00  }
0x41: {  	[tilespmem:s19], [sflag:$0x1] =	stream.indirect.gather [spmem:s3], $0x40, s4, s18, $0xb8;
	[tilespmem:$0x1CC00] =	vst v63  }
.LBB2_2:
0x42: {  	s6 =	sadd.s32 s14, s13  }
0x43: {  	s16 =	sadd.s32 s14, s12;
	s6 =	sadd.s32 $0x80, s6  }
0x44: {  	[tilespmem:s20], [sflag:$0x5] =	stream.linear.gather [hbm4b:s6+s4], $0x400, $0x38;
	[tilespmem:$0x1CC00] =	vst v63  }
0x45: {  	s6 =	sadd.s32 $0x80, s16  }
0x46: {  	[tilespmem:s21], [sflag:$0x5] =	stream.linear.gather [hbm4b:s6+s4], $0x400, $0x38;
	[tilespmem:$0x1CC00] =	vst v63  }
0x47: {  	_ =	swait.ge [sflag:s22], $0x4000  }
0x48: {  	p0 =	seq.s32 s14, $0x0;
	[sflag:s22] =	ssyncset.done $0x0  }
0x49: {  	s6 =	simm.s32 @!p0 $0x4;
	[sflag:s22] =	ssyncadd.s32 $0xFFFFC000  }
0x4a: {  	[spmem:s2] =	stream.indirect.scatter.add.f32 [tilespmem:s19], [sflag:$0x3], $0x40, s17, s18, $0xb8;
	[tilespmem:$0x1CC00] =	vst v63  }
0x4b: {  	_ =	swait.ge @!p0 [sflag:s6], $0x4000  }
0x4c: {  	[sflag:s6] =	ssyncset.done @!p0 $0x0  }
0x4d: {  	[sflag:s6] =	ssyncadd.s32 @!p0 $0xFFFFC000  }
0x4e: {  	[tilespmem:s23], [sflag:$0x2] =	stream.indirect.gather [spmem:s3], $0x40, s18, s18, $0xb8;
	[tilespmem:$0x1CC00] =	vst v63  }
0x4f: {  	_ =	swait.ge [sflag:s24], $0x4000  }
0x50: {  	[sflag:s24] =	ssyncset.done $0x0  }
0x51: {  	[sflag:s24] =	ssyncadd.s32 $0xFFFFC000  }
0x52: {  	[spmem:s2] =	stream.indirect.scatter.add.f32 [tilespmem:s23], [sflag:$0x4], $0x40, s25, s18, $0xb8;
	[tilespmem:$0x1CC00] =	vst v63  }
0x53: {  	_ =	swait.ge [sflag:s26], $0x4000  }
0x54: {  	[sflag:s26] =	ssyncset.done $0x0  }
0x55: {  	[sflag:s26] =	ssyncadd.s32 $0xFFFFC000  }
0x56: {  	[tilespmem:s19], [sflag:$0x1] =	stream.indirect.gather [spmem:s3], $0x40, s28, s18, $0xb8;
	[tilespmem:$0x1CC00] =	vst v63  }
0x57: {  	_ =	swait.ge [sflag:s22], $0x4000  }
0x58: {  	[sflag:s22] =	ssyncset.done $0x0  }
0x59: {  	[sflag:s22] =	ssyncadd.s32 $0xFFFFC000  }
0x5a: {  	[spmem:s2] =	stream.indirect.scatter.add.f32 [tilespmem:s19], [sflag:$0x3], $0x40, s29, s18, $0xb8;
	[tilespmem:$0x1CC00] =	vst v63  }
0x5b: {  	_ =	swait.ge [sflag:s30], $0x4000  }
0x5c: {  	[sflag:s30] =	ssyncset.done $0x0  }
0x5d: {  	[sflag:s30] =	ssyncadd.s32 $0xFFFFC000  }
0x5e: {  	[tilespmem:s23], [sflag:$0x2] =	stream.indirect.gather [spmem:s3], $0x40, s31, s18, $0xb8;
	[tilespmem:$0x1CC00] =	vst v63  }
0x5f: {  	_ =	swait.ge [sflag:s24], $0x4000  }
0x60: {  	[sflag:s24] =	ssyncset.done $0x0  }
0x61: {  	[sflag:s24] =	ssyncadd.s32 $0xFFFFC000  }
0x62: {  	[spmem:s2] =	stream.indirect.scatter.add.f32 [tilespmem:s23], [sflag:$0x4], $0x40, s1, s18, $0xb8;
	[tilespmem:$0x1CC00] =	vst v63  }
0x63: {  	_ =	swait.ge [sflag:s0], $0x400  }
0x64: {  	[sflag:s0] =	ssyncset.done $0x0  }
0x65: {  	[sflag:s0] =	ssyncadd.s32 $0xFFFFFC00  }
0x66: {  	_ =	swait.ge [sflag:s0], $0x400  }
0x67: {  	[sflag:s0] =	ssyncset.done $0x0  }
0x68: {  	[sflag:s0] =	ssyncadd.s32 $0xFFFFFC00  }
0x69: {  	_ =	swait.ge [sflag:s26], $0x4000  }
0x6a: {  	p0 =	seq.s32 s14, $0x1300;
	[sflag:s26] =	ssyncset.done $0x0  }
0x6b: {  	s6 =	sadd.s32 @!p0 s14, s13;
	[sflag:s26] =	ssyncadd.s32 $0xFFFFC000  }
0x6c: {  	[tilespmem:s19], [sflag:$0x1] =	stream.indirect.gather [spmem:s3], $0x40, s20, s18, $0xb8;
	[tilespmem:$0x1CC00] =	vst v63  }
0x6d: {  	s15 =	simm.s32 @!p0 $0x0;
	s6 =	sadd.s32 @!p0 $0x100, s6  }
0x6e: {  	[tilespmem:s15], [sflag:$0x5] =	stream.linear.gather @!p0 [hbm4b:s6+s15], $0x400, $0x38;
	[tilespmem:$0x1CC00] =	vst v63  }
0x6f: {  	s6 =	sadd.s32 @!p0 s14, s12  }
0x70: {  	s16 =	simm.s32 @!p0 $0x800;
	s6 =	sadd.s32 @!p0 $0x100, s6  }
0x71: {  	[tilespmem:s16], [sflag:$0x5] =	stream.linear.gather @!p0 [hbm4b:s6+s15], $0x400, $0x38;
	[tilespmem:$0x1CC00] =	vst v63  }
0x72: {  	_ =	swait.ge [sflag:s22], $0x4000  }
0x73: {  	[sflag:s22] =	ssyncset.done $0x0  }
0x74: {  	[sflag:s22] =	ssyncadd.s32 $0xFFFFC000  }
0x75: {  	[spmem:s2] =	stream.indirect.scatter.add.f32 [tilespmem:s19], [sflag:$0x3], $0x40, s21, s18, $0xb8;
	[tilespmem:$0x1CC00] =	vst v63  }
0x76: {  	_ =	swait.ge [sflag:s30], $0x4000  }
0x77: {  	[sflag:s30] =	ssyncset.done $0x0  }
0x78: {  	[sflag:s30] =	ssyncadd.s32 $0xFFFFC000  }
0x79: {  	[tilespmem:s23], [sflag:$0x2] =	stream.indirect.gather [spmem:s3], $0x40, s5, s18, $0xb8;
	[tilespmem:$0x1CC00] =	vst v63  }
0x7a: {  	_ =	swait.ge [sflag:s24], $0x4000  }
0x7b: {  	[sflag:s24] =	ssyncset.done $0x0  }
0x7c: {  	[sflag:s24] =	ssyncadd.s32 $0xFFFFC000  }
0x7d: {  	[spmem:s2] =	stream.indirect.scatter.add.f32 [tilespmem:s23], [sflag:$0x4], $0x40, s7, s18, $0xb8;
	[tilespmem:$0x1CC00] =	vst v63  }
0x7e: {  	_ =	swait.ge [sflag:s26], $0x4000  }
0x7f: {  	[sflag:s26] =	ssyncset.done $0x0  }
0x80: {  	[sflag:s26] =	ssyncadd.s32 $0xFFFFC000  }
0x81: {  	[tilespmem:s19], [sflag:$0x1] =	stream.indirect.gather [spmem:s3], $0x40, s8, s18, $0xb8;
	[tilespmem:$0x1CC00] =	vst v63  }
0x82: {  	_ =	swait.ge [sflag:s22], $0x4000  }
0x83: {  	[sflag:s22] =	ssyncset.done $0x0  }
0x84: {  	[sflag:s22] =	ssyncadd.s32 $0xFFFFC000  }
0x85: {  	[spmem:s2] =	stream.indirect.scatter.add.f32 [tilespmem:s19], [sflag:$0x3], $0x40, s9, s18, $0xb8;
	[tilespmem:$0x1CC00] =	vst v63  }
0x86: {  	_ =	swait.ge [sflag:s30], $0x4000  }
0x87: {  	[sflag:s30] =	ssyncset.done $0x0  }
0x88: {  	[sflag:s30] =	ssyncadd.s32 $0xFFFFC000  }
0x89: {  	[tilespmem:s23], [sflag:$0x2] =	stream.indirect.gather [spmem:s3], $0x40, s10, s18, $0xb8;
	[tilespmem:$0x1CC00] =	vst v63  }
.Ltmp2:
0x8a: {  	_ = 	snop;
	(pc) =	sbr.rel @p0 .LBB2_4-.Ltmp2, $4  }
0x8b: {  	_ =	swait.ge [sflag:s24], $0x4000  }
0x8c: {  	[sflag:s24] =	ssyncset.done $0x0  }
0x8d: {  	[sflag:s24] =	ssyncadd.s32 $0xFFFFC000  }
0x8e: {  	[spmem:s2] =	stream.indirect.scatter.add.f32 [tilespmem:s23], [sflag:$0x4], $0x40, s11, s18, $0xb8;
	[tilespmem:$0x1CC00] =	vst v63  }
0x8f: {  	_ =	swait.ge [sflag:s0], $0x400  }
0x90: {  	[sflag:s0] =	ssyncset.done $0x0  }
0x91: {  	[sflag:s0] =	ssyncadd.s32 $0xFFFFFC00  }
0x92: {  	_ =	swait.ge [sflag:s0], $0x400  }
0x93: {  	[sflag:s0] =	ssyncset.done $0x0  }
.Ltmp3:
0x94: {  	[sflag:s0] =	ssyncadd.s32 $0xFFFFFC00;
	(pc) =	sbr.rel .LBB2_2-.Ltmp3, $4  }
0x95: {  	_ =	swait.ge [sflag:s26], $0x4000  }
0x96: {  	[sflag:s26] =	ssyncset.done $0x0  }
0x97: {  	s14 =	sadd.s32 $0x100, s14;
	[sflag:s26] =	ssyncadd.s32 $0xFFFFC000  }
0x98: {  	[tilespmem:s19], [sflag:$0x1] =	stream.indirect.gather [spmem:s3], $0x40, s4, s18, $0xb8;
	[tilespmem:$0x1CC00] =	vst v63  }
.LBB2_5:
0x99: {  	_ =	sfence.sel $0x180000  }
0x9a: {  	[bflag:$0x0] =	sbarrier.arrive $0xFFFF  }
0x9b: {  	_ =	strace $0x9000004D  }
0x9c: {  	s0 =	stileid.u32;
	[bflag:$0x2] =	sbarrier.arrive $0xFFFF  }
0x9d: {  	p0 =	sne.s32 s0, $0x0;
	s0 =	rddreg [dreg:$0x4]  }
0x9e: {  	s0 =	sadd.s32 @!p0 $0x100000, s0  }
0x9f: {  	[sflag:s0] =	ssyncadd.tile.s32 @!p0 $0x1;
	_ =	shalt  }
.Lfunc_end2:
_tile_overlayer_lowered:
.L_overlay_start_2:
0xa0: {  	(tag) =	ssettag $0x2  }
0xa1: {  	s0 =	rddreg [dreg:$0x0];
	s2 =	stileid.u32  }
0xa2: {  	s1 =	rddreg [dreg:$0x1];
	p0 =	sne.s32 s2, $0x0  }
0xa3: {  	s3 =	rddreg [dreg:$0x2];
	[bflag:$0x3] =	sbarrier.arrive $0xFFFF;
	s2 =	simm.s32 @!p0 $0x1C06  }
0xa4: {  	[timem:s3], [sflag:s2] =	dma.local @!p0 [hbm:s0], s1  }
0xa5: {  	s0 =	simm.s32 @!p0 $0x6  }
0xa6: {  	_ =	swait.ge @!p0 [sflag:s0], s1  }
0xa7: {  	s1 =	ssub.s32 @!p0 $0x0, s1;
	[sflag:s0] =	ssyncset.done @!p0 $0x0  }
0xa8: {  	[sflag:s0] =	ssyncadd.s32 @!p0 s1  }
0xa9: {  	[bflag:$0x3] =	sbarrier.arrive $0xFFFF  }
0xaa: {  	_ =	shalt  }

// kernel: run.8.cloned.1.call-start
scs
__scs_entry_jumppad:
0x0: {  	(pc) =	sbr.rel $0x88, $3  }
0x1: {  	(tag) =	ssettag $0x0;
	lr =	simm.s32 $0x1  }
0x2: {  	[smem:$0x3F9B] =	sst lr;
	_ =	strace $0xD0000000  }
0x3: {  	_ = 	snop  }
0x4: {  	_ = 	snop  }
0x5: {  	_ = 	snop  }
0x6: {  	_ = 	snop  }
0x7: {  	_ = 	snop  }
__scs_overlays_trampoline_lowered:
0x8: {  	[smem:$0x3FAA] =	sst s0  }
0x9: {  	[smem:$0x3FAB] =	sst s1  }
0xa: {  	[smem:$0x3FAC] =	sst s2  }
0xb: {  	[smem:$0x3FAD] =	sst s3  }
0xc: {  	[smem:$0x3FAE] =	sst s4  }
0xd: {  	[smem:$0x3FAF] =	sst s5  }
0xe: {  	[smem:$0x3FB0] =	sst s6  }
0xf: {  	[smem:$0x3FB1] =	sst s7  }
0x10: {  	[smem:$0x3FB2] =	sst s8  }
0x11: {  	[smem:$0x3FB3] =	sst s9;
	s0 =	simm.s32 @!p0 $0x0  }
0x12: {  	s1 =	sld [smem:$0x3F99];
	s0 =	simm.s32 @p0 $0x1  }
0x13: {  	[smem:$0x3FB4] =	sst s0;
	s0 =	simm.s32 @!p1 $0x0  }
0x14: {  	s2 =	sld [smem:$0x3F98];
	s0 =	simm.s32 @p1 $0x1  }
0x15: {  	[smem:$0x3FB5] =	sst s0;
	s0 =	simm.s32 @!p2 $0x0  }
0x16: {  	s3 =	sld [smem:$0x3FDB];
	s0 =	simm.s32 @p2 $0x1  }
0x17: {  	s4 =	simm.s32 $0x1BF5;
	[smem:$0x3FB7] =	sst s0  }
0x18: {  	s0 =	sld [smem:$0x3F9A];
	_ =	swait.ge [sflag:s4], $0x0  }
0x19: {  	s7 =	sld [smem:$0x3F9B]  }
0x1a: {  	s8 =	sadd.s32 $0xFFFFE003, lr  }
0x1b: {  	s9 =	sadd.s32 $0xFFFFFEF7, lr;
	s5 =	simm.s32 $0xFFFFFFFF;
	p2 =	slt.u32 s8, $0xFFFFF086  }
0x1c: {  	p1 =	slt.u32 s9, $0xF7A;
	s5 =	simm.s32 @!p2 $0x0  }
0x1d: {  	s5 =	simm.s32 @p1 $0x1;
	p0 =	seq.s32 s7, s2  }
0x1e: {  	s7 =	smul.u32 @!p0 $0xF7A, s2;
	p2 =	seq.s32 @!p0 s5, $0x0  }
0x1f: {  	s9 =	smul.u32 $0xF7A, s1;
	s8 =	simm.s32 @!p0 $0x1BF5;
	p2 =	por !p2, p0  }
0x20: {  	[sflag:s8] =	ssyncset.s32 @!p0 $0xFFFFF086;
	s6 =	sadd.s32 @!p0 s3, s7;
	s7 =	simm.s32 @!p0 $0x108  }
0x21: {  	s3 =	sadd.s32 s3, s9;
	s6 =	sadd.s32 @!p0 $0x88, s6;
	s7 =	simm.s32 @p2 $0x1082  }
0x22: {  	[simem:s7], [sflag:s8] =	dma.local @!p0 [hbm:s6], $0xF7A  }
0x23: {  	s9 =	sor.u32 $0xD0000000, s2;
	s6 =	simm.s32 $0x108;
	_ =	swait.ge @!p0 [sflag:s8], $0x0  }
0x24: {  	s3 =	sadd.s32 $0x88, s3;
	s6 =	simm.s32 @!p1 $0x1082;
	[sflag:s4] =	ssyncset.s32 $0xFFFFF086  }
0x25: {  	[simem:s6], [sflag:s4] =	dma.local [hbm:s3], $0xF7A  }
0x26: {  	[smem:$0x3F9B] =	sst s1;
	(tag) =	ssettag s2;
	_ =	strace s9  }
0x27: {  	s1 =	sld [smem:$0x3FAB]  }
0x28: {  	s2 =	sld [smem:$0x3FAC]  }
0x29: {  	s4 =	sld [smem:$0x3FAE]  }
0x2a: {  	p0 =	seq.s32 s5, $0x0;
	s5 =	sld [smem:$0x3FAF]  }
0x2b: {  	s6 =	sld [smem:$0x3FB0]  }
0x2c: {  	s7 =	sld [smem:$0x3FB1]  }
0x2d: {  	s3 =	simm.s32 $0x108;
	s8 =	sld [smem:$0x3FB2]  }
0x2e: {  	s3 =	simm.s32 @!p0 $0x1082;
	s9 =	sld [smem:$0x3FB3]  }
0x2f: {  	lr =	sadd.s32 s0, s3;
	s0 =	sld [smem:$0x3FAA]  }
0x30: {  	s3 =	sld [smem:$0x3FAD]  }
0x31: {  	[smem:$0x3FB6] =	sst s10  }
0x32: {  	s10 =	sld [smem:$0x3FB4];
	_ =	sdelay $0x3  }
0x33: {  	p0 =	seq.s32 s10, $0x1;
	s10 =	sld [smem:$0x3FB6];
	_ =	sdelay $0x3  }
0x34: {  	[smem:$0x3FB6] =	sst s10  }
0x35: {  	s10 =	sld [smem:$0x3FB5];
	_ =	sdelay $0x3  }
0x36: {  	p1 =	seq.s32 s10, $0x1;
	s10 =	sld [smem:$0x3FB6];
	_ =	sdelay $0x3  }
0x37: {  	[smem:$0x3FB6] =	sst s10  }
0x38: {  	s10 =	sld [smem:$0x3FB7]  }
0x39: {  	_ = 	snop;
	(pc) =	sbr.ind lr, $3  }
0x3a: {  	_ = 	snop  }
0x3b: {  	_ = 	snop  }
0x3c: {  	p2 =	seq.s32 s10, $0x1;
	s10 =	sld [smem:$0x3FB6]  }
0x3d: {  	_ =	shalt  }
0x3e: {  	_ =	shalt  }
0x3f: {  	_ =	shalt  }
0x40: {  	_ =	shalt  }
0x41: {  	_ =	shalt  }
0x42: {  	_ =	shalt  }
0x43: {  	_ =	shalt  }
0x44: {  	_ =	shalt  }
0x45: {  	_ =	shalt  }
0x46: {  	_ =	shalt  }
0x47: {  	_ =	shalt  }
0x48: {  	_ =	shalt  }
0x49: {  	_ =	shalt  }
0x4a: {  	_ =	shalt  }
0x4b: {  	_ =	shalt  }
0x4c: {  	_ =	shalt  }
0x4d: {  	_ =	shalt  }
0x4e: {  	_ =	shalt  }
0x4f: {  	_ =	shalt  }
0x50: {  	_ =	shalt  }
0x51: {  	_ =	shalt  }
0x52: {  	_ =	shalt  }
0x53: {  	_ =	shalt  }
0x54: {  	_ =	shalt  }
0x55: {  	_ =	shalt  }
0x56: {  	_ =	shalt  }
0x57: {  	_ =	shalt  }
0x58: {  	_ =	shalt  }
0x59: {  	_ =	shalt  }
0x5a: {  	_ =	shalt  }
0x5b: {  	_ =	shalt  }
0x5c: {  	_ =	shalt  }
0x5d: {  	_ =	shalt  }
0x5e: {  	_ =	shalt  }
0x5f: {  	_ =	shalt  }
0x60: {  	_ =	shalt  }
0x61: {  	_ =	shalt  }
0x62: {  	_ =	shalt  }
0x63: {  	_ =	shalt  }
0x64: {  	_ =	shalt  }
0x65: {  	_ =	shalt  }
0x66: {  	_ =	shalt  }
0x67: {  	_ =	shalt  }
0x68: {  	_ =	shalt  }
0x69: {  	_ =	shalt  }
0x6a: {  	_ =	shalt  }
0x6b: {  	_ =	shalt  }
0x6c: {  	_ =	shalt  }
0x6d: {  	_ =	shalt  }
0x6e: {  	_ =	shalt  }
0x6f: {  	_ =	shalt  }
0x70: {  	_ =	shalt  }
0x71: {  	_ =	shalt  }
0x72: {  	_ =	shalt  }
0x73: {  	_ =	shalt  }
0x74: {  	_ =	shalt  }
0x75: {  	_ =	shalt  }
0x76: {  	_ =	shalt  }
0x77: {  	_ =	shalt  }
0x78: {  	_ =	shalt  }
0x79: {  	_ =	shalt  }
0x7a: {  	_ =	shalt  }
0x7b: {  	_ =	shalt  }
0x7c: {  	_ =	shalt  }
0x7d: {  	_ =	shalt  }
0x7e: {  	_ =	shalt  }
0x7f: {  	_ =	shalt  }
0x80: {  	_ =	shalt  }
0x81: {  	_ =	shalt  }
0x82: {  	_ =	shalt  }
0x83: {  	_ =	shalt  }
0x84: {  	_ =	shalt  }
0x85: {  	_ =	shalt  }
0x86: {  	_ =	shalt  }
0x87: {  	_ =	shalt  }
.Lfunc_end0:
.L_simem_size_0:
called_computation_lowered:
.L_overlay_start_0:
0x88: {  	s2 =	sld [smem:$0x3FD9]  }
0x89: {  	s3 =	sld [smem:$0x3FFE];
	_ =	sdelay $0x1  }
0x8a: {  	s1 =	srdreg.scid  }
0x8b: {  	s0 =	sand.u32 $0x1, s1  }
0x8c: {  	s17 =	sshll.u32 s0, $0xA;
	s2 =	sadd.s32 s3, s2  }
0x8d: {  	s2 =	sadd.s32 s2, s17  }
0x8e: {  	[smem:$0x3FC2] =	sst s2  }
0x8f: {  	_ = 	snop  }
0x90: {  	s2 =	sld [smem:$0x3FD0];
	(tm) =	ssettm $0x1  }
0x91: {  	s18 =	sld [smem:$0x3FFB];
	_ =	sdelay $0x3  }
0x92: {  	_ =	strace s18  }
0x93: {  	s3 =	sld [smem:$0x3FFC];
	_ =	sdelay $0x3  }
0x94: {  	_ =	strace s3  }
0x95: {  	s3 =	sld [smem:$0x3FFD];
	_ =	sdelay $0x3  }
0x96: {  	_ =	strace s3  }
0x97: {  	_ =	strace $0x8FFFFFFF  }
0x98: {  	s19 =	sld [smem:$0x3FDB];
	_ =	sdelay $0x1  }
0x99: {  	s4 =	simm.s32 $_scs_section_size  }
0x9a: {  	s5 =	simm.s32 $_size__tile_overlayer_lowered;
	s6 =	simm.s32 $_tile_overlayer_lowered  }
0x9b: {  	s22 =	simm.s32 $0x1BFF;
	s21 =	sshll.u32 s6, $0x1;
	s3 =	sadd.s32 s4, s19  }
0x9c: {  	s7 =	simm.s32 $0x0;
	s20 =	sshll.u32 s5, $0x1;
	s5 =	sadd.s32 s21, s3  }
0x9d: {  	[timem:s7], [sflag:s22] =	dma.local [hbm:s5], s20  }
0x9e: {  	_ =	swait.ge [sflag:s22], s20  }
0x9f: {  	s4 =	ssub.s32 $0x0, s20;
	[sflag:s22] =	ssyncset.done $0x0  }
0xa0: {  	[sflag:s22] =	ssyncadd.s32 s4;
	_ =	sdelay $0x1  }
0xa1: {  	s23 =	simm.s32 $0x1B8B  }
0xa2: {  	_ =	swait.ge [sflag:s23], $0x1  }
0xa3: {  	[sflag:s23] =	ssyncset.done $0x0  }
0xa4: {  	s25 =	simm.s32 $0x1B8E;
	s24 =	sld [smem:$0x3FFE];
	[sflag:s23] =	ssyncadd.s32 $0xFFFFFFFF  }
0xa5: {  	s26 =	simm.s32 $execute0_lowered;
	[smem:$0x3FD2] =	sst s25  }
0xa6: {  	s5 =	sshll.u32 s26, $0x1;
	_ =	strace $0x80000046;
	[dreg:$0x1] =	wrdreg $0xFFFFFFFF  }
0xa7: {  	s28 =	simm.s32 $_size_execute0_lowered;
	s3 =	sadd.s32 s3, s5;
	[dreg:$0x0] =	wrdreg $0x0  }
0xa8: {  	s5 =	sshll.u32 s28, $0x1;
	[dreg:$0x2] =	wrdreg s3  }
0xa9: {  	[dreg:$0x3] =	wrdreg s5  }
0xaa: {  	[dreg:$0x4] =	wrdreg $0xC0  }
0xab: {  	_ =	task [dreg:s7], $0x5FFFF  }
0xac: {  	[dreg:$0x1] =	wrdreg $0xFFFFFFFF  }
0xad: {  	[dreg:$0x0] =	wrdreg $0x60  }
0xae: {  	[dreg:$0x2] =	wrdreg s2  }
0xaf: {  	[dreg:$0x3] =	wrdreg s24  }
0xb0: {  	[dreg:$0x4] =	wrdreg $0x11000  }
0xb1: {  	[dreg:$0x5] =	wrdreg $0x9  }
0xb2: {  	_ =	task.clear_ibuf [dreg:s7], $0x6FFFF;
	_ =	strace $0x90000046  }
0xb3: {  	s29 =	simm.s32 $0x9;
	_ =	strace $0x80000048  }
0xb4: {  	_ =	swait.ge [sflag:s29], $0x1  }
0xb5: {  	[sflag:s29] =	ssyncadd.s32 $0xFFFFFFFF  }
0xb6: {  	_ =	strace $0x90000048  }
0xb7: {  	_ =	sfence  }
0xb8: {  	s30 =	sld [smem:$0x0];
	_ =	sdelay $0x2  }
0xb9: {  	s31 =	sshll.u32 s1, $0xD;
	s1 =	sshrl.u32 s1, $0x2  }
0xba: {  	s3 =	sand.u32 $0x4000, s31;
	s1 =	sadd.s32 s1, s30  }
0xbb: {  	s0 =	sor.u32 s3, s0;
	s1 =	sshll.u32 s1, $0x11  }
0xbc: {  	s0 =	sor.u32 s1, s0  }
0xbd: {  	s0 =	sadd.s32 $0x8F2B, s0  }
0xbe: {  	[sflag:s0] =	ssyncadd.remote.s32 $0x1  }
0xbf: {  	_ =	sfence.sel $0xFFFF  }
0xc0: {  	[dreg:$0x0] =	wrdreg $0xFFFFFFFF;
	(pc) =	sbr.abs _section_cstart, $3  }
0xc1: {  	[dreg:$0x1] =	wrdreg $0xFFFFFFFF  }
0xc2: {  	_ =	task.clear_ibuf [dreg:s7], $0x2FFFF;
	_ =	strace $0x9FFFFFFF  }
0xc3: {  	(tm) =	ssettm $0x7FFFFFFF  }
tec
execute0_lowered:
.L_overlay_start_1:
0x0: {  	(tag) =	ssettag $0x1  }
0x1: {  	s9 =	rddreg [dreg:$0x0]  }
0x2: {  	s5 =	rddreg [dreg:$0x1]  }
0x3: {  	s2 =	rddreg [dreg:$0x2];
	s0 =	stileid.u32  }
0x4: {  	s4 =	srdreg.scid;
	s1 =	rddreg [dreg:$0x3]  }
0x5: {  	s3 =	simm.s32 $0x0;
	s6 =	smul.u32 $0x2780, s0;
	s7 =	sand.u32 $0x1, s4  }
0x6: {  	[smem:$0x7FF] =	sst s3;
	s4 =	sadd.s32 $0x7200, s5;
	s12 =	smul.u32 $0xA000, s0  }
0x7: {  	s30 =	sshll.u32 s0, $0x6;
	s8 =	smul.u32 $0x27800, s7;
	_ =	strace $0x80000047  }
0x8: {  	s11 =	ssub.s32 $0x2, s7;
	s7 =	smul.u32 $0x5000, s7;
	s28 =	sshrl.u32 s6, $0x3  }
0x9: {  	s13 =	sshrl.u32 s11, $0x1;
	s29 =	sadd.s32 s6, s2;
	s10 =	sadd.s32 s28, s5  }
0xa: {  	s8 =	sadd.s32 s6, s8;
	s11 =	ssub.s32 s11, s13;
	s31 =	sadd.s32 s7, s12  }
0xb: {  	s6 =	sor.u32 $0x1C01, s30;
	s12 =	simm.s32 $0x100;
	s8 =	sshrl.u32 s8, $0x3  }
0xc: {  	s13 =	simm.s32 $0x0;
	s8 =	sadd.s32 s8, s5;
	s5 =	sadd.s32 $0x2200, s10  }
0xd: {  	s10 =	sshrl.u32 s31, $0x3;
	s7 =	sadd.s32 $0x7400, s8;
	s8 =	smax.u32 s11, $0x1  }
0xe: {  	s9 =	sadd.s32 s10, s9;
	s10 =	sshrl.u32 s29, $0x3;
	s11 =	simm.s32 $0x1  }
.LBB2_1:
0xf: {  	[spmem:s10], [sflag:s6] =	dma.local [hbm:s5], $0x4F0  }
0x10: {  	_ =	swait.ge [sflag:s11], $0x4F0  }
0x11: {  	[sflag:s11] =	ssyncset.done $0x0  }
0x12: {  	[sflag:s11] =	ssyncadd.s32 $0xFFFFFB10  }
0x13: {  	[tilespmem:s12], [sflag:$0x1] =	stream.linear.gather [hbm4b:s4+s3], $0x1000, $0x38;
	[tilespmem:$0x3880] =	vst v63  }
0x14: {  	_ =	swait.ge [sflag:s11], $0x1000  }
0x15: {  	[sflag:s11] =	ssyncset.done $0x0  }
0x16: {  	[sflag:s11] =	ssyncadd.s32 $0xFFFFF000  }
0x17: {  	s14 =	sadd.s32 $0x0, s9;
	[bflag:$0x0] =	sbarrier.arrive $0xFFFF  }
0x18: {  	[tilespmem:s3], [sflag:$0x1] =	stream.linear.gather [hbm4b:s14+s3], $0x100, $0x38;
	[tilespmem:$0x3880] =	vst v63  }
0x19: {  	_ =	swait.ge [sflag:s11], $0x100  }
0x1a: {  	[sflag:s11] =	ssyncset.done $0x0  }
0x1b: {  	[sflag:s11] =	ssyncadd.s32 $0xFFFFFF00  }
0x1c: {  	[spmem:s2] =	stream.indirect.scatter.add.f32 [tilespmem:s12], [sflag:$0x1], $0x10, s3, s12, $0xb8;
	[tilespmem:$0x3880] =	vst v63  }
0x1d: {  	_ =	swait.ge [sflag:s11], $0x1000  }
0x1e: {  	s15 =	simm.s32 $0x40;
	s14 =	simm.s32 $0x20;
	[sflag:s11] =	ssyncset.done $0x0  }
.LBB2_2:
0x1f: {  	s16 =	sadd.s32 s14, s9  }
0x20: {  	[sflag:s11] =	ssyncadd.s32 $0xFFFFF000;
	s14 =	smov.u32 s15;
	s17 =	sadd.s32 $0x20, s15  }
0x21: {  	[tilespmem:s3], [sflag:$0x1] =	stream.linear.gather [hbm4b:s16+s3], $0x100, $0x38;
	[tilespmem:$0x3880] =	vst v63  }
0x22: {  	p0 =	sne.s32 s15, $0x9E0;
	_ =	swait.ge [sflag:s11], $0x100  }
.Ltmp0:
0x23: {  	[sflag:s11] =	ssyncset.done $0x0;
	(pc) =	sbr.rel @p0 .LBB2_2-.Ltmp0, $4  }
0x24: {  	[sflag:s11] =	ssyncadd.s32 $0xFFFFFF00  }
0x25: {  	[spmem:s2] =	stream.indirect.scatter.add.f32 [tilespmem:s12], [sflag:$0x1], $0x10, s3, s12, $0xb8;
	[tilespmem:$0x3880] =	vst v63  }
0x26: {  	_ =	swait.ge [sflag:s11], $0x1000  }
0x27: {  	s15 =	smov.u32 s17;
	[sflag:s11] =	ssyncset.done $0x0  }
0x28: {  	s14 =	sadd.s32 s14, s9;
	[sflag:s11] =	ssyncadd.s32 $0xFFFFF000  }
0x29: {  	[tilespmem:s3], [sflag:$0x1] =	stream.linear.gather [hbm4b:s14+s3], $0x100, $0x38;
	[tilespmem:$0x3880] =	vst v63  }
0x2a: {  	_ =	swait.ge [sflag:s11], $0x100  }
0x2b: {  	[sflag:s11] =	ssyncset.done $0x0  }
0x2c: {  	[sflag:s11] =	ssyncadd.s32 $0xFFFFFF00  }
0x2d: {  	[spmem:s2] =	stream.indirect.scatter.add.f32 [tilespmem:s12], [sflag:$0x1], $0x10, s3, s12, $0xb8;
	[tilespmem:$0x3880] =	vst v63  }
0x2e: {  	_ =	swait.ge [sflag:s11], $0x1000  }
0x2f: {  	s13 =	sadd.s32 $0x1, s13;
	[sflag:s11] =	ssyncset.done $0x0  }
0x30: {  	p0 =	sne.s32 s13, s8;
	[sflag:s11] =	ssyncadd.s32 $0xFFFFF000  }
.Ltmp1:
0x31: {  	[bflag:$0x0] =	sbarrier.arrive $0xFFFF;
	(pc) =	sbr.rel @p0 .LBB2_1-.Ltmp1, $4  }
0x32: {  	[hbm:s7], [sflag:s6] =	dma.local [spmem:s10], $0x4F0  }
0x33: {  	_ =	swait.ge [sflag:s11], $0x4F0  }
0x34: {  	[sflag:s11] =	ssyncset.done $0x0  }
0x35: {  	[sflag:s11] =	ssyncadd.s32 $0xFFFFFB10  }
0x36: {  	_ =	sfence.sel $0x180000  }
0x37: {  	[bflag:$0x0] =	sbarrier.arrive $0xFFFF  }
0x38: {  	p0 =	sne.s32 s0, $0x0;
	_ =	strace $0x90000047  }
0x39: {  	s0 =	sadd.s32 @!p0 $0x100000, s1;
	[bflag:$0x2] =	sbarrier.arrive $0xFFFF  }
0x3a: {  	[sflag:s0] =	ssyncadd.tile.s32 @!p0 $0x1;
	_ =	shalt  }
.Lfunc_end2:
_tile_overlayer_lowered:
.L_overlay_start_2:
0x3b: {  	(tag) =	ssettag $0x2  }
0x3c: {  	s0 =	rddreg [dreg:$0x0];
	s2 =	stileid.u32  }
0x3d: {  	s1 =	rddreg [dreg:$0x1];
	p0 =	sne.s32 s2, $0x0  }
0x3e: {  	s3 =	rddreg [dreg:$0x2];
	[bflag:$0x3] =	sbarrier.arrive $0xFFFF;
	s2 =	simm.s32 @!p0 $0x1C01  }
0x3f: {  	[timem:s3], [sflag:s2] =	dma.local @!p0 [hbm:s0], s1  }
0x40: {  	s0 =	simm.s32 @!p0 $0x1  }
0x41: {  	_ =	swait.ge @!p0 [sflag:s0], s1  }
0x42: {  	s1 =	ssub.s32 @!p0 $0x0, s1;
	[sflag:s0] =	ssyncset.done @!p0 $0x0  }
0x43: {  	[sflag:s0] =	ssyncadd.s32 @!p0 s1  }
0x44: {  	[bflag:$0x3] =	sbarrier.arrive $0xFFFF  }
0x45: {  	_ =	shalt  }

</sc_bundles>
